<compile_context>
chip_gen: v7x
topology: tpu7x:2x2x1
jax: 0.10.2.dev20260603
libtpu: 0.0.44.dev20260713+nightly
codegen_flags: <defaults>
</compile_context>

<pallas_src>
import jax
import jax.numpy as jnp
from jax import lax
from jax.experimental import pallas as pl
from jax.experimental.pallas import tpu as pltpu
from jax.experimental.pallas import tpu_sc as plsc

_NUM_CORES = 2
_NUM_SUBCORES = 16
_NW = _NUM_CORES * _NUM_SUBCORES
_LANES = 16
_CHUNK = 128
_NBUF = 7
_PRE = 4


def _make_gather(N, R, K, D):
    b_per_w = K * N // _NW
    n_vec = b_per_w // _LANES
    sizes = []
    rem = b_per_w
    while rem:
        c = min(_CHUNK, rem)
        sizes.append(c)
        rem -= c
    offs = [sum(sizes[:i]) for i in range(len(sizes))]
    n_chunks = len(sizes)

    mesh = plsc.VectorSubcoreMesh(
        core_axis_name="c",
        subcore_axis_name="s",
        num_cores=_NUM_CORES,
        num_subcores=_NUM_SUBCORES,
    )

    def body(table_hbm, idx_hbm, out_hbm, idx_v, gidx_v, bufs, sems):
        wid = lax.axis_index("s") * _NUM_CORES + lax.axis_index("c")
        base = wid * b_per_w

        pltpu.sync_copy(idx_hbm.at[pl.ds(base, b_per_w)], idx_v)

        lanes = lax.iota(jnp.int32, _LANES)
        c_n = jnp.full((_LANES,), N, jnp.int32)
        c_r = jnp.full((_LANES,), R, jnp.int32)
        for j in range(n_vec):
            p = lanes + jnp.full((_LANES,), base + j * _LANES, jnp.int32)
            n = p - lax.div(p, c_n) * c_n
            gidx_v[pl.ds(j * _LANES, _LANES)] = (
                idx_v[pl.ds(j * _LANES, _LANES)] + n * c_r
            )

        gathers = [None] * n_chunks
        writes = [None] * n_chunks

        def start_gather(c):
            s = c % _NBUF
            gathers[c] = pltpu.async_copy(
                table_hbm.at[gidx_v.at[pl.ds(offs[c], sizes[c])]],
                bufs[s].at[pl.ds(0, sizes[c])],
                sems[s],
            )

        for b in range(min(_PRE, n_chunks)):
            start_gather(b)
        waited = set()
        for c in range(n_chunks):
            nxt = c + _PRE
            if nxt < n_chunks:
                if nxt >= _NBUF:
                    writes[nxt - _NBUF].wait()
                    waited.add(nxt - _NBUF)
                start_gather(nxt)
            gathers[c].wait()
            writes[c] = pltpu.async_copy(
                bufs[c % _NBUF].at[pl.ds(0, sizes[c])],
                out_hbm.at[pl.ds(base + offs[c], sizes[c])],
                sems[_NBUF + c % _NBUF],
            )
        for c in range(n_chunks):
            if c not in waited:
                writes[c].wait()

    return pl.kernel(
        body,
        out_type=jax.ShapeDtypeStruct((K * N, D), jnp.float32),
        mesh=mesh,
        scratch_types=[
            pltpu.VMEM((b_per_w,), jnp.int32),
            pltpu.VMEM((b_per_w,), jnp.int32),
            [pltpu.VMEM((_CHUNK, D), jnp.float32) for _ in range(_NBUF)],
            [pltpu.SemaphoreType.DMA for _ in range(2 * _NBUF)],
        ],
    )


def kernel(input_tensor, indices):
    N, R, D = input_tensor.shape
    K = indices.shape[1]
    assert (K * N) % _NW == 0 and (K * N // _NW) % _LANES == 0

    table = input_tensor.reshape(N * R, D)
    idx_t = indices.T.reshape(K * N).astype(jnp.int32)
    out = _make_gather(N, R, K, D)(table, idx_t)
    return out.reshape(K, N, D).transpose(1, 0, 2)

# --- scband reference (transcript-rebuilt; emitter-appended) ---
"""Pipeline reference for scband-gather-58729382805988 (READ-ONLY COPY).

The authoritative reference and input builder live on the scoring server;
editing this copy changes nothing except your own understanding.
"""

import jax, jax.numpy as jnp
import numpy as np


def setup_inputs(seed: int = 0) -> dict:
    key = jax.random.key(seed)
    k1, k2 = jax.random.split(key)
    input_tensor = jax.random.normal(k1, (1024, 200, 128), dtype=jnp.float32)
    indices = jax.random.randint(k2, (1024, 50), 0, 200, dtype=jnp.int64)
    return {"input_tensor": input_tensor, "indices": indices}


def reference(input_tensor, indices):
    # Gather with axis=1 (internal axis=0 after batch-dim removal):
    # out[n, k, :] = input_tensor[n, indices[n, k], :]
    # Equivalent to torch.stack([torch.index_select(input_tensor[i], 0, indices[i]) for i in range(N)])
    return jnp.take_along_axis(input_tensor, indices[:, :, None], axis=1)

if __name__ == "__main__":
    import jax
    _d = setup_inputs()
    print(jax.jit(kernel)(*tuple(_d.values())))

</pallas_src>

<mosaic_0001>
#map = affine_map<(d0, d1) -> (0, 0)>
#map1 = affine_map<(d0, d1) -> (0)>
module attributes {stable_mosaic.version = 14 : i64} {
  func.func @body(%arg0: i32, %arg1: i32, %arg2: memref<204800x128xf32, #tpu.memory_space<hbm>>, %arg3: memref<51200xi32, #tpu.memory_space<hbm>>, %arg4: memref<51200x128xf32, #tpu.memory_space<hbm>>, %arg5: memref<1600xi32, #tpu.memory_space<vmem>>, %arg6: memref<1600xi32, #tpu.memory_space<vmem>>, %arg7: memref<128x128xf32, #tpu.memory_space<vmem>>, %arg8: memref<128x128xf32, #tpu.memory_space<vmem>>, %arg9: memref<128x128xf32, #tpu.memory_space<vmem>>, %arg10: memref<128x128xf32, #tpu.memory_space<vmem>>, %arg11: memref<128x128xf32, #tpu.memory_space<vmem>>, %arg12: memref<128x128xf32, #tpu.memory_space<vmem>>, %arg13: memref<128x128xf32, #tpu.memory_space<vmem>>, %arg14: memref<!tpu.dma_semaphore, #tpu.memory_space<semaphore_mem>>, %arg15: memref<!tpu.dma_semaphore, #tpu.memory_space<semaphore_mem>>, %arg16: memref<!tpu.dma_semaphore, #tpu.memory_space<semaphore_mem>>, %arg17: memref<!tpu.dma_semaphore, #tpu.memory_space<semaphore_mem>>, %arg18: memref<!tpu.dma_semaphore, #tpu.memory_space<semaphore_mem>>, %arg19: memref<!tpu.dma_semaphore, #tpu.memory_space<semaphore_mem>>, %arg20: memref<!tpu.dma_semaphore, #tpu.memory_space<semaphore_mem>>, %arg21: memref<!tpu.dma_semaphore, #tpu.memory_space<semaphore_mem>>, %arg22: memref<!tpu.dma_semaphore, #tpu.memory_space<semaphore_mem>>, %arg23: memref<!tpu.dma_semaphore, #tpu.memory_space<semaphore_mem>>, %arg24: memref<!tpu.dma_semaphore, #tpu.memory_space<semaphore_mem>>, %arg25: memref<!tpu.dma_semaphore, #tpu.memory_space<semaphore_mem>>, %arg26: memref<!tpu.dma_semaphore, #tpu.memory_space<semaphore_mem>>, %arg27: memref<!tpu.dma_semaphore, #tpu.memory_space<semaphore_mem>>) attributes {dimension_semantics = [#tpu.dimension_semantics<core_parallel>, #tpu.dimension_semantics<subcore_parallel>], iteration_bounds = array<i64: 2, 16>, scalar_prefetch = 0 : i64, scratch_operands = 23 : i64, tpu.core_type = #tpu.core_type<sc_vector_subcore>, window_params = [{transform_indices = #map}, {transform_indices = #map1}, {transform_indices = #map}]} {
    %mul3A = arith.constant 2 : i32
    %mul3A_0 = arith.muli %arg1, %mul3A : i32
    %add3A = arith.addi %mul3A_0, %arg0 : i32
    %mul3A_1 = arith.constant 1600 : i32
    %mul3A_2 = arith.muli %add3A, %mul3A_1 : i32
    "tpu.region"() ({
      %run_scoped3A = tpu.sem_alloc : memref<!tpu.dma_semaphore, #tpu.memory_space<semaphore_mem>>
      %dma_start3A_2094 = tpu.memref_slice %arg3[%mul3A_2] : memref<51200xi32, #tpu.memory_space<hbm>> -> memref<1600xi32, #tpu.memory_space<hbm>>
      %dma_start3A_2095 = tpu.memref_slice %arg3[%mul3A_2] : memref<51200xi32, #tpu.memory_space<hbm>> -> memref<1600xi32, #tpu.memory_space<hbm>>
      tpu.enqueue_dma source(%dma_start3A_2095 : memref<1600xi32, #tpu.memory_space<hbm>>) target(%arg5 : memref<1600xi32, #tpu.memory_space<vmem>>) target_semaphore(%run_scoped3A : memref<!tpu.dma_semaphore, #tpu.memory_space<semaphore_mem>>)
      %dma_wait3A_2096 = tpu.memref_slice %arg3[%mul3A_2] : memref<51200xi32, #tpu.memory_space<hbm>> -> memref<1600xi32, #tpu.memory_space<hbm>>
      %dma_wait3A_2097 = tpu.memref_slice %arg3[%mul3A_2] : memref<51200xi32, #tpu.memory_space<hbm>> -> memref<1600xi32, #tpu.memory_space<hbm>>
      tpu.wait_dma2 semaphore(%run_scoped3A : memref<!tpu.dma_semaphore, #tpu.memory_space<semaphore_mem>>) src(%dma_wait3A_2097 : memref<1600xi32, #tpu.memory_space<hbm>>) dst(%arg5 : memref<1600xi32, #tpu.memory_space<vmem>>)
      tpu.yield
    }) : () -> ()
    %iota3A = tpu.iota {dimensions = array<i32: 0>} : vector<16xi32>
    %broadcast_in_dim3A = arith.constant 1024 : i32
    %broadcast_in_dim3A_3 = vector.broadcast %broadcast_in_dim3A : i32 to vector<16xi32>
    %broadcast_in_dim3A_4 = arith.constant 200 : i32
    %broadcast_in_dim3A_5 = vector.broadcast %broadcast_in_dim3A_4 : i32 to vector<16xi32>
    %add3A_6 = arith.constant 0 : i32
    %add3A_7 = arith.addi %mul3A_2, %add3A_6 : i32
    %broadcast_in_dim3A_8 = vector.broadcast %add3A_7 : i32 to vector<16xi32>
    %add3A_9 = arith.addi %iota3A, %broadcast_in_dim3A_8 : vector<16xi32>
    %div3A = arith.divsi %add3A_9, %broadcast_in_dim3A_3 : vector<16xi32>
    %mul3A_10 = arith.muli %div3A, %broadcast_in_dim3A_3 : vector<16xi32>
    %sub3A = arith.subi %add3A_9, %mul3A_10 : vector<16xi32>
    %get3A = arith.constant 0 : index
    %get3A_11 = tpu.vector_load %arg5[%get3A] {strides = array<i32>} : memref<1600xi32, #tpu.memory_space<vmem>>, vector<16xi32>,
    %get3A_12 = vector.shape_cast %get3A_11 : vector<16xi32> to vector<16xi32>
    %mul3A_13 = arith.muli %sub3A, %broadcast_in_dim3A_5 : vector<16xi32>
    %add3A_14 = arith.addi %get3A_12, %mul3A_13 : vector<16xi32>
    %swap3A = arith.constant 0 : index
    %swap3A_15 = tpu.vector_load %arg6[%swap3A] {strides = array<i32>} : memref<1600xi32, #tpu.memory_space<vmem>>, vector<16xi32>,
    %swap3A_16 = vector.shape_cast %swap3A_15 : vector<16xi32> to vector<16xi32>
    %swap3A_17 = vector.shape_cast %add3A_14 : vector<16xi32> to vector<16xi32>
    tpu.vector_store %arg6[%swap3A], %swap3A_17 {strides = array<i32>} : memref<1600xi32, #tpu.memory_space<vmem>>, vector<16xi32>,
    %add3A_18 = arith.constant 16 : i32
    %add3A_19 = arith.addi %mul3A_2, %add3A_18 : i32
    %broadcast_in_dim3A_20 = vector.broadcast %add3A_19 : i32 to vector<16xi32>
    %add3A_21 = arith.addi %iota3A, %broadcast_in_dim3A_20 : vector<16xi32>
    %div3A_22 = arith.divsi %add3A_21, %broadcast_in_dim3A_3 : vector<16xi32>
    %mul3A_23 = arith.muli %div3A_22, %broadcast_in_dim3A_3 : vector<16xi32>
    %sub3A_24 = arith.subi %add3A_21, %mul3A_23 : vector<16xi32>
    %get3A_25 = arith.constant 16 : index
    %get3A_26 = tpu.vector_load %arg5[%get3A_25] {strides = array<i32>} : memref<1600xi32, #tpu.memory_space<vmem>>, vector<16xi32>,
    %get3A_27 = vector.shape_cast %get3A_26 : vector<16xi32> to vector<16xi32>
    %mul3A_28 = arith.muli %sub3A_24, %broadcast_in_dim3A_5 : vector<16xi32>
    %add3A_29 = arith.addi %get3A_27, %mul3A_28 : vector<16xi32>
    %swap3A_30 = arith.constant 16 : index
    %swap3A_31 = tpu.vector_load %arg6[%swap3A_30] {strides = array<i32>} : memref<1600xi32, #tpu.memory_space<vmem>>, vector<16xi32>,
    %swap3A_32 = vector.shape_cast %swap3A_31 : vector<16xi32> to vector<16xi32>
    %swap3A_33 = vector.shape_cast %add3A_29 : vector<16xi32> to vector<16xi32>
    tpu.vector_store %arg6[%swap3A_30], %swap3A_33 {strides = array<i32>} : memref<1600xi32, #tpu.memory_space<vmem>>, vector<16xi32>,
    %add3A_34 = arith.constant 32 : i32
    %add3A_35 = arith.addi %mul3A_2, %add3A_34 : i32
    %broadcast_in_dim3A_36 = vector.broadcast %add3A_35 : i32 to vector<16xi32>
    %add3A_37 = arith.addi %iota3A, %broadcast_in_dim3A_36 : vector<16xi32>
    %div3A_38 = arith.divsi %add3A_37, %broadcast_in_dim3A_3 : vector<16xi32>
    %mul3A_39 = arith.muli %div3A_38, %broadcast_in_dim3A_3 : vector<16xi32>
    %sub3A_40 = arith.subi %add3A_37, %mul3A_39 : vector<16xi32>
    %get3A_41 = arith.constant 32 : index
    %get3A_42 = tpu.vector_load %arg5[%get3A_41] {strides = array<i32>} : memref<1600xi32, #tpu.memory_space<vmem>>, vector<16xi32>,
    %get3A_43 = vector.shape_cast %get3A_42 : vector<16xi32> to vector<16xi32>
    %mul3A_44 = arith.muli %sub3A_40, %broadcast_in_dim3A_5 : vector<16xi32>
    %add3A_45 = arith.addi %get3A_43, %mul3A_44 : vector<16xi32>
    %swap3A_46 = arith.constant 32 : index
    %swap3A_47 = tpu.vector_load %arg6[%swap3A_46] {strides = array<i32>} : memref<1600xi32, #tpu.memory_space<vmem>>, vector<16xi32>,
    %swap3A_48 = vector.shape_cast %swap3A_47 : vector<16xi32> to vector<16xi32>
    %swap3A_49 = vector.shape_cast %add3A_45 : vector<16xi32> to vector<16xi32>
    tpu.vector_store %arg6[%swap3A_46], %swap3A_49 {strides = array<i32>} : memref<1600xi32, #tpu.memory_space<vmem>>, vector<16xi32>,
    %add3A_50 = arith.constant 48 : i32
    %add3A_51 = arith.addi %mul3A_2, %add3A_50 : i32
    %broadcast_in_dim3A_52 = vector.broadcast %add3A_51 : i32 to vector<16xi32>
    %add3A_53 = arith.addi %iota3A, %broadcast_in_dim3A_52 : vector<16xi32>
    %div3A_54 = arith.divsi %add3A_53, %broadcast_in_dim3A_3 : vector<16xi32>
    %mul3A_55 = arith.muli %div3A_54, %broadcast_in_dim3A_3 : vector<16xi32>
    %sub3A_56 = arith.subi %add3A_53, %mul3A_55 : vector<16xi32>
    %get3A_57 = arith.constant 48 : index
    %get3A_58 = tpu.vector_load %arg5[%get3A_57] {strides = array<i32>} : memref<1600xi32, #tpu.memory_space<vmem>>, vector<16xi32>,
    %get3A_59 = vector.shape_cast %get3A_58 : vector<16xi32> to vector<16xi32>
    %mul3A_60 = arith.muli %sub3A_56, %broadcast_in_dim3A_5 : vector<16xi32>
    %add3A_61 = arith.addi %get3A_59, %mul3A_60 : vector<16xi32>
    %swap3A_62 = arith.constant 48 : index
    %swap3A_63 = tpu.vector_load %arg6[%swap3A_62] {strides = array<i32>} : memref<1600xi32, #tpu.memory_space<vmem>>, vector<16xi32>,
    %swap3A_64 = vector.shape_cast %swap3A_63 : vector<16xi32> to vector<16xi32>
    %swap3A_65 = vector.shape_cast %add3A_61 : vector<16xi32> to vector<16xi32>
    tpu.vector_store %arg6[%swap3A_62], %swap3A_65 {strides = array<i32>} : memref<1600xi32, #tpu.memory_space<vmem>>, vector<16xi32>,
    %add3A_66 = arith.constant 64 : i32
    %add3A_67 = arith.addi %mul3A_2, %add3A_66 : i32
    %broadcast_in_dim3A_68 = vector.broadcast %add3A_67 : i32 to vector<16xi32>
    %add3A_69 = arith.addi %iota3A, %broadcast_in_dim3A_68 : vector<16xi32>
    %div3A_70 = arith.divsi %add3A_69, %broadcast_in_dim3A_3 : vector<16xi32>
    %mul3A_71 = arith.muli %div3A_70, %broadcast_in_dim3A_3 : vector<16xi32>
    %sub3A_72 = arith.subi %add3A_69, %mul3A_71 : vector<16xi32>
    %get3A_73 = arith.constant 64 : index
    %get3A_74 = tpu.vector_load %arg5[%get3A_73] {strides = array<i32>} : memref<1600xi32, #tpu.memory_space<vmem>>, vector<16xi32>,
    %get3A_75 = vector.shape_cast %get3A_74 : vector<16xi32> to vector<16xi32>
    %mul3A_76 = arith.muli %sub3A_72, %broadcast_in_dim3A_5 : vector<16xi32>
    %add3A_77 = arith.addi %get3A_75, %mul3A_76 : vector<16xi32>
    %swap3A_78 = arith.constant 64 : index
    %swap3A_79 = tpu.vector_load %arg6[%swap3A_78] {strides = array<i32>} : memref<1600xi32, #tpu.memory_space<vmem>>, vector<16xi32>,
    %swap3A_80 = vector.shape_cast %swap3A_79 : vector<16xi32> to vector<16xi32>
    %swap3A_81 = vector.shape_cast %add3A_77 : vector<16xi32> to vector<16xi32>
    tpu.vector_store %arg6[%swap3A_78], %swap3A_81 {strides = array<i32>} : memref<1600xi32, #tpu.memory_space<vmem>>, vector<16xi32>,
    %add3A_82 = arith.constant 80 : i32
    %add3A_83 = arith.addi %mul3A_2, %add3A_82 : i32
    %broadcast_in_dim3A_84 = vector.broadcast %add3A_83 : i32 to vector<16xi32>
    %add3A_85 = arith.addi %iota3A, %broadcast_in_dim3A_84 : vector<16xi32>
    %div3A_86 = arith.divsi %add3A_85, %broadcast_in_dim3A_3 : vector<16xi32>
    %mul3A_87 = arith.muli %div3A_86, %broadcast_in_dim3A_3 : vector<16xi32>
    %sub3A_88 = arith.subi %add3A_85, %mul3A_87 : vector<16xi32>
    %get3A_89 = arith.constant 80 : index
    %get3A_90 = tpu.vector_load %arg5[%get3A_89] {strides = array<i32>} : memref<1600xi32, #tpu.memory_space<vmem>>, vector<16xi32>,
    %get3A_91 = vector.shape_cast %get3A_90 : vector<16xi32> to vector<16xi32>
    %mul3A_92 = arith.muli %sub3A_88, %broadcast_in_dim3A_5 : vector<16xi32>
    %add3A_93 = arith.addi %get3A_91, %mul3A_92 : vector<16xi32>
    %swap3A_94 = arith.constant 80 : index
    %swap3A_95 = tpu.vector_load %arg6[%swap3A_94] {strides = array<i32>} : memref<1600xi32, #tpu.memory_space<vmem>>, vector<16xi32>,
    %swap3A_96 = vector.shape_cast %swap3A_95 : vector<16xi32> to vector<16xi32>
    %swap3A_97 = vector.shape_cast %add3A_93 : vector<16xi32> to vector<16xi32>
    tpu.vector_store %arg6[%swap3A_94], %swap3A_97 {strides = array<i32>} : memref<1600xi32, #tpu.memory_space<vmem>>, vector<16xi32>,
    %add3A_98 = arith.constant 96 : i32
    %add3A_99 = arith.addi %mul3A_2, %add3A_98 : i32
    %broadcast_in_dim3A_100 = vector.broadcast %add3A_99 : i32 to vector<16xi32>
    %add3A_101 = arith.addi %iota3A, %broadcast_in_dim3A_100 : vector<16xi32>
    %div3A_102 = arith.divsi %add3A_101, %broadcast_in_dim3A_3 : vector<16xi32>
    %mul3A_103 = arith.muli %div3A_102, %broadcast_in_dim3A_3 : vector<16xi32>
    %sub3A_104 = arith.subi %add3A_101, %mul3A_103 : vector<16xi32>
    %get3A_105 = arith.constant 96 : index
    %get3A_106 = tpu.vector_load %arg5[%get3A_105] {strides = array<i32>} : memref<1600xi32, #tpu.memory_space<vmem>>, vector<16xi32>,
    %get3A_107 = vector.shape_cast %get3A_106 : vector<16xi32> to vector<16xi32>
    %mul3A_108 = arith.muli %sub3A_104, %broadcast_in_dim3A_5 : vector<16xi32>
    %add3A_109 = arith.addi %get3A_107, %mul3A_108 : vector<16xi32>
    %swap3A_110 = arith.constant 96 : index
    %swap3A_111 = tpu.vector_load %arg6[%swap3A_110] {strides = array<i32>} : memref<1600xi32, #tpu.memory_space<vmem>>, vector<16xi32>,
    %swap3A_112 = vector.shape_cast %swap3A_111 : vector<16xi32> to vector<16xi32>
    %swap3A_113 = vector.shape_cast %add3A_109 : vector<16xi32> to vector<16xi32>
    tpu.vector_store %arg6[%swap3A_110], %swap3A_113 {strides = array<i32>} : memref<1600xi32, #tpu.memory_space<vmem>>, vector<16xi32>,
    %add3A_114 = arith.constant 112 : i32
    %add3A_115 = arith.addi %mul3A_2, %add3A_114 : i32
    %broadcast_in_dim3A_116 = vector.broadcast %add3A_115 : i32 to vector<16xi32>
    %add3A_117 = arith.addi %iota3A, %broadcast_in_dim3A_116 : vector<16xi32>
    %div3A_118 = arith.divsi %add3A_117, %broadcast_in_dim3A_3 : vector<16xi32>
    %mul3A_119 = arith.muli %div3A_118, %broadcast_in_dim3A_3 : vector<16xi32>
    %sub3A_120 = arith.subi %add3A_117, %mul3A_119 : vector<16xi32>
    %get3A_121 = arith.constant 112 : index
    %get3A_122 = tpu.vector_load %arg5[%get3A_121] {strides = array<i32>} : memref<1600xi32, #tpu.memory_space<vmem>>, vector<16xi32>,
    %get3A_123 = vector.shape_cast %get3A_122 : vector<16xi32> to vector<16xi32>
    %mul3A_124 = arith.muli %sub3A_120, %broadcast_in_dim3A_5 : vector<16xi32>
    %add3A_125 = arith.addi %get3A_123, %mul3A_124 : vector<16xi32>
    %swap3A_126 = arith.constant 112 : index
    %swap3A_127 = tpu.vector_load %arg6[%swap3A_126] {strides = array<i32>} : memref<1600xi32, #tpu.memory_space<vmem>>, vector<16xi32>,
    %swap3A_128 = vector.shape_cast %swap3A_127 : vector<16xi32> to vector<16xi32>
    %swap3A_129 = vector.shape_cast %add3A_125 : vector<16xi32> to vector<16xi32>
    tpu.vector_store %arg6[%swap3A_126], %swap3A_129 {strides = array<i32>} : memref<1600xi32, #tpu.memory_space<vmem>>, vector<16xi32>,
    %add3A_130 = arith.constant 128 : i32
    %add3A_131 = arith.addi %mul3A_2, %add3A_130 : i32
    %broadcast_in_dim3A_132 = vector.broadcast %add3A_131 : i32 to vector<16xi32>
    %add3A_133 = arith.addi %iota3A, %broadcast_in_dim3A_132 : vector<16xi32>
    %div3A_134 = arith.divsi %add3A_133, %broadcast_in_dim3A_3 : vector<16xi32>
    %mul3A_135 = arith.muli %div3A_134, %broadcast_in_dim3A_3 : vector<16xi32>
    %sub3A_136 = arith.subi %add3A_133, %mul3A_135 : vector<16xi32>
    %get3A_137 = arith.constant 128 : index
    %get3A_138 = tpu.vector_load %arg5[%get3A_137] {strides = array<i32>} : memref<1600xi32, #tpu.memory_space<vmem>>, vector<16xi32>,
    %get3A_139 = vector.shape_cast %get3A_138 : vector<16xi32> to vector<16xi32>
    %mul3A_140 = arith.muli %sub3A_136, %broadcast_in_dim3A_5 : vector<16xi32>
    %add3A_141 = arith.addi %get3A_139, %mul3A_140 : vector<16xi32>
    %swap3A_142 = arith.constant 128 : index
    %swap3A_143 = tpu.vector_load %arg6[%swap3A_142] {strides = array<i32>} : memref<1600xi32, #tpu.memory_space<vmem>>, vector<16xi32>,
    %swap3A_144 = vector.shape_cast %swap3A_143 : vector<16xi32> to vector<16xi32>
    %swap3A_145 = vector.shape_cast %add3A_141 : vector<16xi32> to vector<16xi32>
    tpu.vector_store %arg6[%swap3A_142], %swap3A_145 {strides = array<i32>} : memref<1600xi32, #tpu.memory_space<vmem>>, vector<16xi32>,
    %add3A_146 = arith.constant 144 : i32
    %add3A_147 = arith.addi %mul3A_2, %add3A_146 : i32
    %broadcast_in_dim3A_148 = vector.broadcast %add3A_147 : i32 to vector<16xi32>
    %add3A_149 = arith.addi %iota3A, %broadcast_in_dim3A_148 : vector<16xi32>
    %div3A_150 = arith.divsi %add3A_149, %broadcast_in_dim3A_3 : vector<16xi32>
    %mul3A_151 = arith.muli %div3A_150, %broadcast_in_dim3A_3 : vector<16xi32>
    %sub3A_152 = arith.subi %add3A_149, %mul3A_151 : vector<16xi32>
    %get3A_153 = arith.constant 144 : index
    %get3A_154 = tpu.vector_load %arg5[%get3A_153] {strides = array<i32>} : memref<1600xi32, #tpu.memory_space<vmem>>, vector<16xi32>,
    %get3A_155 = vector.shape_cast %get3A_154 : vector<16xi32> to vector<16xi32>
    %mul3A_156 = arith.muli %sub3A_152, %broadcast_in_dim3A_5 : vector<16xi32>
    %add3A_157 = arith.addi %get3A_155, %mul3A_156 : vector<16xi32>
    %swap3A_158 = arith.constant 144 : index
    %swap3A_159 = tpu.vector_load %arg6[%swap3A_158] {strides = array<i32>} : memref<1600xi32, #tpu.memory_space<vmem>>, vector<16xi32>,
    %swap3A_160 = vector.shape_cast %swap3A_159 : vector<16xi32> to vector<16xi32>
    %swap3A_161 = vector.shape_cast %add3A_157 : vector<16xi32> to vector<16xi32>
    tpu.vector_store %arg6[%swap3A_158], %swap3A_161 {strides = array<i32>} : memref<1600xi32, #tpu.memory_space<vmem>>, vector<16xi32>,
    %add3A_162 = arith.constant 160 : i32
    %add3A_163 = arith.addi %mul3A_2, %add3A_162 : i32
    %broadcast_in_dim3A_164 = vector.broadcast %add3A_163 : i32 to vector<16xi32>
    %add3A_165 = arith.addi %iota3A, %broadcast_in_dim3A_164 : vector<16xi32>
    %div3A_166 = arith.divsi %add3A_165, %broadcast_in_dim3A_3 : vector<16xi32>
    %mul3A_167 = arith.muli %div3A_166, %broadcast_in_dim3A_3 : vector<16xi32>
    %sub3A_168 = arith.subi %add3A_165, %mul3A_167 : vector<16xi32>
    %get3A_169 = arith.constant 160 : index
    %get3A_170 = tpu.vector_load %arg5[%get3A_169] {strides = array<i32>} : memref<1600xi32, #tpu.memory_space<vmem>>, vector<16xi32>,
    %get3A_171 = vector.shape_cast %get3A_170 : vector<16xi32> to vector<16xi32>
    %mul3A_172 = arith.muli %sub3A_168, %broadcast_in_dim3A_5 : vector<16xi32>
    %add3A_173 = arith.addi %get3A_171, %mul3A_172 : vector<16xi32>
    %swap3A_174 = arith.constant 160 : index
    %swap3A_175 = tpu.vector_load %arg6[%swap3A_174] {strides = array<i32>} : memref<1600xi32, #tpu.memory_space<vmem>>, vector<16xi32>,
    %swap3A_176 = vector.shape_cast %swap3A_175 : vector<16xi32> to vector<16xi32>
    %swap3A_177 = vector.shape_cast %add3A_173 : vector<16xi32> to vector<16xi32>
    tpu.vector_store %arg6[%swap3A_174], %swap3A_177 {strides = array<i32>} : memref<1600xi32, #tpu.memory_space<vmem>>, vector<16xi32>,
    %add3A_178 = arith.constant 176 : i32
    %add3A_179 = arith.addi %mul3A_2, %add3A_178 : i32
    %broadcast_in_dim3A_180 = vector.broadcast %add3A_179 : i32 to vector<16xi32>
    %add3A_181 = arith.addi %iota3A, %broadcast_in_dim3A_180 : vector<16xi32>
    %div3A_182 = arith.divsi %add3A_181, %broadcast_in_dim3A_3 : vector<16xi32>
    %mul3A_183 = arith.muli %div3A_182, %broadcast_in_dim3A_3 : vector<16xi32>
    %sub3A_184 = arith.subi %add3A_181, %mul3A_183 : vector<16xi32>
    %get3A_185 = arith.constant 176 : index
    %get3A_186 = tpu.vector_load %arg5[%get3A_185] {strides = array<i32>} : memref<1600xi32, #tpu.memory_space<vmem>>, vector<16xi32>,
    %get3A_187 = vector.shape_cast %get3A_186 : vector<16xi32> to vector<16xi32>
    %mul3A_188 = arith.muli %sub3A_184, %broadcast_in_dim3A_5 : vector<16xi32>
    %add3A_189 = arith.addi %get3A_187, %mul3A_188 : vector<16xi32>
    %swap3A_190 = arith.constant 176 : index
    %swap3A_191 = tpu.vector_load %arg6[%swap3A_190] {strides = array<i32>} : memref<1600xi32, #tpu.memory_space<vmem>>, vector<16xi32>,
    %swap3A_192 = vector.shape_cast %swap3A_191 : vector<16xi32> to vector<16xi32>
    %swap3A_193 = vector.shape_cast %add3A_189 : vector<16xi32> to vector<16xi32>
    tpu.vector_store %arg6[%swap3A_190], %swap3A_193 {strides = array<i32>} : memref<1600xi32, #tpu.memory_space<vmem>>, vector<16xi32>,
    %add3A_194 = arith.constant 192 : i32
    %add3A_195 = arith.addi %mul3A_2, %add3A_194 : i32
    %broadcast_in_dim3A_196 = vector.broadcast %add3A_195 : i32 to vector<16xi32>
    %add3A_197 = arith.addi %iota3A, %broadcast_in_dim3A_196 : vector<16xi32>
    %div3A_198 = arith.divsi %add3A_197, %broadcast_in_dim3A_3 : vector<16xi32>
    %mul3A_199 = arith.muli %div3A_198, %broadcast_in_dim3A_3 : vector<16xi32>
    %sub3A_200 = arith.subi %add3A_197, %mul3A_199 : vector<16xi32>
    %get3A_201 = arith.constant 192 : index
    %get3A_202 = tpu.vector_load %arg5[%get3A_201] {strides = array<i32>} : memref<1600xi32, #tpu.memory_space<vmem>>, vector<16xi32>,
    %get3A_203 = vector.shape_cast %get3A_202 : vector<16xi32> to vector<16xi32>
    %mul3A_204 = arith.muli %sub3A_200, %broadcast_in_dim3A_5 : vector<16xi32>
    %add3A_205 = arith.addi %get3A_203, %mul3A_204 : vector<16xi32>
    %swap3A_206 = arith.constant 192 : index
    %swap3A_207 = tpu.vector_load %arg6[%swap3A_206] {strides = array<i32>} : memref<1600xi32, #tpu.memory_space<vmem>>, vector<16xi32>,
    %swap3A_208 = vector.shape_cast %swap3A_207 : vector<16xi32> to vector<16xi32>
    %swap3A_209 = vector.shape_cast %add3A_205 : vector<16xi32> to vector<16xi32>
    tpu.vector_store %arg6[%swap3A_206], %swap3A_209 {strides = array<i32>} : memref<1600xi32, #tpu.memory_space<vmem>>, vector<16xi32>,
    %add3A_210 = arith.constant 208 : i32
    %add3A_211 = arith.addi %mul3A_2, %add3A_210 : i32
    %broadcast_in_dim3A_212 = vector.broadcast %add3A_211 : i32 to vector<16xi32>
    %add3A_213 = arith.addi %iota3A, %broadcast_in_dim3A_212 : vector<16xi32>
    %div3A_214 = arith.divsi %add3A_213, %broadcast_in_dim3A_3 : vector<16xi32>
    %mul3A_215 = arith.muli %div3A_214, %broadcast_in_dim3A_3 : vector<16xi32>
    %sub3A_216 = arith.subi %add3A_213, %mul3A_215 : vector<16xi32>
    %get3A_217 = arith.constant 208 : index
    %get3A_218 = tpu.vector_load %arg5[%get3A_217] {strides = array<i32>} : memref<1600xi32, #tpu.memory_space<vmem>>, vector<16xi32>,
    %get3A_219 = vector.shape_cast %get3A_218 : vector<16xi32> to vector<16xi32>
    %mul3A_220 = arith.muli %sub3A_216, %broadcast_in_dim3A_5 : vector<16xi32>
    %add3A_221 = arith.addi %get3A_219, %mul3A_220 : vector<16xi32>
    %swap3A_222 = arith.constant 208 : index
    %swap3A_223 = tpu.vector_load %arg6[%swap3A_222] {strides = array<i32>} : memref<1600xi32, #tpu.memory_space<vmem>>, vector<16xi32>,
    %swap3A_224 = vector.shape_cast %swap3A_223 : vector<16xi32> to vector<16xi32>
    %swap3A_225 = vector.shape_cast %add3A_221 : vector<16xi32> to vector<16xi32>
    tpu.vector_store %arg6[%swap3A_222], %swap3A_225 {strides = array<i32>} : memref<1600xi32, #tpu.memory_space<vmem>>, vector<16xi32>,
    %add3A_226 = arith.constant 224 : i32
    %add3A_227 = arith.addi %mul3A_2, %add3A_226 : i32
    %broadcast_in_dim3A_228 = vector.broadcast %add3A_227 : i32 to vector<16xi32>
    %add3A_229 = arith.addi %iota3A, %broadcast_in_dim3A_228 : vector<16xi32>
    %div3A_230 = arith.divsi %add3A_229, %broadcast_in_dim3A_3 : vector<16xi32>
    %mul3A_231 = arith.muli %div3A_230, %broadcast_in_dim3A_3 : vector<16xi32>
    %sub3A_232 = arith.subi %add3A_229, %mul3A_231 : vector<16xi32>
    %get3A_233 = arith.constant 224 : index
    %get3A_234 = tpu.vector_load %arg5[%get3A_233] {strides = array<i32>} : memref<1600xi32, #tpu.memory_space<vmem>>, vector<16xi32>,
    %get3A_235 = vector.shape_cast %get3A_234 : vector<16xi32> to vector<16xi32>
    %mul3A_236 = arith.muli %sub3A_232, %broadcast_in_dim3A_5 : vector<16xi32>
    %add3A_237 = arith.addi %get3A_235, %mul3A_236 : vector<16xi32>
    %swap3A_238 = arith.constant 224 : index
    %swap3A_239 = tpu.vector_load %arg6[%swap3A_238] {strides = array<i32>} : memref<1600xi32, #tpu.memory_space<vmem>>, vector<16xi32>,
    %swap3A_240 = vector.shape_cast %swap3A_239 : vector<16xi32> to vector<16xi32>
    %swap3A_241 = vector.shape_cast %add3A_237 : vector<16xi32> to vector<16xi32>
    tpu.vector_store %arg6[%swap3A_238], %swap3A_241 {strides = array<i32>} : memref<1600xi32, #tpu.memory_space<vmem>>, vector<16xi32>,
    %add3A_242 = arith.constant 240 : i32
    %add3A_243 = arith.addi %mul3A_2, %add3A_242 : i32
    %broadcast_in_dim3A_244 = vector.broadcast %add3A_243 : i32 to vector<16xi32>
    %add3A_245 = arith.addi %iota3A, %broadcast_in_dim3A_244 : vector<16xi32>
    %div3A_246 = arith.divsi %add3A_245, %broadcast_in_dim3A_3 : vector<16xi32>
    %mul3A_247 = arith.muli %div3A_246, %broadcast_in_dim3A_3 : vector<16xi32>
    %sub3A_248 = arith.subi %add3A_245, %mul3A_247 : vector<16xi32>
    %get3A_249 = arith.constant 240 : index
    %get3A_250 = tpu.vector_load %arg5[%get3A_249] {strides = array<i32>} : memref<1600xi32, #tpu.memory_space<vmem>>, vector<16xi32>,
    %get3A_251 = vector.shape_cast %get3A_250 : vector<16xi32> to vector<16xi32>
    %mul3A_252 = arith.muli %sub3A_248, %broadcast_in_dim3A_5 : vector<16xi32>
    %add3A_253 = arith.addi %get3A_251, %mul3A_252 : vector<16xi32>
    %swap3A_254 = arith.constant 240 : index
    %swap3A_255 = tpu.vector_load %arg6[%swap3A_254] {strides = array<i32>} : memref<1600xi32, #tpu.memory_space<vmem>>, vector<16xi32>,
    %swap3A_256 = vector.shape_cast %swap3A_255 : vector<16xi32> to vector<16xi32>
    %swap3A_257 = vector.shape_cast %add3A_253 : vector<16xi32> to vector<16xi32>
    tpu.vector_store %arg6[%swap3A_254], %swap3A_257 {strides = array<i32>} : memref<1600xi32, #tpu.memory_space<vmem>>, vector<16xi32>,
    %add3A_258 = arith.constant 256 : i32
    %add3A_259 = arith.addi %mul3A_2, %add3A_258 : i32
    %broadcast_in_dim3A_260 = vector.broadcast %add3A_259 : i32 to vector<16xi32>
    %add3A_261 = arith.addi %iota3A, %broadcast_in_dim3A_260 : vector<16xi32>
    %div3A_262 = arith.divsi %add3A_261, %broadcast_in_dim3A_3 : vector<16xi32>
    %mul3A_263 = arith.muli %div3A_262, %broadcast_in_dim3A_3 : vector<16xi32>
    %sub3A_264 = arith.subi %add3A_261, %mul3A_263 : vector<16xi32>
    %get3A_265 = arith.constant 256 : index
    %get3A_266 = tpu.vector_load %arg5[%get3A_265] {strides = array<i32>} : memref<1600xi32, #tpu.memory_space<vmem>>, vector<16xi32>,
    %get3A_267 = vector.shape_cast %get3A_266 : vector<16xi32> to vector<16xi32>
    %mul3A_268 = arith.muli %sub3A_264, %broadcast_in_dim3A_5 : vector<16xi32>
    %add3A_269 = arith.addi %get3A_267, %mul3A_268 : vector<16xi32>
    %swap3A_270 = arith.constant 256 : index
    %swap3A_271 = tpu.vector_load %arg6[%swap3A_270] {strides = array<i32>} : memref<1600xi32, #tpu.memory_space<vmem>>, vector<16xi32>,
    %swap3A_272 = vector.shape_cast %swap3A_271 : vector<16xi32> to vector<16xi32>
    %swap3A_273 = vector.shape_cast %add3A_269 : vector<16xi32> to vector<16xi32>
    tpu.vector_store %arg6[%swap3A_270], %swap3A_273 {strides = array<i32>} : memref<1600xi32, #tpu.memory_space<vmem>>, vector<16xi32>,
    %add3A_274 = arith.constant 272 : i32
    %add3A_275 = arith.addi %mul3A_2, %add3A_274 : i32
    %broadcast_in_dim3A_276 = vector.broadcast %add3A_275 : i32 to vector<16xi32>
    %add3A_277 = arith.addi %iota3A, %broadcast_in_dim3A_276 : vector<16xi32>
    %div3A_278 = arith.divsi %add3A_277, %broadcast_in_dim3A_3 : vector<16xi32>
    %mul3A_279 = arith.muli %div3A_278, %broadcast_in_dim3A_3 : vector<16xi32>
    %sub3A_280 = arith.subi %add3A_277, %mul3A_279 : vector<16xi32>
    %get3A_281 = arith.constant 272 : index
    %get3A_282 = tpu.vector_load %arg5[%get3A_281] {strides = array<i32>} : memref<1600xi32, #tpu.memory_space<vmem>>, vector<16xi32>,
    %get3A_283 = vector.shape_cast %get3A_282 : vector<16xi32> to vector<16xi32>
    %mul3A_284 = arith.muli %sub3A_280, %broadcast_in_dim3A_5 : vector<16xi32>
    %add3A_285 = arith.addi %get3A_283, %mul3A_284 : vector<16xi32>
    %swap3A_286 = arith.constant 272 : index
    %swap3A_287 = tpu.vector_load %arg6[%swap3A_286] {strides = array<i32>} : memref<1600xi32, #tpu.memory_space<vmem>>, vector<16xi32>,
    %swap3A_288 = vector.shape_cast %swap3A_287 : vector<16xi32> to vector<16xi32>
    %swap3A_289 = vector.shape_cast %add3A_285 : vector<16xi32> to vector<16xi32>
    tpu.vector_store %arg6[%swap3A_286], %swap3A_289 {strides = array<i32>} : memref<1600xi32, #tpu.memory_space<vmem>>, vector<16xi32>,
    %add3A_290 = arith.constant 288 : i32
    %add3A_291 = arith.addi %mul3A_2, %add3A_290 : i32
    %broadcast_in_dim3A_292 = vector.broadcast %add3A_291 : i32 to vector<16xi32>
    %add3A_293 = arith.addi %iota3A, %broadcast_in_dim3A_292 : vector<16xi32>
    %div3A_294 = arith.divsi %add3A_293, %broadcast_in_dim3A_3 : vector<16xi32>
    %mul3A_295 = arith.muli %div3A_294, %broadcast_in_dim3A_3 : vector<16xi32>
    %sub3A_296 = arith.subi %add3A_293, %mul3A_295 : vector<16xi32>
    %get3A_297 = arith.constant 288 : index
    %get3A_298 = tpu.vector_load %arg5[%get3A_297] {strides = array<i32>} : memref<1600xi32, #tpu.memory_space<vmem>>, vector<16xi32>,
    %get3A_299 = vector.shape_cast %get3A_298 : vector<16xi32> to vector<16xi32>
    %mul3A_300 = arith.muli %sub3A_296, %broadcast_in_dim3A_5 : vector<16xi32>
    %add3A_301 = arith.addi %get3A_299, %mul3A_300 : vector<16xi32>
    %swap3A_302 = arith.constant 288 : index
    %swap3A_303 = tpu.vector_load %arg6[%swap3A_302] {strides = array<i32>} : memref<1600xi32, #tpu.memory_space<vmem>>, vector<16xi32>,
    %swap3A_304 = vector.shape_cast %swap3A_303 : vector<16xi32> to vector<16xi32>
    %swap3A_305 = vector.shape_cast %add3A_301 : vector<16xi32> to vector<16xi32>
    tpu.vector_store %arg6[%swap3A_302], %swap3A_305 {strides = array<i32>} : memref<1600xi32, #tpu.memory_space<vmem>>, vector<16xi32>,
    %add3A_306 = arith.constant 304 : i32
    %add3A_307 = arith.addi %mul3A_2, %add3A_306 : i32
    %broadcast_in_dim3A_308 = vector.broadcast %add3A_307 : i32 to vector<16xi32>
    %add3A_309 = arith.addi %iota3A, %broadcast_in_dim3A_308 : vector<16xi32>
    %div3A_310 = arith.divsi %add3A_309, %broadcast_in_dim3A_3 : vector<16xi32>
    %mul3A_311 = arith.muli %div3A_310, %broadcast_in_dim3A_3 : vector<16xi32>
    %sub3A_312 = arith.subi %add3A_309, %mul3A_311 : vector<16xi32>
    %get3A_313 = arith.constant 304 : index
    %get3A_314 = tpu.vector_load %arg5[%get3A_313] {strides = array<i32>} : memref<1600xi32, #tpu.memory_space<vmem>>, vector<16xi32>,
    %get3A_315 = vector.shape_cast %get3A_314 : vector<16xi32> to vector<16xi32>
    %mul3A_316 = arith.muli %sub3A_312, %broadcast_in_dim3A_5 : vector<16xi32>
    %add3A_317 = arith.addi %get3A_315, %mul3A_316 : vector<16xi32>
    %swap3A_318 = arith.constant 304 : index
    %swap3A_319 = tpu.vector_load %arg6[%swap3A_318] {strides = array<i32>} : memref<1600xi32, #tpu.memory_space<vmem>>, vector<16xi32>,
    %swap3A_320 = vector.shape_cast %swap3A_319 : vector<16xi32> to vector<16xi32>
    %swap3A_321 = vector.shape_cast %add3A_317 : vector<16xi32> to vector<16xi32>
    tpu.vector_store %arg6[%swap3A_318], %swap3A_321 {strides = array<i32>} : memref<1600xi32, #tpu.memory_space<vmem>>, vector<16xi32>,
    %add3A_322 = arith.constant 320 : i32
    %add3A_323 = arith.addi %mul3A_2, %add3A_322 : i32
    %broadcast_in_dim3A_324 = vector.broadcast %add3A_323 : i32 to vector<16xi32>
    %add3A_325 = arith.addi %iota3A, %broadcast_in_dim3A_324 : vector<16xi32>
    %div3A_326 = arith.divsi %add3A_325, %broadcast_in_dim3A_3 : vector<16xi32>
    %mul3A_327 = arith.muli %div3A_326, %broadcast_in_dim3A_3 : vector<16xi32>
    %sub3A_328 = arith.subi %add3A_325, %mul3A_327 : vector<16xi32>
    %get3A_329 = arith.constant 320 : index
    %get3A_330 = tpu.vector_load %arg5[%get3A_329] {strides = array<i32>} : memref<1600xi32, #tpu.memory_space<vmem>>, vector<16xi32>,
    %get3A_331 = vector.shape_cast %get3A_330 : vector<16xi32> to vector<16xi32>
    %mul3A_332 = arith.muli %sub3A_328, %broadcast_in_dim3A_5 : vector<16xi32>
    %add3A_333 = arith.addi %get3A_331, %mul3A_332 : vector<16xi32>
    %swap3A_334 = arith.constant 320 : index
    %swap3A_335 = tpu.vector_load %arg6[%swap3A_334] {strides = array<i32>} : memref<1600xi32, #tpu.memory_space<vmem>>, vector<16xi32>,
    %swap3A_336 = vector.shape_cast %swap3A_335 : vector<16xi32> to vector<16xi32>
    %swap3A_337 = vector.shape_cast %add3A_333 : vector<16xi32> to vector<16xi32>
    tpu.vector_store %arg6[%swap3A_334], %swap3A_337 {strides = array<i32>} : memref<1600xi32, #tpu.memory_space<vmem>>, vector<16xi32>,
    %add3A_338 = arith.constant 336 : i32
    %add3A_339 = arith.addi %mul3A_2, %add3A_338 : i32
    %broadcast_in_dim3A_340 = vector.broadcast %add3A_339 : i32 to vector<16xi32>
    %add3A_341 = arith.addi %iota3A, %broadcast_in_dim3A_340 : vector<16xi32>
    %div3A_342 = arith.divsi %add3A_341, %broadcast_in_dim3A_3 : vector<16xi32>
    %mul3A_343 = arith.muli %div3A_342, %broadcast_in_dim3A_3 : vector<16xi32>
    %sub3A_344 = arith.subi %add3A_341, %mul3A_343 : vector<16xi32>
    %get3A_345 = arith.constant 336 : index
    %get3A_346 = tpu.vector_load %arg5[%get3A_345] {strides = array<i32>} : memref<1600xi32, #tpu.memory_space<vmem>>, vector<16xi32>,
    %get3A_347 = vector.shape_cast %get3A_346 : vector<16xi32> to vector<16xi32>
    %mul3A_348 = arith.muli %sub3A_344, %broadcast_in_dim3A_5 : vector<16xi32>
    %add3A_349 = arith.addi %get3A_347, %mul3A_348 : vector<16xi32>
    %swap3A_350 = arith.constant 336 : index
    %swap3A_351 = tpu.vector_load %arg6[%swap3A_350] {strides = array<i32>} : memref<1600xi32, #tpu.memory_space<vmem>>, vector<16xi32>,
    %swap3A_352 = vector.shape_cast %swap3A_351 : vector<16xi32> to vector<16xi32>
    %swap3A_353 = vector.shape_cast %add3A_349 : vector<16xi32> to vector<16xi32>
    tpu.vector_store %arg6[%swap3A_350], %swap3A_353 {strides = array<i32>} : memref<1600xi32, #tpu.memory_space<vmem>>, vector<16xi32>,
    %add3A_354 = arith.constant 352 : i32
    %add3A_355 = arith.addi %mul3A_2, %add3A_354 : i32
    %broadcast_in_dim3A_356 = vector.broadcast %add3A_355 : i32 to vector<16xi32>
    %add3A_357 = arith.addi %iota3A, %broadcast_in_dim3A_356 : vector<16xi32>
    %div3A_358 = arith.divsi %add3A_357, %broadcast_in_dim3A_3 : vector<16xi32>
    %mul3A_359 = arith.muli %div3A_358, %broadcast_in_dim3A_3 : vector<16xi32>
    %sub3A_360 = arith.subi %add3A_357, %mul3A_359 : vector<16xi32>
    %get3A_361 = arith.constant 352 : index
    %get3A_362 = tpu.vector_load %arg5[%get3A_361] {strides = array<i32>} : memref<1600xi32, #tpu.memory_space<vmem>>, vector<16xi32>,
    %get3A_363 = vector.shape_cast %get3A_362 : vector<16xi32> to vector<16xi32>
    %mul3A_364 = arith.muli %sub3A_360, %broadcast_in_dim3A_5 : vector<16xi32>
    %add3A_365 = arith.addi %get3A_363, %mul3A_364 : vector<16xi32>
    %swap3A_366 = arith.constant 352 : index
    %swap3A_367 = tpu.vector_load %arg6[%swap3A_366] {strides = array<i32>} : memref<1600xi32, #tpu.memory_space<vmem>>, vector<16xi32>,
    %swap3A_368 = vector.shape_cast %swap3A_367 : vector<16xi32> to vector<16xi32>
    %swap3A_369 = vector.shape_cast %add3A_365 : vector<16xi32> to vector<16xi32>
    tpu.vector_store %arg6[%swap3A_366], %swap3A_369 {strides = array<i32>} : memref<1600xi32, #tpu.memory_space<vmem>>, vector<16xi32>,
    %add3A_370 = arith.constant 368 : i32
    %add3A_371 = arith.addi %mul3A_2, %add3A_370 : i32
    %broadcast_in_dim3A_372 = vector.broadcast %add3A_371 : i32 to vector<16xi32>
    %add3A_373 = arith.addi %iota3A, %broadcast_in_dim3A_372 : vector<16xi32>
    %div3A_374 = arith.divsi %add3A_373, %broadcast_in_dim3A_3 : vector<16xi32>
    %mul3A_375 = arith.muli %div3A_374, %broadcast_in_dim3A_3 : vector<16xi32>
    %sub3A_376 = arith.subi %add3A_373, %mul3A_375 : vector<16xi32>
    %get3A_377 = arith.constant 368 : index
    %get3A_378 = tpu.vector_load %arg5[%get3A_377] {strides = array<i32>} : memref<1600xi32, #tpu.memory_space<vmem>>, vector<16xi32>,
    %get3A_379 = vector.shape_cast %get3A_378 : vector<16xi32> to vector<16xi32>
    %mul3A_380 = arith.muli %sub3A_376, %broadcast_in_dim3A_5 : vector<16xi32>
    %add3A_381 = arith.addi %get3A_379, %mul3A_380 : vector<16xi32>
    %swap3A_382 = arith.constant 368 : index
    %swap3A_383 = tpu.vector_load %arg6[%swap3A_382] {strides = array<i32>} : memref<1600xi32, #tpu.memory_space<vmem>>, vector<16xi32>,
    %swap3A_384 = vector.shape_cast %swap3A_383 : vector<16xi32> to vector<16xi32>
    %swap3A_385 = vector.shape_cast %add3A_381 : vector<16xi32> to vector<16xi32>
    tpu.vector_store %arg6[%swap3A_382], %swap3A_385 {strides = array<i32>} : memref<1600xi32, #tpu.memory_space<vmem>>, vector<16xi32>,
    %add3A_386 = arith.constant 384 : i32
    %add3A_387 = arith.addi %mul3A_2, %add3A_386 : i32
    %broadcast_in_dim3A_388 = vector.broadcast %add3A_387 : i32 to vector<16xi32>
    %add3A_389 = arith.addi %iota3A, %broadcast_in_dim3A_388 : vector<16xi32>
    %div3A_390 = arith.divsi %add3A_389, %broadcast_in_dim3A_3 : vector<16xi32>
    %mul3A_391 = arith.muli %div3A_390, %broadcast_in_dim3A_3 : vector<16xi32>
    %sub3A_392 = arith.subi %add3A_389, %mul3A_391 : vector<16xi32>
    %get3A_393 = arith.constant 384 : index
    %get3A_394 = tpu.vector_load %arg5[%get3A_393] {strides = array<i32>} : memref<1600xi32, #tpu.memory_space<vmem>>, vector<16xi32>,
    %get3A_395 = vector.shape_cast %get3A_394 : vector<16xi32> to vector<16xi32>
    %mul3A_396 = arith.muli %sub3A_392, %broadcast_in_dim3A_5 : vector<16xi32>
    %add3A_397 = arith.addi %get3A_395, %mul3A_396 : vector<16xi32>
    %swap3A_398 = arith.constant 384 : index
    %swap3A_399 = tpu.vector_load %arg6[%swap3A_398] {strides = array<i32>} : memref<1600xi32, #tpu.memory_space<vmem>>, vector<16xi32>,
    %swap3A_400 = vector.shape_cast %swap3A_399 : vector<16xi32> to vector<16xi32>
    %swap3A_401 = vector.shape_cast %add3A_397 : vector<16xi32> to vector<16xi32>
    tpu.vector_store %arg6[%swap3A_398], %swap3A_401 {strides = array<i32>} : memref<1600xi32, #tpu.memory_space<vmem>>, vector<16xi32>,
    %add3A_402 = arith.constant 400 : i32
    %add3A_403 = arith.addi %mul3A_2, %add3A_402 : i32
    %broadcast_in_dim3A_404 = vector.broadcast %add3A_403 : i32 to vector<16xi32>
    %add3A_405 = arith.addi %iota3A, %broadcast_in_dim3A_404 : vector<16xi32>
    %div3A_406 = arith.divsi %add3A_405, %broadcast_in_dim3A_3 : vector<16xi32>
    %mul3A_407 = arith.muli %div3A_406, %broadcast_in_dim3A_3 : vector<16xi32>
    %sub3A_408 = arith.subi %add3A_405, %mul3A_407 : vector<16xi32>
    %get3A_409 = arith.constant 400 : index
    %get3A_410 = tpu.vector_load %arg5[%get3A_409] {strides = array<i32>} : memref<1600xi32, #tpu.memory_space<vmem>>, vector<16xi32>,
    %get3A_411 = vector.shape_cast %get3A_410 : vector<16xi32> to vector<16xi32>
    %mul3A_412 = arith.muli %sub3A_408, %broadcast_in_dim3A_5 : vector<16xi32>
    %add3A_413 = arith.addi %get3A_411, %mul3A_412 : vector<16xi32>
    %swap3A_414 = arith.constant 400 : index
    %swap3A_415 = tpu.vector_load %arg6[%swap3A_414] {strides = array<i32>} : memref<1600xi32, #tpu.memory_space<vmem>>, vector<16xi32>,
    %swap3A_416 = vector.shape_cast %swap3A_415 : vector<16xi32> to vector<16xi32>
    %swap3A_417 = vector.shape_cast %add3A_413 : vector<16xi32> to vector<16xi32>
    tpu.vector_store %arg6[%swap3A_414], %swap3A_417 {strides = array<i32>} : memref<1600xi32, #tpu.memory_space<vmem>>, vector<16xi32>,
    %add3A_418 = arith.constant 416 : i32
    %add3A_419 = arith.addi %mul3A_2, %add3A_418 : i32
    %broadcast_in_dim3A_420 = vector.broadcast %add3A_419 : i32 to vector<16xi32>
    %add3A_421 = arith.addi %iota3A, %broadcast_in_dim3A_420 : vector<16xi32>
    %div3A_422 = arith.divsi %add3A_421, %broadcast_in_dim3A_3 : vector<16xi32>
    %mul3A_423 = arith.muli %div3A_422, %broadcast_in_dim3A_3 : vector<16xi32>
    %sub3A_424 = arith.subi %add3A_421, %mul3A_423 : vector<16xi32>
    %get3A_425 = arith.constant 416 : index
    %get3A_426 = tpu.vector_load %arg5[%get3A_425] {strides = array<i32>} : memref<1600xi32, #tpu.memory_space<vmem>>, vector<16xi32>,
    %get3A_427 = vector.shape_cast %get3A_426 : vector<16xi32> to vector<16xi32>
    %mul3A_428 = arith.muli %sub3A_424, %broadcast_in_dim3A_5 : vector<16xi32>
    %add3A_429 = arith.addi %get3A_427, %mul3A_428 : vector<16xi32>
    %swap3A_430 = arith.constant 416 : index
    %swap3A_431 = tpu.vector_load %arg6[%swap3A_430] {strides = array<i32>} : memref<1600xi32, #tpu.memory_space<vmem>>, vector<16xi32>,
    %swap3A_432 = vector.shape_cast %swap3A_431 : vector<16xi32> to vector<16xi32>
    %swap3A_433 = vector.shape_cast %add3A_429 : vector<16xi32> to vector<16xi32>
    tpu.vector_store %arg6[%swap3A_430], %swap3A_433 {strides = array<i32>} : memref<1600xi32, #tpu.memory_space<vmem>>, vector<16xi32>,
    %add3A_434 = arith.constant 432 : i32
    %add3A_435 = arith.addi %mul3A_2, %add3A_434 : i32
    %broadcast_in_dim3A_436 = vector.broadcast %add3A_435 : i32 to vector<16xi32>
    %add3A_437 = arith.addi %iota3A, %broadcast_in_dim3A_436 : vector<16xi32>
    %div3A_438 = arith.divsi %add3A_437, %broadcast_in_dim3A_3 : vector<16xi32>
    %mul3A_439 = arith.muli %div3A_438, %broadcast_in_dim3A_3 : vector<16xi32>
    %sub3A_440 = arith.subi %add3A_437, %mul3A_439 : vector<16xi32>
    %get3A_441 = arith.constant 432 : index
    %get3A_442 = tpu.vector_load %arg5[%get3A_441] {strides = array<i32>} : memref<1600xi32, #tpu.memory_space<vmem>>, vector<16xi32>,
    %get3A_443 = vector.shape_cast %get3A_442 : vector<16xi32> to vector<16xi32>
    %mul3A_444 = arith.muli %sub3A_440, %broadcast_in_dim3A_5 : vector<16xi32>
    %add3A_445 = arith.addi %get3A_443, %mul3A_444 : vector<16xi32>
    %swap3A_446 = arith.constant 432 : index
    %swap3A_447 = tpu.vector_load %arg6[%swap3A_446] {strides = array<i32>} : memref<1600xi32, #tpu.memory_space<vmem>>, vector<16xi32>,
    %swap3A_448 = vector.shape_cast %swap3A_447 : vector<16xi32> to vector<16xi32>
    %swap3A_449 = vector.shape_cast %add3A_445 : vector<16xi32> to vector<16xi32>
    tpu.vector_store %arg6[%swap3A_446], %swap3A_449 {strides = array<i32>} : memref<1600xi32, #tpu.memory_space<vmem>>, vector<16xi32>,
    %add3A_450 = arith.constant 448 : i32
    %add3A_451 = arith.addi %mul3A_2, %add3A_450 : i32
    %broadcast_in_dim3A_452 = vector.broadcast %add3A_451 : i32 to vector<16xi32>
    %add3A_453 = arith.addi %iota3A, %broadcast_in_dim3A_452 : vector<16xi32>
    %div3A_454 = arith.divsi %add3A_453, %broadcast_in_dim3A_3 : vector<16xi32>
    %mul3A_455 = arith.muli %div3A_454, %broadcast_in_dim3A_3 : vector<16xi32>
    %sub3A_456 = arith.subi %add3A_453, %mul3A_455 : vector<16xi32>
    %get3A_457 = arith.constant 448 : index
    %get3A_458 = tpu.vector_load %arg5[%get3A_457] {strides = array<i32>} : memref<1600xi32, #tpu.memory_space<vmem>>, vector<16xi32>,
    %get3A_459 = vector.shape_cast %get3A_458 : vector<16xi32> to vector<16xi32>
    %mul3A_460 = arith.muli %sub3A_456, %broadcast_in_dim3A_5 : vector<16xi32>
    %add3A_461 = arith.addi %get3A_459, %mul3A_460 : vector<16xi32>
    %swap3A_462 = arith.constant 448 : index
    %swap3A_463 = tpu.vector_load %arg6[%swap3A_462] {strides = array<i32>} : memref<1600xi32, #tpu.memory_space<vmem>>, vector<16xi32>,
    %swap3A_464 = vector.shape_cast %swap3A_463 : vector<16xi32> to vector<16xi32>
    %swap3A_465 = vector.shape_cast %add3A_461 : vector<16xi32> to vector<16xi32>
    tpu.vector_store %arg6[%swap3A_462], %swap3A_465 {strides = array<i32>} : memref<1600xi32, #tpu.memory_space<vmem>>, vector<16xi32>,
    %add3A_466 = arith.constant 464 : i32
    %add3A_467 = arith.addi %mul3A_2, %add3A_466 : i32
    %broadcast_in_dim3A_468 = vector.broadcast %add3A_467 : i32 to vector<16xi32>
    %add3A_469 = arith.addi %iota3A, %broadcast_in_dim3A_468 : vector<16xi32>
    %div3A_470 = arith.divsi %add3A_469, %broadcast_in_dim3A_3 : vector<16xi32>
    %mul3A_471 = arith.muli %div3A_470, %broadcast_in_dim3A_3 : vector<16xi32>
    %sub3A_472 = arith.subi %add3A_469, %mul3A_471 : vector<16xi32>
    %get3A_473 = arith.constant 464 : index
    %get3A_474 = tpu.vector_load %arg5[%get3A_473] {strides = array<i32>} : memref<1600xi32, #tpu.memory_space<vmem>>, vector<16xi32>,
    %get3A_475 = vector.shape_cast %get3A_474 : vector<16xi32> to vector<16xi32>
    %mul3A_476 = arith.muli %sub3A_472, %broadcast_in_dim3A_5 : vector<16xi32>
    %add3A_477 = arith.addi %get3A_475, %mul3A_476 : vector<16xi32>
    %swap3A_478 = arith.constant 464 : index
    %swap3A_479 = tpu.vector_load %arg6[%swap3A_478] {strides = array<i32>} : memref<1600xi32, #tpu.memory_space<vmem>>, vector<16xi32>,
    %swap3A_480 = vector.shape_cast %swap3A_479 : vector<16xi32> to vector<16xi32>
    %swap3A_481 = vector.shape_cast %add3A_477 : vector<16xi32> to vector<16xi32>
    tpu.vector_store %arg6[%swap3A_478], %swap3A_481 {strides = array<i32>} : memref<1600xi32, #tpu.memory_space<vmem>>, vector<16xi32>,
    %add3A_482 = arith.constant 480 : i32
    %add3A_483 = arith.addi %mul3A_2, %add3A_482 : i32
    %broadcast_in_dim3A_484 = vector.broadcast %add3A_483 : i32 to vector<16xi32>
    %add3A_485 = arith.addi %iota3A, %broadcast_in_dim3A_484 : vector<16xi32>
    %div3A_486 = arith.divsi %add3A_485, %broadcast_in_dim3A_3 : vector<16xi32>
    %mul3A_487 = arith.muli %div3A_486, %broadcast_in_dim3A_3 : vector<16xi32>
    %sub3A_488 = arith.subi %add3A_485, %mul3A_487 : vector<16xi32>
    %get3A_489 = arith.constant 480 : index
    %get3A_490 = tpu.vector_load %arg5[%get3A_489] {strides = array<i32>} : memref<1600xi32, #tpu.memory_space<vmem>>, vector<16xi32>,
    %get3A_491 = vector.shape_cast %get3A_490 : vector<16xi32> to vector<16xi32>
    %mul3A_492 = arith.muli %sub3A_488, %broadcast_in_dim3A_5 : vector<16xi32>
    %add3A_493 = arith.addi %get3A_491, %mul3A_492 : vector<16xi32>
    %swap3A_494 = arith.constant 480 : index
    %swap3A_495 = tpu.vector_load %arg6[%swap3A_494] {strides = array<i32>} : memref<1600xi32, #tpu.memory_space<vmem>>, vector<16xi32>,
    %swap3A_496 = vector.shape_cast %swap3A_495 : vector<16xi32> to vector<16xi32>
    %swap3A_497 = vector.shape_cast %add3A_493 : vector<16xi32> to vector<16xi32>
    tpu.vector_store %arg6[%swap3A_494], %swap3A_497 {strides = array<i32>} : memref<1600xi32, #tpu.memory_space<vmem>>, vector<16xi32>,
    %add3A_498 = arith.constant 496 : i32
    %add3A_499 = arith.addi %mul3A_2, %add3A_498 : i32
    %broadcast_in_dim3A_500 = vector.broadcast %add3A_499 : i32 to vector<16xi32>
    %add3A_501 = arith.addi %iota3A, %broadcast_in_dim3A_500 : vector<16xi32>
    %div3A_502 = arith.divsi %add3A_501, %broadcast_in_dim3A_3 : vector<16xi32>
    %mul3A_503 = arith.muli %div3A_502, %broadcast_in_dim3A_3 : vector<16xi32>
    %sub3A_504 = arith.subi %add3A_501, %mul3A_503 : vector<16xi32>
    %get3A_505 = arith.constant 496 : index
    %get3A_506 = tpu.vector_load %arg5[%get3A_505] {strides = array<i32>} : memref<1600xi32, #tpu.memory_space<vmem>>, vector<16xi32>,
    %get3A_507 = vector.shape_cast %get3A_506 : vector<16xi32> to vector<16xi32>
    %mul3A_508 = arith.muli %sub3A_504, %broadcast_in_dim3A_5 : vector<16xi32>
    %add3A_509 = arith.addi %get3A_507, %mul3A_508 : vector<16xi32>
    %swap3A_510 = arith.constant 496 : index
    %swap3A_511 = tpu.vector_load %arg6[%swap3A_510] {strides = array<i32>} : memref<1600xi32, #tpu.memory_space<vmem>>, vector<16xi32>,
    %swap3A_512 = vector.shape_cast %swap3A_511 : vector<16xi32> to vector<16xi32>
    %swap3A_513 = vector.shape_cast %add3A_509 : vector<16xi32> to vector<16xi32>
    tpu.vector_store %arg6[%swap3A_510], %swap3A_513 {strides = array<i32>} : memref<1600xi32, #tpu.memory_space<vmem>>, vector<16xi32>,
    %add3A_514 = arith.constant 512 : i32
    %add3A_515 = arith.addi %mul3A_2, %add3A_514 : i32
    %broadcast_in_dim3A_516 = vector.broadcast %add3A_515 : i32 to vector<16xi32>
    %add3A_517 = arith.addi %iota3A, %broadcast_in_dim3A_516 : vector<16xi32>
    %div3A_518 = arith.divsi %add3A_517, %broadcast_in_dim3A_3 : vector<16xi32>
    %mul3A_519 = arith.muli %div3A_518, %broadcast_in_dim3A_3 : vector<16xi32>
    %sub3A_520 = arith.subi %add3A_517, %mul3A_519 : vector<16xi32>
    %get3A_521 = arith.constant 512 : index
    %get3A_522 = tpu.vector_load %arg5[%get3A_521] {strides = array<i32>} : memref<1600xi32, #tpu.memory_space<vmem>>, vector<16xi32>,
    %get3A_523 = vector.shape_cast %get3A_522 : vector<16xi32> to vector<16xi32>
    %mul3A_524 = arith.muli %sub3A_520, %broadcast_in_dim3A_5 : vector<16xi32>
    %add3A_525 = arith.addi %get3A_523, %mul3A_524 : vector<16xi32>
    %swap3A_526 = arith.constant 512 : index
    %swap3A_527 = tpu.vector_load %arg6[%swap3A_526] {strides = array<i32>} : memref<1600xi32, #tpu.memory_space<vmem>>, vector<16xi32>,
    %swap3A_528 = vector.shape_cast %swap3A_527 : vector<16xi32> to vector<16xi32>
    %swap3A_529 = vector.shape_cast %add3A_525 : vector<16xi32> to vector<16xi32>
    tpu.vector_store %arg6[%swap3A_526], %swap3A_529 {strides = array<i32>} : memref<1600xi32, #tpu.memory_space<vmem>>, vector<16xi32>,
    %add3A_530 = arith.constant 528 : i32
    %add3A_531 = arith.addi %mul3A_2, %add3A_530 : i32
    %broadcast_in_dim3A_532 = vector.broadcast %add3A_531 : i32 to vector<16xi32>
    %add3A_533 = arith.addi %iota3A, %broadcast_in_dim3A_532 : vector<16xi32>
    %div3A_534 = arith.divsi %add3A_533, %broadcast_in_dim3A_3 : vector<16xi32>
    %mul3A_535 = arith.muli %div3A_534, %broadcast_in_dim3A_3 : vector<16xi32>
    %sub3A_536 = arith.subi %add3A_533, %mul3A_535 : vector<16xi32>
    %get3A_537 = arith.constant 528 : index
    %get3A_538 = tpu.vector_load %arg5[%get3A_537] {strides = array<i32>} : memref<1600xi32, #tpu.memory_space<vmem>>, vector<16xi32>,
    %get3A_539 = vector.shape_cast %get3A_538 : vector<16xi32> to vector<16xi32>
    %mul3A_540 = arith.muli %sub3A_536, %broadcast_in_dim3A_5 : vector<16xi32>
    %add3A_541 = arith.addi %get3A_539, %mul3A_540 : vector<16xi32>
    %swap3A_542 = arith.constant 528 : index
    %swap3A_543 = tpu.vector_load %arg6[%swap3A_542] {strides = array<i32>} : memref<1600xi32, #tpu.memory_space<vmem>>, vector<16xi32>,
    %swap3A_544 = vector.shape_cast %swap3A_543 : vector<16xi32> to vector<16xi32>
    %swap3A_545 = vector.shape_cast %add3A_541 : vector<16xi32> to vector<16xi32>
    tpu.vector_store %arg6[%swap3A_542], %swap3A_545 {strides = array<i32>} : memref<1600xi32, #tpu.memory_space<vmem>>, vector<16xi32>,
    %add3A_546 = arith.constant 544 : i32
    %add3A_547 = arith.addi %mul3A_2, %add3A_546 : i32
    %broadcast_in_dim3A_548 = vector.broadcast %add3A_547 : i32 to vector<16xi32>
    %add3A_549 = arith.addi %iota3A, %broadcast_in_dim3A_548 : vector<16xi32>
    %div3A_550 = arith.divsi %add3A_549, %broadcast_in_dim3A_3 : vector<16xi32>
    %mul3A_551 = arith.muli %div3A_550, %broadcast_in_dim3A_3 : vector<16xi32>
    %sub3A_552 = arith.subi %add3A_549, %mul3A_551 : vector<16xi32>
    %get3A_553 = arith.constant 544 : index
    %get3A_554 = tpu.vector_load %arg5[%get3A_553] {strides = array<i32>} : memref<1600xi32, #tpu.memory_space<vmem>>, vector<16xi32>,
    %get3A_555 = vector.shape_cast %get3A_554 : vector<16xi32> to vector<16xi32>
    %mul3A_556 = arith.muli %sub3A_552, %broadcast_in_dim3A_5 : vector<16xi32>
    %add3A_557 = arith.addi %get3A_555, %mul3A_556 : vector<16xi32>
    %swap3A_558 = arith.constant 544 : index
    %swap3A_559 = tpu.vector_load %arg6[%swap3A_558] {strides = array<i32>} : memref<1600xi32, #tpu.memory_space<vmem>>, vector<16xi32>,
    %swap3A_560 = vector.shape_cast %swap3A_559 : vector<16xi32> to vector<16xi32>
    %swap3A_561 = vector.shape_cast %add3A_557 : vector<16xi32> to vector<16xi32>
    tpu.vector_store %arg6[%swap3A_558], %swap3A_561 {strides = array<i32>} : memref<1600xi32, #tpu.memory_space<vmem>>, vector<16xi32>,
    %add3A_562 = arith.constant 560 : i32
    %add3A_563 = arith.addi %mul3A_2, %add3A_562 : i32
    %broadcast_in_dim3A_564 = vector.broadcast %add3A_563 : i32 to vector<16xi32>
    %add3A_565 = arith.addi %iota3A, %broadcast_in_dim3A_564 : vector<16xi32>
    %div3A_566 = arith.divsi %add3A_565, %broadcast_in_dim3A_3 : vector<16xi32>
    %mul3A_567 = arith.muli %div3A_566, %broadcast_in_dim3A_3 : vector<16xi32>
    %sub3A_568 = arith.subi %add3A_565, %mul3A_567 : vector<16xi32>
    %get3A_569 = arith.constant 560 : index
    %get3A_570 = tpu.vector_load %arg5[%get3A_569] {strides = array<i32>} : memref<1600xi32, #tpu.memory_space<vmem>>, vector<16xi32>,
    %get3A_571 = vector.shape_cast %get3A_570 : vector<16xi32> to vector<16xi32>
    %mul3A_572 = arith.muli %sub3A_568, %broadcast_in_dim3A_5 : vector<16xi32>
    %add3A_573 = arith.addi %get3A_571, %mul3A_572 : vector<16xi32>
    %swap3A_574 = arith.constant 560 : index
    %swap3A_575 = tpu.vector_load %arg6[%swap3A_574] {strides = array<i32>} : memref<1600xi32, #tpu.memory_space<vmem>>, vector<16xi32>,
    %swap3A_576 = vector.shape_cast %swap3A_575 : vector<16xi32> to vector<16xi32>
    %swap3A_577 = vector.shape_cast %add3A_573 : vector<16xi32> to vector<16xi32>
    tpu.vector_store %arg6[%swap3A_574], %swap3A_577 {strides = array<i32>} : memref<1600xi32, #tpu.memory_space<vmem>>, vector<16xi32>,
    %add3A_578 = arith.constant 576 : i32
    %add3A_579 = arith.addi %mul3A_2, %add3A_578 : i32
    %broadcast_in_dim3A_580 = vector.broadcast %add3A_579 : i32 to vector<16xi32>
    %add3A_581 = arith.addi %iota3A, %broadcast_in_dim3A_580 : vector<16xi32>
    %div3A_582 = arith.divsi %add3A_581, %broadcast_in_dim3A_3 : vector<16xi32>
    %mul3A_583 = arith.muli %div3A_582, %broadcast_in_dim3A_3 : vector<16xi32>
    %sub3A_584 = arith.subi %add3A_581, %mul3A_583 : vector<16xi32>
    %get3A_585 = arith.constant 576 : index
    %get3A_586 = tpu.vector_load %arg5[%get3A_585] {strides = array<i32>} : memref<1600xi32, #tpu.memory_space<vmem>>, vector<16xi32>,
    %get3A_587 = vector.shape_cast %get3A_586 : vector<16xi32> to vector<16xi32>
    %mul3A_588 = arith.muli %sub3A_584, %broadcast_in_dim3A_5 : vector<16xi32>
    %add3A_589 = arith.addi %get3A_587, %mul3A_588 : vector<16xi32>
    %swap3A_590 = arith.constant 576 : index
    %swap3A_591 = tpu.vector_load %arg6[%swap3A_590] {strides = array<i32>} : memref<1600xi32, #tpu.memory_space<vmem>>, vector<16xi32>,
    %swap3A_592 = vector.shape_cast %swap3A_591 : vector<16xi32> to vector<16xi32>
    %swap3A_593 = vector.shape_cast %add3A_589 : vector<16xi32> to vector<16xi32>
    tpu.vector_store %arg6[%swap3A_590], %swap3A_593 {strides = array<i32>} : memref<1600xi32, #tpu.memory_space<vmem>>, vector<16xi32>,
    %add3A_594 = arith.constant 592 : i32
    %add3A_595 = arith.addi %mul3A_2, %add3A_594 : i32
    %broadcast_in_dim3A_596 = vector.broadcast %add3A_595 : i32 to vector<16xi32>
    %add3A_597 = arith.addi %iota3A, %broadcast_in_dim3A_596 : vector<16xi32>
    %div3A_598 = arith.divsi %add3A_597, %broadcast_in_dim3A_3 : vector<16xi32>
    %mul3A_599 = arith.muli %div3A_598, %broadcast_in_dim3A_3 : vector<16xi32>
    %sub3A_600 = arith.subi %add3A_597, %mul3A_599 : vector<16xi32>
    %get3A_601 = arith.constant 592 : index
    %get3A_602 = tpu.vector_load %arg5[%get3A_601] {strides = array<i32>} : memref<1600xi32, #tpu.memory_space<vmem>>, vector<16xi32>,
    %get3A_603 = vector.shape_cast %get3A_602 : vector<16xi32> to vector<16xi32>
    %mul3A_604 = arith.muli %sub3A_600, %broadcast_in_dim3A_5 : vector<16xi32>
    %add3A_605 = arith.addi %get3A_603, %mul3A_604 : vector<16xi32>
    %swap3A_606 = arith.constant 592 : index
    %swap3A_607 = tpu.vector_load %arg6[%swap3A_606] {strides = array<i32>} : memref<1600xi32, #tpu.memory_space<vmem>>, vector<16xi32>,
    %swap3A_608 = vector.shape_cast %swap3A_607 : vector<16xi32> to vector<16xi32>
    %swap3A_609 = vector.shape_cast %add3A_605 : vector<16xi32> to vector<16xi32>
    tpu.vector_store %arg6[%swap3A_606], %swap3A_609 {strides = array<i32>} : memref<1600xi32, #tpu.memory_space<vmem>>, vector<16xi32>,
    %add3A_610 = arith.constant 608 : i32
    %add3A_611 = arith.addi %mul3A_2, %add3A_610 : i32
    %broadcast_in_dim3A_612 = vector.broadcast %add3A_611 : i32 to vector<16xi32>
    %add3A_613 = arith.addi %iota3A, %broadcast_in_dim3A_612 : vector<16xi32>
    %div3A_614 = arith.divsi %add3A_613, %broadcast_in_dim3A_3 : vector<16xi32>
    %mul3A_615 = arith.muli %div3A_614, %broadcast_in_dim3A_3 : vector<16xi32>
    %sub3A_616 = arith.subi %add3A_613, %mul3A_615 : vector<16xi32>
    %get3A_617 = arith.constant 608 : index
    %get3A_618 = tpu.vector_load %arg5[%get3A_617] {strides = array<i32>} : memref<1600xi32, #tpu.memory_space<vmem>>, vector<16xi32>,
    %get3A_619 = vector.shape_cast %get3A_618 : vector<16xi32> to vector<16xi32>
    %mul3A_620 = arith.muli %sub3A_616, %broadcast_in_dim3A_5 : vector<16xi32>
    %add3A_621 = arith.addi %get3A_619, %mul3A_620 : vector<16xi32>
    %swap3A_622 = arith.constant 608 : index
    %swap3A_623 = tpu.vector_load %arg6[%swap3A_622] {strides = array<i32>} : memref<1600xi32, #tpu.memory_space<vmem>>, vector<16xi32>,
    %swap3A_624 = vector.shape_cast %swap3A_623 : vector<16xi32> to vector<16xi32>
    %swap3A_625 = vector.shape_cast %add3A_621 : vector<16xi32> to vector<16xi32>
    tpu.vector_store %arg6[%swap3A_622], %swap3A_625 {strides = array<i32>} : memref<1600xi32, #tpu.memory_space<vmem>>, vector<16xi32>,
    %add3A_626 = arith.constant 624 : i32
    %add3A_627 = arith.addi %mul3A_2, %add3A_626 : i32
    %broadcast_in_dim3A_628 = vector.broadcast %add3A_627 : i32 to vector<16xi32>
    %add3A_629 = arith.addi %iota3A, %broadcast_in_dim3A_628 : vector<16xi32>
    %div3A_630 = arith.divsi %add3A_629, %broadcast_in_dim3A_3 : vector<16xi32>
    %mul3A_631 = arith.muli %div3A_630, %broadcast_in_dim3A_3 : vector<16xi32>
    %sub3A_632 = arith.subi %add3A_629, %mul3A_631 : vector<16xi32>
    %get3A_633 = arith.constant 624 : index
    %get3A_634 = tpu.vector_load %arg5[%get3A_633] {strides = array<i32>} : memref<1600xi32, #tpu.memory_space<vmem>>, vector<16xi32>,
    %get3A_635 = vector.shape_cast %get3A_634 : vector<16xi32> to vector<16xi32>
    %mul3A_636 = arith.muli %sub3A_632, %broadcast_in_dim3A_5 : vector<16xi32>
    %add3A_637 = arith.addi %get3A_635, %mul3A_636 : vector<16xi32>
    %swap3A_638 = arith.constant 624 : index
    %swap3A_639 = tpu.vector_load %arg6[%swap3A_638] {strides = array<i32>} : memref<1600xi32, #tpu.memory_space<vmem>>, vector<16xi32>,
    %swap3A_640 = vector.shape_cast %swap3A_639 : vector<16xi32> to vector<16xi32>
    %swap3A_641 = vector.shape_cast %add3A_637 : vector<16xi32> to vector<16xi32>
    tpu.vector_store %arg6[%swap3A_638], %swap3A_641 {strides = array<i32>} : memref<1600xi32, #tpu.memory_space<vmem>>, vector<16xi32>,
    %add3A_642 = arith.constant 640 : i32
    %add3A_643 = arith.addi %mul3A_2, %add3A_642 : i32
    %broadcast_in_dim3A_644 = vector.broadcast %add3A_643 : i32 to vector<16xi32>
    %add3A_645 = arith.addi %iota3A, %broadcast_in_dim3A_644 : vector<16xi32>
    %div3A_646 = arith.divsi %add3A_645, %broadcast_in_dim3A_3 : vector<16xi32>
    %mul3A_647 = arith.muli %div3A_646, %broadcast_in_dim3A_3 : vector<16xi32>
    %sub3A_648 = arith.subi %add3A_645, %mul3A_647 : vector<16xi32>
    %get3A_649 = arith.constant 640 : index
    %get3A_650 = tpu.vector_load %arg5[%get3A_649] {strides = array<i32>} : memref<1600xi32, #tpu.memory_space<vmem>>, vector<16xi32>,
    %get3A_651 = vector.shape_cast %get3A_650 : vector<16xi32> to vector<16xi32>
    %mul3A_652 = arith.muli %sub3A_648, %broadcast_in_dim3A_5 : vector<16xi32>
    %add3A_653 = arith.addi %get3A_651, %mul3A_652 : vector<16xi32>
    %swap3A_654 = arith.constant 640 : index
    %swap3A_655 = tpu.vector_load %arg6[%swap3A_654] {strides = array<i32>} : memref<1600xi32, #tpu.memory_space<vmem>>, vector<16xi32>,
    %swap3A_656 = vector.shape_cast %swap3A_655 : vector<16xi32> to vector<16xi32>
    %swap3A_657 = vector.shape_cast %add3A_653 : vector<16xi32> to vector<16xi32>
    tpu.vector_store %arg6[%swap3A_654], %swap3A_657 {strides = array<i32>} : memref<1600xi32, #tpu.memory_space<vmem>>, vector<16xi32>,
    %add3A_658 = arith.constant 656 : i32
    %add3A_659 = arith.addi %mul3A_2, %add3A_658 : i32
    %broadcast_in_dim3A_660 = vector.broadcast %add3A_659 : i32 to vector<16xi32>
    %add3A_661 = arith.addi %iota3A, %broadcast_in_dim3A_660 : vector<16xi32>
    %div3A_662 = arith.divsi %add3A_661, %broadcast_in_dim3A_3 : vector<16xi32>
    %mul3A_663 = arith.muli %div3A_662, %broadcast_in_dim3A_3 : vector<16xi32>
    %sub3A_664 = arith.subi %add3A_661, %mul3A_663 : vector<16xi32>
    %get3A_665 = arith.constant 656 : index
    %get3A_666 = tpu.vector_load %arg5[%get3A_665] {strides = array<i32>} : memref<1600xi32, #tpu.memory_space<vmem>>, vector<16xi32>,
    %get3A_667 = vector.shape_cast %get3A_666 : vector<16xi32> to vector<16xi32>
    %mul3A_668 = arith.muli %sub3A_664, %broadcast_in_dim3A_5 : vector<16xi32>
    %add3A_669 = arith.addi %get3A_667, %mul3A_668 : vector<16xi32>
    %swap3A_670 = arith.constant 656 : index
    %swap3A_671 = tpu.vector_load %arg6[%swap3A_670] {strides = array<i32>} : memref<1600xi32, #tpu.memory_space<vmem>>, vector<16xi32>,
    %swap3A_672 = vector.shape_cast %swap3A_671 : vector<16xi32> to vector<16xi32>
    %swap3A_673 = vector.shape_cast %add3A_669 : vector<16xi32> to vector<16xi32>
    tpu.vector_store %arg6[%swap3A_670], %swap3A_673 {strides = array<i32>} : memref<1600xi32, #tpu.memory_space<vmem>>, vector<16xi32>,
    %add3A_674 = arith.constant 672 : i32
    %add3A_675 = arith.addi %mul3A_2, %add3A_674 : i32
    %broadcast_in_dim3A_676 = vector.broadcast %add3A_675 : i32 to vector<16xi32>
    %add3A_677 = arith.addi %iota3A, %broadcast_in_dim3A_676 : vector<16xi32>
    %div3A_678 = arith.divsi %add3A_677, %broadcast_in_dim3A_3 : vector<16xi32>
    %mul3A_679 = arith.muli %div3A_678, %broadcast_in_dim3A_3 : vector<16xi32>
    %sub3A_680 = arith.subi %add3A_677, %mul3A_679 : vector<16xi32>
    %get3A_681 = arith.constant 672 : index
    %get3A_682 = tpu.vector_load %arg5[%get3A_681] {strides = array<i32>} : memref<1600xi32, #tpu.memory_space<vmem>>, vector<16xi32>,
    %get3A_683 = vector.shape_cast %get3A_682 : vector<16xi32> to vector<16xi32>
    %mul3A_684 = arith.muli %sub3A_680, %broadcast_in_dim3A_5 : vector<16xi32>
    %add3A_685 = arith.addi %get3A_683, %mul3A_684 : vector<16xi32>
    %swap3A_686 = arith.constant 672 : index
    %swap3A_687 = tpu.vector_load %arg6[%swap3A_686] {strides = array<i32>} : memref<1600xi32, #tpu.memory_space<vmem>>, vector<16xi32>,
    %swap3A_688 = vector.shape_cast %swap3A_687 : vector<16xi32> to vector<16xi32>
    %swap3A_689 = vector.shape_cast %add3A_685 : vector<16xi32> to vector<16xi32>
    tpu.vector_store %arg6[%swap3A_686], %swap3A_689 {strides = array<i32>} : memref<1600xi32, #tpu.memory_space<vmem>>, vector<16xi32>,
    %add3A_690 = arith.constant 688 : i32
    %add3A_691 = arith.addi %mul3A_2, %add3A_690 : i32
    %broadcast_in_dim3A_692 = vector.broadcast %add3A_691 : i32 to vector<16xi32>
    %add3A_693 = arith.addi %iota3A, %broadcast_in_dim3A_692 : vector<16xi32>
    %div3A_694 = arith.divsi %add3A_693, %broadcast_in_dim3A_3 : vector<16xi32>
    %mul3A_695 = arith.muli %div3A_694, %broadcast_in_dim3A_3 : vector<16xi32>
    %sub3A_696 = arith.subi %add3A_693, %mul3A_695 : vector<16xi32>
    %get3A_697 = arith.constant 688 : index
    %get3A_698 = tpu.vector_load %arg5[%get3A_697] {strides = array<i32>} : memref<1600xi32, #tpu.memory_space<vmem>>, vector<16xi32>,
    %get3A_699 = vector.shape_cast %get3A_698 : vector<16xi32> to vector<16xi32>
    %mul3A_700 = arith.muli %sub3A_696, %broadcast_in_dim3A_5 : vector<16xi32>
    %add3A_701 = arith.addi %get3A_699, %mul3A_700 : vector<16xi32>
    %swap3A_702 = arith.constant 688 : index
    %swap3A_703 = tpu.vector_load %arg6[%swap3A_702] {strides = array<i32>} : memref<1600xi32, #tpu.memory_space<vmem>>, vector<16xi32>,
    %swap3A_704 = vector.shape_cast %swap3A_703 : vector<16xi32> to vector<16xi32>
    %swap3A_705 = vector.shape_cast %add3A_701 : vector<16xi32> to vector<16xi32>
    tpu.vector_store %arg6[%swap3A_702], %swap3A_705 {strides = array<i32>} : memref<1600xi32, #tpu.memory_space<vmem>>, vector<16xi32>,
    %add3A_706 = arith.constant 704 : i32
    %add3A_707 = arith.addi %mul3A_2, %add3A_706 : i32
    %broadcast_in_dim3A_708 = vector.broadcast %add3A_707 : i32 to vector<16xi32>
    %add3A_709 = arith.addi %iota3A, %broadcast_in_dim3A_708 : vector<16xi32>
    %div3A_710 = arith.divsi %add3A_709, %broadcast_in_dim3A_3 : vector<16xi32>
    %mul3A_711 = arith.muli %div3A_710, %broadcast_in_dim3A_3 : vector<16xi32>
    %sub3A_712 = arith.subi %add3A_709, %mul3A_711 : vector<16xi32>
    %get3A_713 = arith.constant 704 : index
    %get3A_714 = tpu.vector_load %arg5[%get3A_713] {strides = array<i32>} : memref<1600xi32, #tpu.memory_space<vmem>>, vector<16xi32>,
    %get3A_715 = vector.shape_cast %get3A_714 : vector<16xi32> to vector<16xi32>
    %mul3A_716 = arith.muli %sub3A_712, %broadcast_in_dim3A_5 : vector<16xi32>
    %add3A_717 = arith.addi %get3A_715, %mul3A_716 : vector<16xi32>
    %swap3A_718 = arith.constant 704 : index
    %swap3A_719 = tpu.vector_load %arg6[%swap3A_718] {strides = array<i32>} : memref<1600xi32, #tpu.memory_space<vmem>>, vector<16xi32>,
    %swap3A_720 = vector.shape_cast %swap3A_719 : vector<16xi32> to vector<16xi32>
    %swap3A_721 = vector.shape_cast %add3A_717 : vector<16xi32> to vector<16xi32>
    tpu.vector_store %arg6[%swap3A_718], %swap3A_721 {strides = array<i32>} : memref<1600xi32, #tpu.memory_space<vmem>>, vector<16xi32>,
    %add3A_722 = arith.constant 720 : i32
    %add3A_723 = arith.addi %mul3A_2, %add3A_722 : i32
    %broadcast_in_dim3A_724 = vector.broadcast %add3A_723 : i32 to vector<16xi32>
    %add3A_725 = arith.addi %iota3A, %broadcast_in_dim3A_724 : vector<16xi32>
    %div3A_726 = arith.divsi %add3A_725, %broadcast_in_dim3A_3 : vector<16xi32>
    %mul3A_727 = arith.muli %div3A_726, %broadcast_in_dim3A_3 : vector<16xi32>
    %sub3A_728 = arith.subi %add3A_725, %mul3A_727 : vector<16xi32>
    %get3A_729 = arith.constant 720 : index
    %get3A_730 = tpu.vector_load %arg5[%get3A_729] {strides = array<i32>} : memref<1600xi32, #tpu.memory_space<vmem>>, vector<16xi32>,
    %get3A_731 = vector.shape_cast %get3A_730 : vector<16xi32> to vector<16xi32>
    %mul3A_732 = arith.muli %sub3A_728, %broadcast_in_dim3A_5 : vector<16xi32>
    %add3A_733 = arith.addi %get3A_731, %mul3A_732 : vector<16xi32>
    %swap3A_734 = arith.constant 720 : index
    %swap3A_735 = tpu.vector_load %arg6[%swap3A_734] {strides = array<i32>} : memref<1600xi32, #tpu.memory_space<vmem>>, vector<16xi32>,
    %swap3A_736 = vector.shape_cast %swap3A_735 : vector<16xi32> to vector<16xi32>
    %swap3A_737 = vector.shape_cast %add3A_733 : vector<16xi32> to vector<16xi32>
    tpu.vector_store %arg6[%swap3A_734], %swap3A_737 {strides = array<i32>} : memref<1600xi32, #tpu.memory_space<vmem>>, vector<16xi32>,
    %add3A_738 = arith.constant 736 : i32
    %add3A_739 = arith.addi %mul3A_2, %add3A_738 : i32
    %broadcast_in_dim3A_740 = vector.broadcast %add3A_739 : i32 to vector<16xi32>
    %add3A_741 = arith.addi %iota3A, %broadcast_in_dim3A_740 : vector<16xi32>
    %div3A_742 = arith.divsi %add3A_741, %broadcast_in_dim3A_3 : vector<16xi32>
    %mul3A_743 = arith.muli %div3A_742, %broadcast_in_dim3A_3 : vector<16xi32>
    %sub3A_744 = arith.subi %add3A_741, %mul3A_743 : vector<16xi32>
    %get3A_745 = arith.constant 736 : index
    %get3A_746 = tpu.vector_load %arg5[%get3A_745] {strides = array<i32>} : memref<1600xi32, #tpu.memory_space<vmem>>, vector<16xi32>,
    %get3A_747 = vector.shape_cast %get3A_746 : vector<16xi32> to vector<16xi32>
    %mul3A_748 = arith.muli %sub3A_744, %broadcast_in_dim3A_5 : vector<16xi32>
    %add3A_749 = arith.addi %get3A_747, %mul3A_748 : vector<16xi32>
    %swap3A_750 = arith.constant 736 : index
    %swap3A_751 = tpu.vector_load %arg6[%swap3A_750] {strides = array<i32>} : memref<1600xi32, #tpu.memory_space<vmem>>, vector<16xi32>,
    %swap3A_752 = vector.shape_cast %swap3A_751 : vector<16xi32> to vector<16xi32>
    %swap3A_753 = vector.shape_cast %add3A_749 : vector<16xi32> to vector<16xi32>
    tpu.vector_store %arg6[%swap3A_750], %swap3A_753 {strides = array<i32>} : memref<1600xi32, #tpu.memory_space<vmem>>, vector<16xi32>,
    %add3A_754 = arith.constant 752 : i32
    %add3A_755 = arith.addi %mul3A_2, %add3A_754 : i32
    %broadcast_in_dim3A_756 = vector.broadcast %add3A_755 : i32 to vector<16xi32>
    %add3A_757 = arith.addi %iota3A, %broadcast_in_dim3A_756 : vector<16xi32>
    %div3A_758 = arith.divsi %add3A_757, %broadcast_in_dim3A_3 : vector<16xi32>
    %mul3A_759 = arith.muli %div3A_758, %broadcast_in_dim3A_3 : vector<16xi32>
    %sub3A_760 = arith.subi %add3A_757, %mul3A_759 : vector<16xi32>
    %get3A_761 = arith.constant 752 : index
    %get3A_762 = tpu.vector_load %arg5[%get3A_761] {strides = array<i32>} : memref<1600xi32, #tpu.memory_space<vmem>>, vector<16xi32>,
    %get3A_763 = vector.shape_cast %get3A_762 : vector<16xi32> to vector<16xi32>
    %mul3A_764 = arith.muli %sub3A_760, %broadcast_in_dim3A_5 : vector<16xi32>
    %add3A_765 = arith.addi %get3A_763, %mul3A_764 : vector<16xi32>
    %swap3A_766 = arith.constant 752 : index
    %swap3A_767 = tpu.vector_load %arg6[%swap3A_766] {strides = array<i32>} : memref<1600xi32, #tpu.memory_space<vmem>>, vector<16xi32>,
    %swap3A_768 = vector.shape_cast %swap3A_767 : vector<16xi32> to vector<16xi32>
    %swap3A_769 = vector.shape_cast %add3A_765 : vector<16xi32> to vector<16xi32>
    tpu.vector_store %arg6[%swap3A_766], %swap3A_769 {strides = array<i32>} : memref<1600xi32, #tpu.memory_space<vmem>>, vector<16xi32>,
    %add3A_770 = arith.constant 768 : i32
    %add3A_771 = arith.addi %mul3A_2, %add3A_770 : i32
    %broadcast_in_dim3A_772 = vector.broadcast %add3A_771 : i32 to vector<16xi32>
    %add3A_773 = arith.addi %iota3A, %broadcast_in_dim3A_772 : vector<16xi32>
    %div3A_774 = arith.divsi %add3A_773, %broadcast_in_dim3A_3 : vector<16xi32>
    %mul3A_775 = arith.muli %div3A_774, %broadcast_in_dim3A_3 : vector<16xi32>
    %sub3A_776 = arith.subi %add3A_773, %mul3A_775 : vector<16xi32>
    %get3A_777 = arith.constant 768 : index
    %get3A_778 = tpu.vector_load %arg5[%get3A_777] {strides = array<i32>} : memref<1600xi32, #tpu.memory_space<vmem>>, vector<16xi32>,
    %get3A_779 = vector.shape_cast %get3A_778 : vector<16xi32> to vector<16xi32>
    %mul3A_780 = arith.muli %sub3A_776, %broadcast_in_dim3A_5 : vector<16xi32>
    %add3A_781 = arith.addi %get3A_779, %mul3A_780 : vector<16xi32>
    %swap3A_782 = arith.constant 768 : index
    %swap3A_783 = tpu.vector_load %arg6[%swap3A_782] {strides = array<i32>} : memref<1600xi32, #tpu.memory_space<vmem>>, vector<16xi32>,
    %swap3A_784 = vector.shape_cast %swap3A_783 : vector<16xi32> to vector<16xi32>
    %swap3A_785 = vector.shape_cast %add3A_781 : vector<16xi32> to vector<16xi32>
    tpu.vector_store %arg6[%swap3A_782], %swap3A_785 {strides = array<i32>} : memref<1600xi32, #tpu.memory_space<vmem>>, vector<16xi32>,
    %add3A_786 = arith.constant 784 : i32
    %add3A_787 = arith.addi %mul3A_2, %add3A_786 : i32
    %broadcast_in_dim3A_788 = vector.broadcast %add3A_787 : i32 to vector<16xi32>
    %add3A_789 = arith.addi %iota3A, %broadcast_in_dim3A_788 : vector<16xi32>
    %div3A_790 = arith.divsi %add3A_789, %broadcast_in_dim3A_3 : vector<16xi32>
    %mul3A_791 = arith.muli %div3A_790, %broadcast_in_dim3A_3 : vector<16xi32>
    %sub3A_792 = arith.subi %add3A_789, %mul3A_791 : vector<16xi32>
    %get3A_793 = arith.constant 784 : index
    %get3A_794 = tpu.vector_load %arg5[%get3A_793] {strides = array<i32>} : memref<1600xi32, #tpu.memory_space<vmem>>, vector<16xi32>,
    %get3A_795 = vector.shape_cast %get3A_794 : vector<16xi32> to vector<16xi32>
    %mul3A_796 = arith.muli %sub3A_792, %broadcast_in_dim3A_5 : vector<16xi32>
    %add3A_797 = arith.addi %get3A_795, %mul3A_796 : vector<16xi32>
    %swap3A_798 = arith.constant 784 : index
    %swap3A_799 = tpu.vector_load %arg6[%swap3A_798] {strides = array<i32>} : memref<1600xi32, #tpu.memory_space<vmem>>, vector<16xi32>,
    %swap3A_800 = vector.shape_cast %swap3A_799 : vector<16xi32> to vector<16xi32>
    %swap3A_801 = vector.shape_cast %add3A_797 : vector<16xi32> to vector<16xi32>
    tpu.vector_store %arg6[%swap3A_798], %swap3A_801 {strides = array<i32>} : memref<1600xi32, #tpu.memory_space<vmem>>, vector<16xi32>,
    %add3A_802 = arith.constant 800 : i32
    %add3A_803 = arith.addi %mul3A_2, %add3A_802 : i32
    %broadcast_in_dim3A_804 = vector.broadcast %add3A_803 : i32 to vector<16xi32>
    %add3A_805 = arith.addi %iota3A, %broadcast_in_dim3A_804 : vector<16xi32>
    %div3A_806 = arith.divsi %add3A_805, %broadcast_in_dim3A_3 : vector<16xi32>
    %mul3A_807 = arith.muli %div3A_806, %broadcast_in_dim3A_3 : vector<16xi32>
    %sub3A_808 = arith.subi %add3A_805, %mul3A_807 : vector<16xi32>
    %get3A_809 = arith.constant 800 : index
    %get3A_810 = tpu.vector_load %arg5[%get3A_809] {strides = array<i32>} : memref<1600xi32, #tpu.memory_space<vmem>>, vector<16xi32>,
    %get3A_811 = vector.shape_cast %get3A_810 : vector<16xi32> to vector<16xi32>
    %mul3A_812 = arith.muli %sub3A_808, %broadcast_in_dim3A_5 : vector<16xi32>
    %add3A_813 = arith.addi %get3A_811, %mul3A_812 : vector<16xi32>
    %swap3A_814 = arith.constant 800 : index
    %swap3A_815 = tpu.vector_load %arg6[%swap3A_814] {strides = array<i32>} : memref<1600xi32, #tpu.memory_space<vmem>>, vector<16xi32>,
    %swap3A_816 = vector.shape_cast %swap3A_815 : vector<16xi32> to vector<16xi32>
    %swap3A_817 = vector.shape_cast %add3A_813 : vector<16xi32> to vector<16xi32>
    tpu.vector_store %arg6[%swap3A_814], %swap3A_817 {strides = array<i32>} : memref<1600xi32, #tpu.memory_space<vmem>>, vector<16xi32>,
    %add3A_818 = arith.constant 816 : i32
    %add3A_819 = arith.addi %mul3A_2, %add3A_818 : i32
    %broadcast_in_dim3A_820 = vector.broadcast %add3A_819 : i32 to vector<16xi32>
    %add3A_821 = arith.addi %iota3A, %broadcast_in_dim3A_820 : vector<16xi32>
    %div3A_822 = arith.divsi %add3A_821, %broadcast_in_dim3A_3 : vector<16xi32>
    %mul3A_823 = arith.muli %div3A_822, %broadcast_in_dim3A_3 : vector<16xi32>
    %sub3A_824 = arith.subi %add3A_821, %mul3A_823 : vector<16xi32>
    %get3A_825 = arith.constant 816 : index
    %get3A_826 = tpu.vector_load %arg5[%get3A_825] {strides = array<i32>} : memref<1600xi32, #tpu.memory_space<vmem>>, vector<16xi32>,
    %get3A_827 = vector.shape_cast %get3A_826 : vector<16xi32> to vector<16xi32>
    %mul3A_828 = arith.muli %sub3A_824, %broadcast_in_dim3A_5 : vector<16xi32>
    %add3A_829 = arith.addi %get3A_827, %mul3A_828 : vector<16xi32>
    %swap3A_830 = arith.constant 816 : index
    %swap3A_831 = tpu.vector_load %arg6[%swap3A_830] {strides = array<i32>} : memref<1600xi32, #tpu.memory_space<vmem>>, vector<16xi32>,
    %swap3A_832 = vector.shape_cast %swap3A_831 : vector<16xi32> to vector<16xi32>
    %swap3A_833 = vector.shape_cast %add3A_829 : vector<16xi32> to vector<16xi32>
    tpu.vector_store %arg6[%swap3A_830], %swap3A_833 {strides = array<i32>} : memref<1600xi32, #tpu.memory_space<vmem>>, vector<16xi32>,
    %add3A_834 = arith.constant 832 : i32
    %add3A_835 = arith.addi %mul3A_2, %add3A_834 : i32
    %broadcast_in_dim3A_836 = vector.broadcast %add3A_835 : i32 to vector<16xi32>
    %add3A_837 = arith.addi %iota3A, %broadcast_in_dim3A_836 : vector<16xi32>
    %div3A_838 = arith.divsi %add3A_837, %broadcast_in_dim3A_3 : vector<16xi32>
    %mul3A_839 = arith.muli %div3A_838, %broadcast_in_dim3A_3 : vector<16xi32>
    %sub3A_840 = arith.subi %add3A_837, %mul3A_839 : vector<16xi32>
    %get3A_841 = arith.constant 832 : index
    %get3A_842 = tpu.vector_load %arg5[%get3A_841] {strides = array<i32>} : memref<1600xi32, #tpu.memory_space<vmem>>, vector<16xi32>,
    %get3A_843 = vector.shape_cast %get3A_842 : vector<16xi32> to vector<16xi32>
    %mul3A_844 = arith.muli %sub3A_840, %broadcast_in_dim3A_5 : vector<16xi32>
    %add3A_845 = arith.addi %get3A_843, %mul3A_844 : vector<16xi32>
    %swap3A_846 = arith.constant 832 : index
    %swap3A_847 = tpu.vector_load %arg6[%swap3A_846] {strides = array<i32>} : memref<1600xi32, #tpu.memory_space<vmem>>, vector<16xi32>,
    %swap3A_848 = vector.shape_cast %swap3A_847 : vector<16xi32> to vector<16xi32>
    %swap3A_849 = vector.shape_cast %add3A_845 : vector<16xi32> to vector<16xi32>
    tpu.vector_store %arg6[%swap3A_846], %swap3A_849 {strides = array<i32>} : memref<1600xi32, #tpu.memory_space<vmem>>, vector<16xi32>,
    %add3A_850 = arith.constant 848 : i32
    %add3A_851 = arith.addi %mul3A_2, %add3A_850 : i32
    %broadcast_in_dim3A_852 = vector.broadcast %add3A_851 : i32 to vector<16xi32>
    %add3A_853 = arith.addi %iota3A, %broadcast_in_dim3A_852 : vector<16xi32>
    %div3A_854 = arith.divsi %add3A_853, %broadcast_in_dim3A_3 : vector<16xi32>
    %mul3A_855 = arith.muli %div3A_854, %broadcast_in_dim3A_3 : vector<16xi32>
    %sub3A_856 = arith.subi %add3A_853, %mul3A_855 : vector<16xi32>
    %get3A_857 = arith.constant 848 : index
    %get3A_858 = tpu.vector_load %arg5[%get3A_857] {strides = array<i32>} : memref<1600xi32, #tpu.memory_space<vmem>>, vector<16xi32>,
    %get3A_859 = vector.shape_cast %get3A_858 : vector<16xi32> to vector<16xi32>
    %mul3A_860 = arith.muli %sub3A_856, %broadcast_in_dim3A_5 : vector<16xi32>
    %add3A_861 = arith.addi %get3A_859, %mul3A_860 : vector<16xi32>
    %swap3A_862 = arith.constant 848 : index
    %swap3A_863 = tpu.vector_load %arg6[%swap3A_862] {strides = array<i32>} : memref<1600xi32, #tpu.memory_space<vmem>>, vector<16xi32>,
    %swap3A_864 = vector.shape_cast %swap3A_863 : vector<16xi32> to vector<16xi32>
    %swap3A_865 = vector.shape_cast %add3A_861 : vector<16xi32> to vector<16xi32>
    tpu.vector_store %arg6[%swap3A_862], %swap3A_865 {strides = array<i32>} : memref<1600xi32, #tpu.memory_space<vmem>>, vector<16xi32>,
    %add3A_866 = arith.constant 864 : i32
    %add3A_867 = arith.addi %mul3A_2, %add3A_866 : i32
    %broadcast_in_dim3A_868 = vector.broadcast %add3A_867 : i32 to vector<16xi32>
    %add3A_869 = arith.addi %iota3A, %broadcast_in_dim3A_868 : vector<16xi32>
    %div3A_870 = arith.divsi %add3A_869, %broadcast_in_dim3A_3 : vector<16xi32>
    %mul3A_871 = arith.muli %div3A_870, %broadcast_in_dim3A_3 : vector<16xi32>
    %sub3A_872 = arith.subi %add3A_869, %mul3A_871 : vector<16xi32>
    %get3A_873 = arith.constant 864 : index
    %get3A_874 = tpu.vector_load %arg5[%get3A_873] {strides = array<i32>} : memref<1600xi32, #tpu.memory_space<vmem>>, vector<16xi32>,
    %get3A_875 = vector.shape_cast %get3A_874 : vector<16xi32> to vector<16xi32>
    %mul3A_876 = arith.muli %sub3A_872, %broadcast_in_dim3A_5 : vector<16xi32>
    %add3A_877 = arith.addi %get3A_875, %mul3A_876 : vector<16xi32>
    %swap3A_878 = arith.constant 864 : index
    %swap3A_879 = tpu.vector_load %arg6[%swap3A_878] {strides = array<i32>} : memref<1600xi32, #tpu.memory_space<vmem>>, vector<16xi32>,
    %swap3A_880 = vector.shape_cast %swap3A_879 : vector<16xi32> to vector<16xi32>
    %swap3A_881 = vector.shape_cast %add3A_877 : vector<16xi32> to vector<16xi32>
    tpu.vector_store %arg6[%swap3A_878], %swap3A_881 {strides = array<i32>} : memref<1600xi32, #tpu.memory_space<vmem>>, vector<16xi32>,
    %add3A_882 = arith.constant 880 : i32
    %add3A_883 = arith.addi %mul3A_2, %add3A_882 : i32
    %broadcast_in_dim3A_884 = vector.broadcast %add3A_883 : i32 to vector<16xi32>
    %add3A_885 = arith.addi %iota3A, %broadcast_in_dim3A_884 : vector<16xi32>
    %div3A_886 = arith.divsi %add3A_885, %broadcast_in_dim3A_3 : vector<16xi32>
    %mul3A_887 = arith.muli %div3A_886, %broadcast_in_dim3A_3 : vector<16xi32>
    %sub3A_888 = arith.subi %add3A_885, %mul3A_887 : vector<16xi32>
    %get3A_889 = arith.constant 880 : index
    %get3A_890 = tpu.vector_load %arg5[%get3A_889] {strides = array<i32>} : memref<1600xi32, #tpu.memory_space<vmem>>, vector<16xi32>,
    %get3A_891 = vector.shape_cast %get3A_890 : vector<16xi32> to vector<16xi32>
    %mul3A_892 = arith.muli %sub3A_888, %broadcast_in_dim3A_5 : vector<16xi32>
    %add3A_893 = arith.addi %get3A_891, %mul3A_892 : vector<16xi32>
    %swap3A_894 = arith.constant 880 : index
    %swap3A_895 = tpu.vector_load %arg6[%swap3A_894] {strides = array<i32>} : memref<1600xi32, #tpu.memory_space<vmem>>, vector<16xi32>,
    %swap3A_896 = vector.shape_cast %swap3A_895 : vector<16xi32> to vector<16xi32>
    %swap3A_897 = vector.shape_cast %add3A_893 : vector<16xi32> to vector<16xi32>
    tpu.vector_store %arg6[%swap3A_894], %swap3A_897 {strides = array<i32>} : memref<1600xi32, #tpu.memory_space<vmem>>, vector<16xi32>,
    %add3A_898 = arith.constant 896 : i32
    %add3A_899 = arith.addi %mul3A_2, %add3A_898 : i32
    %broadcast_in_dim3A_900 = vector.broadcast %add3A_899 : i32 to vector<16xi32>
    %add3A_901 = arith.addi %iota3A, %broadcast_in_dim3A_900 : vector<16xi32>
    %div3A_902 = arith.divsi %add3A_901, %broadcast_in_dim3A_3 : vector<16xi32>
    %mul3A_903 = arith.muli %div3A_902, %broadcast_in_dim3A_3 : vector<16xi32>
    %sub3A_904 = arith.subi %add3A_901, %mul3A_903 : vector<16xi32>
    %get3A_905 = arith.constant 896 : index
    %get3A_906 = tpu.vector_load %arg5[%get3A_905] {strides = array<i32>} : memref<1600xi32, #tpu.memory_space<vmem>>, vector<16xi32>,
    %get3A_907 = vector.shape_cast %get3A_906 : vector<16xi32> to vector<16xi32>
    %mul3A_908 = arith.muli %sub3A_904, %broadcast_in_dim3A_5 : vector<16xi32>
    %add3A_909 = arith.addi %get3A_907, %mul3A_908 : vector<16xi32>
    %swap3A_910 = arith.constant 896 : index
    %swap3A_911 = tpu.vector_load %arg6[%swap3A_910] {strides = array<i32>} : memref<1600xi32, #tpu.memory_space<vmem>>, vector<16xi32>,
    %swap3A_912 = vector.shape_cast %swap3A_911 : vector<16xi32> to vector<16xi32>
    %swap3A_913 = vector.shape_cast %add3A_909 : vector<16xi32> to vector<16xi32>
    tpu.vector_store %arg6[%swap3A_910], %swap3A_913 {strides = array<i32>} : memref<1600xi32, #tpu.memory_space<vmem>>, vector<16xi32>,
    %add3A_914 = arith.constant 912 : i32
    %add3A_915 = arith.addi %mul3A_2, %add3A_914 : i32
    %broadcast_in_dim3A_916 = vector.broadcast %add3A_915 : i32 to vector<16xi32>
    %add3A_917 = arith.addi %iota3A, %broadcast_in_dim3A_916 : vector<16xi32>
    %div3A_918 = arith.divsi %add3A_917, %broadcast_in_dim3A_3 : vector<16xi32>
    %mul3A_919 = arith.muli %div3A_918, %broadcast_in_dim3A_3 : vector<16xi32>
    %sub3A_920 = arith.subi %add3A_917, %mul3A_919 : vector<16xi32>
    %get3A_921 = arith.constant 912 : index
    %get3A_922 = tpu.vector_load %arg5[%get3A_921] {strides = array<i32>} : memref<1600xi32, #tpu.memory_space<vmem>>, vector<16xi32>,
    %get3A_923 = vector.shape_cast %get3A_922 : vector<16xi32> to vector<16xi32>
    %mul3A_924 = arith.muli %sub3A_920, %broadcast_in_dim3A_5 : vector<16xi32>
    %add3A_925 = arith.addi %get3A_923, %mul3A_924 : vector<16xi32>
    %swap3A_926 = arith.constant 912 : index
    %swap3A_927 = tpu.vector_load %arg6[%swap3A_926] {strides = array<i32>} : memref<1600xi32, #tpu.memory_space<vmem>>, vector<16xi32>,
    %swap3A_928 = vector.shape_cast %swap3A_927 : vector<16xi32> to vector<16xi32>
    %swap3A_929 = vector.shape_cast %add3A_925 : vector<16xi32> to vector<16xi32>
    tpu.vector_store %arg6[%swap3A_926], %swap3A_929 {strides = array<i32>} : memref<1600xi32, #tpu.memory_space<vmem>>, vector<16xi32>,
    %add3A_930 = arith.constant 928 : i32
    %add3A_931 = arith.addi %mul3A_2, %add3A_930 : i32
    %broadcast_in_dim3A_932 = vector.broadcast %add3A_931 : i32 to vector<16xi32>
    %add3A_933 = arith.addi %iota3A, %broadcast_in_dim3A_932 : vector<16xi32>
    %div3A_934 = arith.divsi %add3A_933, %broadcast_in_dim3A_3 : vector<16xi32>
    %mul3A_935 = arith.muli %div3A_934, %broadcast_in_dim3A_3 : vector<16xi32>
    %sub3A_936 = arith.subi %add3A_933, %mul3A_935 : vector<16xi32>
    %get3A_937 = arith.constant 928 : index
    %get3A_938 = tpu.vector_load %arg5[%get3A_937] {strides = array<i32>} : memref<1600xi32, #tpu.memory_space<vmem>>, vector<16xi32>,
    %get3A_939 = vector.shape_cast %get3A_938 : vector<16xi32> to vector<16xi32>
    %mul3A_940 = arith.muli %sub3A_936, %broadcast_in_dim3A_5 : vector<16xi32>
    %add3A_941 = arith.addi %get3A_939, %mul3A_940 : vector<16xi32>
    %swap3A_942 = arith.constant 928 : index
    %swap3A_943 = tpu.vector_load %arg6[%swap3A_942] {strides = array<i32>} : memref<1600xi32, #tpu.memory_space<vmem>>, vector<16xi32>,
    %swap3A_944 = vector.shape_cast %swap3A_943 : vector<16xi32> to vector<16xi32>
    %swap3A_945 = vector.shape_cast %add3A_941 : vector<16xi32> to vector<16xi32>
    tpu.vector_store %arg6[%swap3A_942], %swap3A_945 {strides = array<i32>} : memref<1600xi32, #tpu.memory_space<vmem>>, vector<16xi32>,
    %add3A_946 = arith.constant 944 : i32
    %add3A_947 = arith.addi %mul3A_2, %add3A_946 : i32
    %broadcast_in_dim3A_948 = vector.broadcast %add3A_947 : i32 to vector<16xi32>
    %add3A_949 = arith.addi %iota3A, %broadcast_in_dim3A_948 : vector<16xi32>
    %div3A_950 = arith.divsi %add3A_949, %broadcast_in_dim3A_3 : vector<16xi32>
    %mul3A_951 = arith.muli %div3A_950, %broadcast_in_dim3A_3 : vector<16xi32>
    %sub3A_952 = arith.subi %add3A_949, %mul3A_951 : vector<16xi32>
    %get3A_953 = arith.constant 944 : index
    %get3A_954 = tpu.vector_load %arg5[%get3A_953] {strides = array<i32>} : memref<1600xi32, #tpu.memory_space<vmem>>, vector<16xi32>,
    %get3A_955 = vector.shape_cast %get3A_954 : vector<16xi32> to vector<16xi32>
    %mul3A_956 = arith.muli %sub3A_952, %broadcast_in_dim3A_5 : vector<16xi32>
    %add3A_957 = arith.addi %get3A_955, %mul3A_956 : vector<16xi32>
    %swap3A_958 = arith.constant 944 : index
    %swap3A_959 = tpu.vector_load %arg6[%swap3A_958] {strides = array<i32>} : memref<1600xi32, #tpu.memory_space<vmem>>, vector<16xi32>,
    %swap3A_960 = vector.shape_cast %swap3A_959 : vector<16xi32> to vector<16xi32>
    %swap3A_961 = vector.shape_cast %add3A_957 : vector<16xi32> to vector<16xi32>
    tpu.vector_store %arg6[%swap3A_958], %swap3A_961 {strides = array<i32>} : memref<1600xi32, #tpu.memory_space<vmem>>, vector<16xi32>,
    %add3A_962 = arith.constant 960 : i32
    %add3A_963 = arith.addi %mul3A_2, %add3A_962 : i32
    %broadcast_in_dim3A_964 = vector.broadcast %add3A_963 : i32 to vector<16xi32>
    %add3A_965 = arith.addi %iota3A, %broadcast_in_dim3A_964 : vector<16xi32>
    %div3A_966 = arith.divsi %add3A_965, %broadcast_in_dim3A_3 : vector<16xi32>
    %mul3A_967 = arith.muli %div3A_966, %broadcast_in_dim3A_3 : vector<16xi32>
    %sub3A_968 = arith.subi %add3A_965, %mul3A_967 : vector<16xi32>
    %get3A_969 = arith.constant 960 : index
    %get3A_970 = tpu.vector_load %arg5[%get3A_969] {strides = array<i32>} : memref<1600xi32, #tpu.memory_space<vmem>>, vector<16xi32>,
    %get3A_971 = vector.shape_cast %get3A_970 : vector<16xi32> to vector<16xi32>
    %mul3A_972 = arith.muli %sub3A_968, %broadcast_in_dim3A_5 : vector<16xi32>
    %add3A_973 = arith.addi %get3A_971, %mul3A_972 : vector<16xi32>
    %swap3A_974 = arith.constant 960 : index
    %swap3A_975 = tpu.vector_load %arg6[%swap3A_974] {strides = array<i32>} : memref<1600xi32, #tpu.memory_space<vmem>>, vector<16xi32>,
    %swap3A_976 = vector.shape_cast %swap3A_975 : vector<16xi32> to vector<16xi32>
    %swap3A_977 = vector.shape_cast %add3A_973 : vector<16xi32> to vector<16xi32>
    tpu.vector_store %arg6[%swap3A_974], %swap3A_977 {strides = array<i32>} : memref<1600xi32, #tpu.memory_space<vmem>>, vector<16xi32>,
    %add3A_978 = arith.constant 976 : i32
    %add3A_979 = arith.addi %mul3A_2, %add3A_978 : i32
    %broadcast_in_dim3A_980 = vector.broadcast %add3A_979 : i32 to vector<16xi32>
    %add3A_981 = arith.addi %iota3A, %broadcast_in_dim3A_980 : vector<16xi32>
    %div3A_982 = arith.divsi %add3A_981, %broadcast_in_dim3A_3 : vector<16xi32>
    %mul3A_983 = arith.muli %div3A_982, %broadcast_in_dim3A_3 : vector<16xi32>
    %sub3A_984 = arith.subi %add3A_981, %mul3A_983 : vector<16xi32>
    %get3A_985 = arith.constant 976 : index
    %get3A_986 = tpu.vector_load %arg5[%get3A_985] {strides = array<i32>} : memref<1600xi32, #tpu.memory_space<vmem>>, vector<16xi32>,
    %get3A_987 = vector.shape_cast %get3A_986 : vector<16xi32> to vector<16xi32>
    %mul3A_988 = arith.muli %sub3A_984, %broadcast_in_dim3A_5 : vector<16xi32>
    %add3A_989 = arith.addi %get3A_987, %mul3A_988 : vector<16xi32>
    %swap3A_990 = arith.constant 976 : index
    %swap3A_991 = tpu.vector_load %arg6[%swap3A_990] {strides = array<i32>} : memref<1600xi32, #tpu.memory_space<vmem>>, vector<16xi32>,
    %swap3A_992 = vector.shape_cast %swap3A_991 : vector<16xi32> to vector<16xi32>
    %swap3A_993 = vector.shape_cast %add3A_989 : vector<16xi32> to vector<16xi32>
    tpu.vector_store %arg6[%swap3A_990], %swap3A_993 {strides = array<i32>} : memref<1600xi32, #tpu.memory_space<vmem>>, vector<16xi32>,
    %add3A_994 = arith.constant 992 : i32
    %add3A_995 = arith.addi %mul3A_2, %add3A_994 : i32
    %broadcast_in_dim3A_996 = vector.broadcast %add3A_995 : i32 to vector<16xi32>
    %add3A_997 = arith.addi %iota3A, %broadcast_in_dim3A_996 : vector<16xi32>
    %div3A_998 = arith.divsi %add3A_997, %broadcast_in_dim3A_3 : vector<16xi32>
    %mul3A_999 = arith.muli %div3A_998, %broadcast_in_dim3A_3 : vector<16xi32>
    %sub3A_1000 = arith.subi %add3A_997, %mul3A_999 : vector<16xi32>
    %get3A_1001 = arith.constant 992 : index
    %get3A_1002 = tpu.vector_load %arg5[%get3A_1001] {strides = array<i32>} : memref<1600xi32, #tpu.memory_space<vmem>>, vector<16xi32>,
    %get3A_1003 = vector.shape_cast %get3A_1002 : vector<16xi32> to vector<16xi32>
    %mul3A_1004 = arith.muli %sub3A_1000, %broadcast_in_dim3A_5 : vector<16xi32>
    %add3A_1005 = arith.addi %get3A_1003, %mul3A_1004 : vector<16xi32>
    %swap3A_1006 = arith.constant 992 : index
    %swap3A_1007 = tpu.vector_load %arg6[%swap3A_1006] {strides = array<i32>} : memref<1600xi32, #tpu.memory_space<vmem>>, vector<16xi32>,
    %swap3A_1008 = vector.shape_cast %swap3A_1007 : vector<16xi32> to vector<16xi32>
    %swap3A_1009 = vector.shape_cast %add3A_1005 : vector<16xi32> to vector<16xi32>
    tpu.vector_store %arg6[%swap3A_1006], %swap3A_1009 {strides = array<i32>} : memref<1600xi32, #tpu.memory_space<vmem>>, vector<16xi32>,
    %add3A_1010 = arith.constant 1008 : i32
    %add3A_1011 = arith.addi %mul3A_2, %add3A_1010 : i32
    %broadcast_in_dim3A_1012 = vector.broadcast %add3A_1011 : i32 to vector<16xi32>
    %add3A_1013 = arith.addi %iota3A, %broadcast_in_dim3A_1012 : vector<16xi32>
    %div3A_1014 = arith.divsi %add3A_1013, %broadcast_in_dim3A_3 : vector<16xi32>
    %mul3A_1015 = arith.muli %div3A_1014, %broadcast_in_dim3A_3 : vector<16xi32>
    %sub3A_1016 = arith.subi %add3A_1013, %mul3A_1015 : vector<16xi32>
    %get3A_1017 = arith.constant 1008 : index
    %get3A_1018 = tpu.vector_load %arg5[%get3A_1017] {strides = array<i32>} : memref<1600xi32, #tpu.memory_space<vmem>>, vector<16xi32>,
    %get3A_1019 = vector.shape_cast %get3A_1018 : vector<16xi32> to vector<16xi32>
    %mul3A_1020 = arith.muli %sub3A_1016, %broadcast_in_dim3A_5 : vector<16xi32>
    %add3A_1021 = arith.addi %get3A_1019, %mul3A_1020 : vector<16xi32>
    %swap3A_1022 = arith.constant 1008 : index
    %swap3A_1023 = tpu.vector_load %arg6[%swap3A_1022] {strides = array<i32>} : memref<1600xi32, #tpu.memory_space<vmem>>, vector<16xi32>,
    %swap3A_1024 = vector.shape_cast %swap3A_1023 : vector<16xi32> to vector<16xi32>
    %swap3A_1025 = vector.shape_cast %add3A_1021 : vector<16xi32> to vector<16xi32>
    tpu.vector_store %arg6[%swap3A_1022], %swap3A_1025 {strides = array<i32>} : memref<1600xi32, #tpu.memory_space<vmem>>, vector<16xi32>,
    %add3A_1026 = arith.constant 1024 : i32
    %add3A_1027 = arith.addi %mul3A_2, %add3A_1026 : i32
    %broadcast_in_dim3A_1028 = vector.broadcast %add3A_1027 : i32 to vector<16xi32>
    %add3A_1029 = arith.addi %iota3A, %broadcast_in_dim3A_1028 : vector<16xi32>
    %div3A_1030 = arith.divsi %add3A_1029, %broadcast_in_dim3A_3 : vector<16xi32>
    %mul3A_1031 = arith.muli %div3A_1030, %broadcast_in_dim3A_3 : vector<16xi32>
    %sub3A_1032 = arith.subi %add3A_1029, %mul3A_1031 : vector<16xi32>
    %get3A_1033 = arith.constant 1024 : index
    %get3A_1034 = tpu.vector_load %arg5[%get3A_1033] {strides = array<i32>} : memref<1600xi32, #tpu.memory_space<vmem>>, vector<16xi32>,
    %get3A_1035 = vector.shape_cast %get3A_1034 : vector<16xi32> to vector<16xi32>
    %mul3A_1036 = arith.muli %sub3A_1032, %broadcast_in_dim3A_5 : vector<16xi32>
    %add3A_1037 = arith.addi %get3A_1035, %mul3A_1036 : vector<16xi32>
    %swap3A_1038 = arith.constant 1024 : index
    %swap3A_1039 = tpu.vector_load %arg6[%swap3A_1038] {strides = array<i32>} : memref<1600xi32, #tpu.memory_space<vmem>>, vector<16xi32>,
    %swap3A_1040 = vector.shape_cast %swap3A_1039 : vector<16xi32> to vector<16xi32>
    %swap3A_1041 = vector.shape_cast %add3A_1037 : vector<16xi32> to vector<16xi32>
    tpu.vector_store %arg6[%swap3A_1038], %swap3A_1041 {strides = array<i32>} : memref<1600xi32, #tpu.memory_space<vmem>>, vector<16xi32>,
    %add3A_1042 = arith.constant 1040 : i32
    %add3A_1043 = arith.addi %mul3A_2, %add3A_1042 : i32
    %broadcast_in_dim3A_1044 = vector.broadcast %add3A_1043 : i32 to vector<16xi32>
    %add3A_1045 = arith.addi %iota3A, %broadcast_in_dim3A_1044 : vector<16xi32>
    %div3A_1046 = arith.divsi %add3A_1045, %broadcast_in_dim3A_3 : vector<16xi32>
    %mul3A_1047 = arith.muli %div3A_1046, %broadcast_in_dim3A_3 : vector<16xi32>
    %sub3A_1048 = arith.subi %add3A_1045, %mul3A_1047 : vector<16xi32>
    %get3A_1049 = arith.constant 1040 : index
    %get3A_1050 = tpu.vector_load %arg5[%get3A_1049] {strides = array<i32>} : memref<1600xi32, #tpu.memory_space<vmem>>, vector<16xi32>,
    %get3A_1051 = vector.shape_cast %get3A_1050 : vector<16xi32> to vector<16xi32>
    %mul3A_1052 = arith.muli %sub3A_1048, %broadcast_in_dim3A_5 : vector<16xi32>
    %add3A_1053 = arith.addi %get3A_1051, %mul3A_1052 : vector<16xi32>
    %swap3A_1054 = arith.constant 1040 : index
    %swap3A_1055 = tpu.vector_load %arg6[%swap3A_1054] {strides = array<i32>} : memref<1600xi32, #tpu.memory_space<vmem>>, vector<16xi32>,
    %swap3A_1056 = vector.shape_cast %swap3A_1055 : vector<16xi32> to vector<16xi32>
    %swap3A_1057 = vector.shape_cast %add3A_1053 : vector<16xi32> to vector<16xi32>
    tpu.vector_store %arg6[%swap3A_1054], %swap3A_1057 {strides = array<i32>} : memref<1600xi32, #tpu.memory_space<vmem>>, vector<16xi32>,
    %add3A_1058 = arith.constant 1056 : i32
    %add3A_1059 = arith.addi %mul3A_2, %add3A_1058 : i32
    %broadcast_in_dim3A_1060 = vector.broadcast %add3A_1059 : i32 to vector<16xi32>
    %add3A_1061 = arith.addi %iota3A, %broadcast_in_dim3A_1060 : vector<16xi32>
    %div3A_1062 = arith.divsi %add3A_1061, %broadcast_in_dim3A_3 : vector<16xi32>
    %mul3A_1063 = arith.muli %div3A_1062, %broadcast_in_dim3A_3 : vector<16xi32>
    %sub3A_1064 = arith.subi %add3A_1061, %mul3A_1063 : vector<16xi32>
    %get3A_1065 = arith.constant 1056 : index
    %get3A_1066 = tpu.vector_load %arg5[%get3A_1065] {strides = array<i32>} : memref<1600xi32, #tpu.memory_space<vmem>>, vector<16xi32>,
    %get3A_1067 = vector.shape_cast %get3A_1066 : vector<16xi32> to vector<16xi32>
    %mul3A_1068 = arith.muli %sub3A_1064, %broadcast_in_dim3A_5 : vector<16xi32>
    %add3A_1069 = arith.addi %get3A_1067, %mul3A_1068 : vector<16xi32>
    %swap3A_1070 = arith.constant 1056 : index
    %swap3A_1071 = tpu.vector_load %arg6[%swap3A_1070] {strides = array<i32>} : memref<1600xi32, #tpu.memory_space<vmem>>, vector<16xi32>,
    %swap3A_1072 = vector.shape_cast %swap3A_1071 : vector<16xi32> to vector<16xi32>
    %swap3A_1073 = vector.shape_cast %add3A_1069 : vector<16xi32> to vector<16xi32>
    tpu.vector_store %arg6[%swap3A_1070], %swap3A_1073 {strides = array<i32>} : memref<1600xi32, #tpu.memory_space<vmem>>, vector<16xi32>,
    %add3A_1074 = arith.constant 1072 : i32
    %add3A_1075 = arith.addi %mul3A_2, %add3A_1074 : i32
    %broadcast_in_dim3A_1076 = vector.broadcast %add3A_1075 : i32 to vector<16xi32>
    %add3A_1077 = arith.addi %iota3A, %broadcast_in_dim3A_1076 : vector<16xi32>
    %div3A_1078 = arith.divsi %add3A_1077, %broadcast_in_dim3A_3 : vector<16xi32>
    %mul3A_1079 = arith.muli %div3A_1078, %broadcast_in_dim3A_3 : vector<16xi32>
    %sub3A_1080 = arith.subi %add3A_1077, %mul3A_1079 : vector<16xi32>
    %get3A_1081 = arith.constant 1072 : index
    %get3A_1082 = tpu.vector_load %arg5[%get3A_1081] {strides = array<i32>} : memref<1600xi32, #tpu.memory_space<vmem>>, vector<16xi32>,
    %get3A_1083 = vector.shape_cast %get3A_1082 : vector<16xi32> to vector<16xi32>
    %mul3A_1084 = arith.muli %sub3A_1080, %broadcast_in_dim3A_5 : vector<16xi32>
    %add3A_1085 = arith.addi %get3A_1083, %mul3A_1084 : vector<16xi32>
    %swap3A_1086 = arith.constant 1072 : index
    %swap3A_1087 = tpu.vector_load %arg6[%swap3A_1086] {strides = array<i32>} : memref<1600xi32, #tpu.memory_space<vmem>>, vector<16xi32>,
    %swap3A_1088 = vector.shape_cast %swap3A_1087 : vector<16xi32> to vector<16xi32>
    %swap3A_1089 = vector.shape_cast %add3A_1085 : vector<16xi32> to vector<16xi32>
    tpu.vector_store %arg6[%swap3A_1086], %swap3A_1089 {strides = array<i32>} : memref<1600xi32, #tpu.memory_space<vmem>>, vector<16xi32>,
    %add3A_1090 = arith.constant 1088 : i32
    %add3A_1091 = arith.addi %mul3A_2, %add3A_1090 : i32
    %broadcast_in_dim3A_1092 = vector.broadcast %add3A_1091 : i32 to vector<16xi32>
    %add3A_1093 = arith.addi %iota3A, %broadcast_in_dim3A_1092 : vector<16xi32>
    %div3A_1094 = arith.divsi %add3A_1093, %broadcast_in_dim3A_3 : vector<16xi32>
    %mul3A_1095 = arith.muli %div3A_1094, %broadcast_in_dim3A_3 : vector<16xi32>
    %sub3A_1096 = arith.subi %add3A_1093, %mul3A_1095 : vector<16xi32>
    %get3A_1097 = arith.constant 1088 : index
    %get3A_1098 = tpu.vector_load %arg5[%get3A_1097] {strides = array<i32>} : memref<1600xi32, #tpu.memory_space<vmem>>, vector<16xi32>,
    %get3A_1099 = vector.shape_cast %get3A_1098 : vector<16xi32> to vector<16xi32>
    %mul3A_1100 = arith.muli %sub3A_1096, %broadcast_in_dim3A_5 : vector<16xi32>
    %add3A_1101 = arith.addi %get3A_1099, %mul3A_1100 : vector<16xi32>
    %swap3A_1102 = arith.constant 1088 : index
    %swap3A_1103 = tpu.vector_load %arg6[%swap3A_1102] {strides = array<i32>} : memref<1600xi32, #tpu.memory_space<vmem>>, vector<16xi32>,
    %swap3A_1104 = vector.shape_cast %swap3A_1103 : vector<16xi32> to vector<16xi32>
    %swap3A_1105 = vector.shape_cast %add3A_1101 : vector<16xi32> to vector<16xi32>
    tpu.vector_store %arg6[%swap3A_1102], %swap3A_1105 {strides = array<i32>} : memref<1600xi32, #tpu.memory_space<vmem>>, vector<16xi32>,
    %add3A_1106 = arith.constant 1104 : i32
    %add3A_1107 = arith.addi %mul3A_2, %add3A_1106 : i32
    %broadcast_in_dim3A_1108 = vector.broadcast %add3A_1107 : i32 to vector<16xi32>
    %add3A_1109 = arith.addi %iota3A, %broadcast_in_dim3A_1108 : vector<16xi32>
    %div3A_1110 = arith.divsi %add3A_1109, %broadcast_in_dim3A_3 : vector<16xi32>
    %mul3A_1111 = arith.muli %div3A_1110, %broadcast_in_dim3A_3 : vector<16xi32>
    %sub3A_1112 = arith.subi %add3A_1109, %mul3A_1111 : vector<16xi32>
    %get3A_1113 = arith.constant 1104 : index
    %get3A_1114 = tpu.vector_load %arg5[%get3A_1113] {strides = array<i32>} : memref<1600xi32, #tpu.memory_space<vmem>>, vector<16xi32>,
    %get3A_1115 = vector.shape_cast %get3A_1114 : vector<16xi32> to vector<16xi32>
    %mul3A_1116 = arith.muli %sub3A_1112, %broadcast_in_dim3A_5 : vector<16xi32>
    %add3A_1117 = arith.addi %get3A_1115, %mul3A_1116 : vector<16xi32>
    %swap3A_1118 = arith.constant 1104 : index
    %swap3A_1119 = tpu.vector_load %arg6[%swap3A_1118] {strides = array<i32>} : memref<1600xi32, #tpu.memory_space<vmem>>, vector<16xi32>,
    %swap3A_1120 = vector.shape_cast %swap3A_1119 : vector<16xi32> to vector<16xi32>
    %swap3A_1121 = vector.shape_cast %add3A_1117 : vector<16xi32> to vector<16xi32>
    tpu.vector_store %arg6[%swap3A_1118], %swap3A_1121 {strides = array<i32>} : memref<1600xi32, #tpu.memory_space<vmem>>, vector<16xi32>,
    %add3A_1122 = arith.constant 1120 : i32
    %add3A_1123 = arith.addi %mul3A_2, %add3A_1122 : i32
    %broadcast_in_dim3A_1124 = vector.broadcast %add3A_1123 : i32 to vector<16xi32>
    %add3A_1125 = arith.addi %iota3A, %broadcast_in_dim3A_1124 : vector<16xi32>
    %div3A_1126 = arith.divsi %add3A_1125, %broadcast_in_dim3A_3 : vector<16xi32>
    %mul3A_1127 = arith.muli %div3A_1126, %broadcast_in_dim3A_3 : vector<16xi32>
    %sub3A_1128 = arith.subi %add3A_1125, %mul3A_1127 : vector<16xi32>
    %get3A_1129 = arith.constant 1120 : index
    %get3A_1130 = tpu.vector_load %arg5[%get3A_1129] {strides = array<i32>} : memref<1600xi32, #tpu.memory_space<vmem>>, vector<16xi32>,
    %get3A_1131 = vector.shape_cast %get3A_1130 : vector<16xi32> to vector<16xi32>
    %mul3A_1132 = arith.muli %sub3A_1128, %broadcast_in_dim3A_5 : vector<16xi32>
    %add3A_1133 = arith.addi %get3A_1131, %mul3A_1132 : vector<16xi32>
    %swap3A_1134 = arith.constant 1120 : index
    %swap3A_1135 = tpu.vector_load %arg6[%swap3A_1134] {strides = array<i32>} : memref<1600xi32, #tpu.memory_space<vmem>>, vector<16xi32>,
    %swap3A_1136 = vector.shape_cast %swap3A_1135 : vector<16xi32> to vector<16xi32>
    %swap3A_1137 = vector.shape_cast %add3A_1133 : vector<16xi32> to vector<16xi32>
    tpu.vector_store %arg6[%swap3A_1134], %swap3A_1137 {strides = array<i32>} : memref<1600xi32, #tpu.memory_space<vmem>>, vector<16xi32>,
    %add3A_1138 = arith.constant 1136 : i32
    %add3A_1139 = arith.addi %mul3A_2, %add3A_1138 : i32
    %broadcast_in_dim3A_1140 = vector.broadcast %add3A_1139 : i32 to vector<16xi32>
    %add3A_1141 = arith.addi %iota3A, %broadcast_in_dim3A_1140 : vector<16xi32>
    %div3A_1142 = arith.divsi %add3A_1141, %broadcast_in_dim3A_3 : vector<16xi32>
    %mul3A_1143 = arith.muli %div3A_1142, %broadcast_in_dim3A_3 : vector<16xi32>
    %sub3A_1144 = arith.subi %add3A_1141, %mul3A_1143 : vector<16xi32>
    %get3A_1145 = arith.constant 1136 : index
    %get3A_1146 = tpu.vector_load %arg5[%get3A_1145] {strides = array<i32>} : memref<1600xi32, #tpu.memory_space<vmem>>, vector<16xi32>,
    %get3A_1147 = vector.shape_cast %get3A_1146 : vector<16xi32> to vector<16xi32>
    %mul3A_1148 = arith.muli %sub3A_1144, %broadcast_in_dim3A_5 : vector<16xi32>
    %add3A_1149 = arith.addi %get3A_1147, %mul3A_1148 : vector<16xi32>
    %swap3A_1150 = arith.constant 1136 : index
    %swap3A_1151 = tpu.vector_load %arg6[%swap3A_1150] {strides = array<i32>} : memref<1600xi32, #tpu.memory_space<vmem>>, vector<16xi32>,
    %swap3A_1152 = vector.shape_cast %swap3A_1151 : vector<16xi32> to vector<16xi32>
    %swap3A_1153 = vector.shape_cast %add3A_1149 : vector<16xi32> to vector<16xi32>
    tpu.vector_store %arg6[%swap3A_1150], %swap3A_1153 {strides = array<i32>} : memref<1600xi32, #tpu.memory_space<vmem>>, vector<16xi32>,
    %add3A_1154 = arith.constant 1152 : i32
    %add3A_1155 = arith.addi %mul3A_2, %add3A_1154 : i32
    %broadcast_in_dim3A_1156 = vector.broadcast %add3A_1155 : i32 to vector<16xi32>
    %add3A_1157 = arith.addi %iota3A, %broadcast_in_dim3A_1156 : vector<16xi32>
    %div3A_1158 = arith.divsi %add3A_1157, %broadcast_in_dim3A_3 : vector<16xi32>
    %mul3A_1159 = arith.muli %div3A_1158, %broadcast_in_dim3A_3 : vector<16xi32>
    %sub3A_1160 = arith.subi %add3A_1157, %mul3A_1159 : vector<16xi32>
    %get3A_1161 = arith.constant 1152 : index
    %get3A_1162 = tpu.vector_load %arg5[%get3A_1161] {strides = array<i32>} : memref<1600xi32, #tpu.memory_space<vmem>>, vector<16xi32>,
    %get3A_1163 = vector.shape_cast %get3A_1162 : vector<16xi32> to vector<16xi32>
    %mul3A_1164 = arith.muli %sub3A_1160, %broadcast_in_dim3A_5 : vector<16xi32>
    %add3A_1165 = arith.addi %get3A_1163, %mul3A_1164 : vector<16xi32>
    %swap3A_1166 = arith.constant 1152 : index
    %swap3A_1167 = tpu.vector_load %arg6[%swap3A_1166] {strides = array<i32>} : memref<1600xi32, #tpu.memory_space<vmem>>, vector<16xi32>,
    %swap3A_1168 = vector.shape_cast %swap3A_1167 : vector<16xi32> to vector<16xi32>
    %swap3A_1169 = vector.shape_cast %add3A_1165 : vector<16xi32> to vector<16xi32>
    tpu.vector_store %arg6[%swap3A_1166], %swap3A_1169 {strides = array<i32>} : memref<1600xi32, #tpu.memory_space<vmem>>, vector<16xi32>,
    %add3A_1170 = arith.constant 1168 : i32
    %add3A_1171 = arith.addi %mul3A_2, %add3A_1170 : i32
    %broadcast_in_dim3A_1172 = vector.broadcast %add3A_1171 : i32 to vector<16xi32>
    %add3A_1173 = arith.addi %iota3A, %broadcast_in_dim3A_1172 : vector<16xi32>
    %div3A_1174 = arith.divsi %add3A_1173, %broadcast_in_dim3A_3 : vector<16xi32>
    %mul3A_1175 = arith.muli %div3A_1174, %broadcast_in_dim3A_3 : vector<16xi32>
    %sub3A_1176 = arith.subi %add3A_1173, %mul3A_1175 : vector<16xi32>
    %get3A_1177 = arith.constant 1168 : index
    %get3A_1178 = tpu.vector_load %arg5[%get3A_1177] {strides = array<i32>} : memref<1600xi32, #tpu.memory_space<vmem>>, vector<16xi32>,
    %get3A_1179 = vector.shape_cast %get3A_1178 : vector<16xi32> to vector<16xi32>
    %mul3A_1180 = arith.muli %sub3A_1176, %broadcast_in_dim3A_5 : vector<16xi32>
    %add3A_1181 = arith.addi %get3A_1179, %mul3A_1180 : vector<16xi32>
    %swap3A_1182 = arith.constant 1168 : index
    %swap3A_1183 = tpu.vector_load %arg6[%swap3A_1182] {strides = array<i32>} : memref<1600xi32, #tpu.memory_space<vmem>>, vector<16xi32>,
    %swap3A_1184 = vector.shape_cast %swap3A_1183 : vector<16xi32> to vector<16xi32>
    %swap3A_1185 = vector.shape_cast %add3A_1181 : vector<16xi32> to vector<16xi32>
    tpu.vector_store %arg6[%swap3A_1182], %swap3A_1185 {strides = array<i32>} : memref<1600xi32, #tpu.memory_space<vmem>>, vector<16xi32>,
    %add3A_1186 = arith.constant 1184 : i32
    %add3A_1187 = arith.addi %mul3A_2, %add3A_1186 : i32
    %broadcast_in_dim3A_1188 = vector.broadcast %add3A_1187 : i32 to vector<16xi32>
    %add3A_1189 = arith.addi %iota3A, %broadcast_in_dim3A_1188 : vector<16xi32>
    %div3A_1190 = arith.divsi %add3A_1189, %broadcast_in_dim3A_3 : vector<16xi32>
    %mul3A_1191 = arith.muli %div3A_1190, %broadcast_in_dim3A_3 : vector<16xi32>
    %sub3A_1192 = arith.subi %add3A_1189, %mul3A_1191 : vector<16xi32>
    %get3A_1193 = arith.constant 1184 : index
    %get3A_1194 = tpu.vector_load %arg5[%get3A_1193] {strides = array<i32>} : memref<1600xi32, #tpu.memory_space<vmem>>, vector<16xi32>,
    %get3A_1195 = vector.shape_cast %get3A_1194 : vector<16xi32> to vector<16xi32>
    %mul3A_1196 = arith.muli %sub3A_1192, %broadcast_in_dim3A_5 : vector<16xi32>
    %add3A_1197 = arith.addi %get3A_1195, %mul3A_1196 : vector<16xi32>
    %swap3A_1198 = arith.constant 1184 : index
    %swap3A_1199 = tpu.vector_load %arg6[%swap3A_1198] {strides = array<i32>} : memref<1600xi32, #tpu.memory_space<vmem>>, vector<16xi32>,
    %swap3A_1200 = vector.shape_cast %swap3A_1199 : vector<16xi32> to vector<16xi32>
    %swap3A_1201 = vector.shape_cast %add3A_1197 : vector<16xi32> to vector<16xi32>
    tpu.vector_store %arg6[%swap3A_1198], %swap3A_1201 {strides = array<i32>} : memref<1600xi32, #tpu.memory_space<vmem>>, vector<16xi32>,
    %add3A_1202 = arith.constant 1200 : i32
    %add3A_1203 = arith.addi %mul3A_2, %add3A_1202 : i32
    %broadcast_in_dim3A_1204 = vector.broadcast %add3A_1203 : i32 to vector<16xi32>
    %add3A_1205 = arith.addi %iota3A, %broadcast_in_dim3A_1204 : vector<16xi32>
    %div3A_1206 = arith.divsi %add3A_1205, %broadcast_in_dim3A_3 : vector<16xi32>
    %mul3A_1207 = arith.muli %div3A_1206, %broadcast_in_dim3A_3 : vector<16xi32>
    %sub3A_1208 = arith.subi %add3A_1205, %mul3A_1207 : vector<16xi32>
    %get3A_1209 = arith.constant 1200 : index
    %get3A_1210 = tpu.vector_load %arg5[%get3A_1209] {strides = array<i32>} : memref<1600xi32, #tpu.memory_space<vmem>>, vector<16xi32>,
    %get3A_1211 = vector.shape_cast %get3A_1210 : vector<16xi32> to vector<16xi32>
    %mul3A_1212 = arith.muli %sub3A_1208, %broadcast_in_dim3A_5 : vector<16xi32>
    %add3A_1213 = arith.addi %get3A_1211, %mul3A_1212 : vector<16xi32>
    %swap3A_1214 = arith.constant 1200 : index
    %swap3A_1215 = tpu.vector_load %arg6[%swap3A_1214] {strides = array<i32>} : memref<1600xi32, #tpu.memory_space<vmem>>, vector<16xi32>,
    %swap3A_1216 = vector.shape_cast %swap3A_1215 : vector<16xi32> to vector<16xi32>
    %swap3A_1217 = vector.shape_cast %add3A_1213 : vector<16xi32> to vector<16xi32>
    tpu.vector_store %arg6[%swap3A_1214], %swap3A_1217 {strides = array<i32>} : memref<1600xi32, #tpu.memory_space<vmem>>, vector<16xi32>,
    %add3A_1218 = arith.constant 1216 : i32
    %add3A_1219 = arith.addi %mul3A_2, %add3A_1218 : i32
    %broadcast_in_dim3A_1220 = vector.broadcast %add3A_1219 : i32 to vector<16xi32>
    %add3A_1221 = arith.addi %iota3A, %broadcast_in_dim3A_1220 : vector<16xi32>
    %div3A_1222 = arith.divsi %add3A_1221, %broadcast_in_dim3A_3 : vector<16xi32>
    %mul3A_1223 = arith.muli %div3A_1222, %broadcast_in_dim3A_3 : vector<16xi32>
    %sub3A_1224 = arith.subi %add3A_1221, %mul3A_1223 : vector<16xi32>
    %get3A_1225 = arith.constant 1216 : index
    %get3A_1226 = tpu.vector_load %arg5[%get3A_1225] {strides = array<i32>} : memref<1600xi32, #tpu.memory_space<vmem>>, vector<16xi32>,
    %get3A_1227 = vector.shape_cast %get3A_1226 : vector<16xi32> to vector<16xi32>
    %mul3A_1228 = arith.muli %sub3A_1224, %broadcast_in_dim3A_5 : vector<16xi32>
    %add3A_1229 = arith.addi %get3A_1227, %mul3A_1228 : vector<16xi32>
    %swap3A_1230 = arith.constant 1216 : index
    %swap3A_1231 = tpu.vector_load %arg6[%swap3A_1230] {strides = array<i32>} : memref<1600xi32, #tpu.memory_space<vmem>>, vector<16xi32>,
    %swap3A_1232 = vector.shape_cast %swap3A_1231 : vector<16xi32> to vector<16xi32>
    %swap3A_1233 = vector.shape_cast %add3A_1229 : vector<16xi32> to vector<16xi32>
    tpu.vector_store %arg6[%swap3A_1230], %swap3A_1233 {strides = array<i32>} : memref<1600xi32, #tpu.memory_space<vmem>>, vector<16xi32>,
    %add3A_1234 = arith.constant 1232 : i32
    %add3A_1235 = arith.addi %mul3A_2, %add3A_1234 : i32
    %broadcast_in_dim3A_1236 = vector.broadcast %add3A_1235 : i32 to vector<16xi32>
    %add3A_1237 = arith.addi %iota3A, %broadcast_in_dim3A_1236 : vector<16xi32>
    %div3A_1238 = arith.divsi %add3A_1237, %broadcast_in_dim3A_3 : vector<16xi32>
    %mul3A_1239 = arith.muli %div3A_1238, %broadcast_in_dim3A_3 : vector<16xi32>
    %sub3A_1240 = arith.subi %add3A_1237, %mul3A_1239 : vector<16xi32>
    %get3A_1241 = arith.constant 1232 : index
    %get3A_1242 = tpu.vector_load %arg5[%get3A_1241] {strides = array<i32>} : memref<1600xi32, #tpu.memory_space<vmem>>, vector<16xi32>,
    %get3A_1243 = vector.shape_cast %get3A_1242 : vector<16xi32> to vector<16xi32>
    %mul3A_1244 = arith.muli %sub3A_1240, %broadcast_in_dim3A_5 : vector<16xi32>
    %add3A_1245 = arith.addi %get3A_1243, %mul3A_1244 : vector<16xi32>
    %swap3A_1246 = arith.constant 1232 : index
    %swap3A_1247 = tpu.vector_load %arg6[%swap3A_1246] {strides = array<i32>} : memref<1600xi32, #tpu.memory_space<vmem>>, vector<16xi32>,
    %swap3A_1248 = vector.shape_cast %swap3A_1247 : vector<16xi32> to vector<16xi32>
    %swap3A_1249 = vector.shape_cast %add3A_1245 : vector<16xi32> to vector<16xi32>
    tpu.vector_store %arg6[%swap3A_1246], %swap3A_1249 {strides = array<i32>} : memref<1600xi32, #tpu.memory_space<vmem>>, vector<16xi32>,
    %add3A_1250 = arith.constant 1248 : i32
    %add3A_1251 = arith.addi %mul3A_2, %add3A_1250 : i32
    %broadcast_in_dim3A_1252 = vector.broadcast %add3A_1251 : i32 to vector<16xi32>
    %add3A_1253 = arith.addi %iota3A, %broadcast_in_dim3A_1252 : vector<16xi32>
    %div3A_1254 = arith.divsi %add3A_1253, %broadcast_in_dim3A_3 : vector<16xi32>
    %mul3A_1255 = arith.muli %div3A_1254, %broadcast_in_dim3A_3 : vector<16xi32>
    %sub3A_1256 = arith.subi %add3A_1253, %mul3A_1255 : vector<16xi32>
    %get3A_1257 = arith.constant 1248 : index
    %get3A_1258 = tpu.vector_load %arg5[%get3A_1257] {strides = array<i32>} : memref<1600xi32, #tpu.memory_space<vmem>>, vector<16xi32>,
    %get3A_1259 = vector.shape_cast %get3A_1258 : vector<16xi32> to vector<16xi32>
    %mul3A_1260 = arith.muli %sub3A_1256, %broadcast_in_dim3A_5 : vector<16xi32>
    %add3A_1261 = arith.addi %get3A_1259, %mul3A_1260 : vector<16xi32>
    %swap3A_1262 = arith.constant 1248 : index
    %swap3A_1263 = tpu.vector_load %arg6[%swap3A_1262] {strides = array<i32>} : memref<1600xi32, #tpu.memory_space<vmem>>, vector<16xi32>,
    %swap3A_1264 = vector.shape_cast %swap3A_1263 : vector<16xi32> to vector<16xi32>
    %swap3A_1265 = vector.shape_cast %add3A_1261 : vector<16xi32> to vector<16xi32>
    tpu.vector_store %arg6[%swap3A_1262], %swap3A_1265 {strides = array<i32>} : memref<1600xi32, #tpu.memory_space<vmem>>, vector<16xi32>,
    %add3A_1266 = arith.constant 1264 : i32
    %add3A_1267 = arith.addi %mul3A_2, %add3A_1266 : i32
    %broadcast_in_dim3A_1268 = vector.broadcast %add3A_1267 : i32 to vector<16xi32>
    %add3A_1269 = arith.addi %iota3A, %broadcast_in_dim3A_1268 : vector<16xi32>
    %div3A_1270 = arith.divsi %add3A_1269, %broadcast_in_dim3A_3 : vector<16xi32>
    %mul3A_1271 = arith.muli %div3A_1270, %broadcast_in_dim3A_3 : vector<16xi32>
    %sub3A_1272 = arith.subi %add3A_1269, %mul3A_1271 : vector<16xi32>
    %get3A_1273 = arith.constant 1264 : index
    %get3A_1274 = tpu.vector_load %arg5[%get3A_1273] {strides = array<i32>} : memref<1600xi32, #tpu.memory_space<vmem>>, vector<16xi32>,
    %get3A_1275 = vector.shape_cast %get3A_1274 : vector<16xi32> to vector<16xi32>
    %mul3A_1276 = arith.muli %sub3A_1272, %broadcast_in_dim3A_5 : vector<16xi32>
    %add3A_1277 = arith.addi %get3A_1275, %mul3A_1276 : vector<16xi32>
    %swap3A_1278 = arith.constant 1264 : index
    %swap3A_1279 = tpu.vector_load %arg6[%swap3A_1278] {strides = array<i32>} : memref<1600xi32, #tpu.memory_space<vmem>>, vector<16xi32>,
    %swap3A_1280 = vector.shape_cast %swap3A_1279 : vector<16xi32> to vector<16xi32>
    %swap3A_1281 = vector.shape_cast %add3A_1277 : vector<16xi32> to vector<16xi32>
    tpu.vector_store %arg6[%swap3A_1278], %swap3A_1281 {strides = array<i32>} : memref<1600xi32, #tpu.memory_space<vmem>>, vector<16xi32>,
    %add3A_1282 = arith.constant 1280 : i32
    %add3A_1283 = arith.addi %mul3A_2, %add3A_1282 : i32
    %broadcast_in_dim3A_1284 = vector.broadcast %add3A_1283 : i32 to vector<16xi32>
    %add3A_1285 = arith.addi %iota3A, %broadcast_in_dim3A_1284 : vector<16xi32>
    %div3A_1286 = arith.divsi %add3A_1285, %broadcast_in_dim3A_3 : vector<16xi32>
    %mul3A_1287 = arith.muli %div3A_1286, %broadcast_in_dim3A_3 : vector<16xi32>
    %sub3A_1288 = arith.subi %add3A_1285, %mul3A_1287 : vector<16xi32>
    %get3A_1289 = arith.constant 1280 : index
    %get3A_1290 = tpu.vector_load %arg5[%get3A_1289] {strides = array<i32>} : memref<1600xi32, #tpu.memory_space<vmem>>, vector<16xi32>,
    %get3A_1291 = vector.shape_cast %get3A_1290 : vector<16xi32> to vector<16xi32>
    %mul3A_1292 = arith.muli %sub3A_1288, %broadcast_in_dim3A_5 : vector<16xi32>
    %add3A_1293 = arith.addi %get3A_1291, %mul3A_1292 : vector<16xi32>
    %swap3A_1294 = arith.constant 1280 : index
    %swap3A_1295 = tpu.vector_load %arg6[%swap3A_1294] {strides = array<i32>} : memref<1600xi32, #tpu.memory_space<vmem>>, vector<16xi32>,
    %swap3A_1296 = vector.shape_cast %swap3A_1295 : vector<16xi32> to vector<16xi32>
    %swap3A_1297 = vector.shape_cast %add3A_1293 : vector<16xi32> to vector<16xi32>
    tpu.vector_store %arg6[%swap3A_1294], %swap3A_1297 {strides = array<i32>} : memref<1600xi32, #tpu.memory_space<vmem>>, vector<16xi32>,
    %add3A_1298 = arith.constant 1296 : i32
    %add3A_1299 = arith.addi %mul3A_2, %add3A_1298 : i32
    %broadcast_in_dim3A_1300 = vector.broadcast %add3A_1299 : i32 to vector<16xi32>
    %add3A_1301 = arith.addi %iota3A, %broadcast_in_dim3A_1300 : vector<16xi32>
    %div3A_1302 = arith.divsi %add3A_1301, %broadcast_in_dim3A_3 : vector<16xi32>
    %mul3A_1303 = arith.muli %div3A_1302, %broadcast_in_dim3A_3 : vector<16xi32>
    %sub3A_1304 = arith.subi %add3A_1301, %mul3A_1303 : vector<16xi32>
    %get3A_1305 = arith.constant 1296 : index
    %get3A_1306 = tpu.vector_load %arg5[%get3A_1305] {strides = array<i32>} : memref<1600xi32, #tpu.memory_space<vmem>>, vector<16xi32>,
    %get3A_1307 = vector.shape_cast %get3A_1306 : vector<16xi32> to vector<16xi32>
    %mul3A_1308 = arith.muli %sub3A_1304, %broadcast_in_dim3A_5 : vector<16xi32>
    %add3A_1309 = arith.addi %get3A_1307, %mul3A_1308 : vector<16xi32>
    %swap3A_1310 = arith.constant 1296 : index
    %swap3A_1311 = tpu.vector_load %arg6[%swap3A_1310] {strides = array<i32>} : memref<1600xi32, #tpu.memory_space<vmem>>, vector<16xi32>,
    %swap3A_1312 = vector.shape_cast %swap3A_1311 : vector<16xi32> to vector<16xi32>
    %swap3A_1313 = vector.shape_cast %add3A_1309 : vector<16xi32> to vector<16xi32>
    tpu.vector_store %arg6[%swap3A_1310], %swap3A_1313 {strides = array<i32>} : memref<1600xi32, #tpu.memory_space<vmem>>, vector<16xi32>,
    %add3A_1314 = arith.constant 1312 : i32
    %add3A_1315 = arith.addi %mul3A_2, %add3A_1314 : i32
    %broadcast_in_dim3A_1316 = vector.broadcast %add3A_1315 : i32 to vector<16xi32>
    %add3A_1317 = arith.addi %iota3A, %broadcast_in_dim3A_1316 : vector<16xi32>
    %div3A_1318 = arith.divsi %add3A_1317, %broadcast_in_dim3A_3 : vector<16xi32>
    %mul3A_1319 = arith.muli %div3A_1318, %broadcast_in_dim3A_3 : vector<16xi32>
    %sub3A_1320 = arith.subi %add3A_1317, %mul3A_1319 : vector<16xi32>
    %get3A_1321 = arith.constant 1312 : index
    %get3A_1322 = tpu.vector_load %arg5[%get3A_1321] {strides = array<i32>} : memref<1600xi32, #tpu.memory_space<vmem>>, vector<16xi32>,
    %get3A_1323 = vector.shape_cast %get3A_1322 : vector<16xi32> to vector<16xi32>
    %mul3A_1324 = arith.muli %sub3A_1320, %broadcast_in_dim3A_5 : vector<16xi32>
    %add3A_1325 = arith.addi %get3A_1323, %mul3A_1324 : vector<16xi32>
    %swap3A_1326 = arith.constant 1312 : index
    %swap3A_1327 = tpu.vector_load %arg6[%swap3A_1326] {strides = array<i32>} : memref<1600xi32, #tpu.memory_space<vmem>>, vector<16xi32>,
    %swap3A_1328 = vector.shape_cast %swap3A_1327 : vector<16xi32> to vector<16xi32>
    %swap3A_1329 = vector.shape_cast %add3A_1325 : vector<16xi32> to vector<16xi32>
    tpu.vector_store %arg6[%swap3A_1326], %swap3A_1329 {strides = array<i32>} : memref<1600xi32, #tpu.memory_space<vmem>>, vector<16xi32>,
    %add3A_1330 = arith.constant 1328 : i32
    %add3A_1331 = arith.addi %mul3A_2, %add3A_1330 : i32
    %broadcast_in_dim3A_1332 = vector.broadcast %add3A_1331 : i32 to vector<16xi32>
    %add3A_1333 = arith.addi %iota3A, %broadcast_in_dim3A_1332 : vector<16xi32>
    %div3A_1334 = arith.divsi %add3A_1333, %broadcast_in_dim3A_3 : vector<16xi32>
    %mul3A_1335 = arith.muli %div3A_1334, %broadcast_in_dim3A_3 : vector<16xi32>
    %sub3A_1336 = arith.subi %add3A_1333, %mul3A_1335 : vector<16xi32>
    %get3A_1337 = arith.constant 1328 : index
    %get3A_1338 = tpu.vector_load %arg5[%get3A_1337] {strides = array<i32>} : memref<1600xi32, #tpu.memory_space<vmem>>, vector<16xi32>,
    %get3A_1339 = vector.shape_cast %get3A_1338 : vector<16xi32> to vector<16xi32>
    %mul3A_1340 = arith.muli %sub3A_1336, %broadcast_in_dim3A_5 : vector<16xi32>
    %add3A_1341 = arith.addi %get3A_1339, %mul3A_1340 : vector<16xi32>
    %swap3A_1342 = arith.constant 1328 : index
    %swap3A_1343 = tpu.vector_load %arg6[%swap3A_1342] {strides = array<i32>} : memref<1600xi32, #tpu.memory_space<vmem>>, vector<16xi32>,
    %swap3A_1344 = vector.shape_cast %swap3A_1343 : vector<16xi32> to vector<16xi32>
    %swap3A_1345 = vector.shape_cast %add3A_1341 : vector<16xi32> to vector<16xi32>
    tpu.vector_store %arg6[%swap3A_1342], %swap3A_1345 {strides = array<i32>} : memref<1600xi32, #tpu.memory_space<vmem>>, vector<16xi32>,
    %add3A_1346 = arith.constant 1344 : i32
    %add3A_1347 = arith.addi %mul3A_2, %add3A_1346 : i32
    %broadcast_in_dim3A_1348 = vector.broadcast %add3A_1347 : i32 to vector<16xi32>
    %add3A_1349 = arith.addi %iota3A, %broadcast_in_dim3A_1348 : vector<16xi32>
    %div3A_1350 = arith.divsi %add3A_1349, %broadcast_in_dim3A_3 : vector<16xi32>
    %mul3A_1351 = arith.muli %div3A_1350, %broadcast_in_dim3A_3 : vector<16xi32>
    %sub3A_1352 = arith.subi %add3A_1349, %mul3A_1351 : vector<16xi32>
    %get3A_1353 = arith.constant 1344 : index
    %get3A_1354 = tpu.vector_load %arg5[%get3A_1353] {strides = array<i32>} : memref<1600xi32, #tpu.memory_space<vmem>>, vector<16xi32>,
    %get3A_1355 = vector.shape_cast %get3A_1354 : vector<16xi32> to vector<16xi32>
    %mul3A_1356 = arith.muli %sub3A_1352, %broadcast_in_dim3A_5 : vector<16xi32>
    %add3A_1357 = arith.addi %get3A_1355, %mul3A_1356 : vector<16xi32>
    %swap3A_1358 = arith.constant 1344 : index
    %swap3A_1359 = tpu.vector_load %arg6[%swap3A_1358] {strides = array<i32>} : memref<1600xi32, #tpu.memory_space<vmem>>, vector<16xi32>,
    %swap3A_1360 = vector.shape_cast %swap3A_1359 : vector<16xi32> to vector<16xi32>
    %swap3A_1361 = vector.shape_cast %add3A_1357 : vector<16xi32> to vector<16xi32>
    tpu.vector_store %arg6[%swap3A_1358], %swap3A_1361 {strides = array<i32>} : memref<1600xi32, #tpu.memory_space<vmem>>, vector<16xi32>,
    %add3A_1362 = arith.constant 1360 : i32
    %add3A_1363 = arith.addi %mul3A_2, %add3A_1362 : i32
    %broadcast_in_dim3A_1364 = vector.broadcast %add3A_1363 : i32 to vector<16xi32>
    %add3A_1365 = arith.addi %iota3A, %broadcast_in_dim3A_1364 : vector<16xi32>
    %div3A_1366 = arith.divsi %add3A_1365, %broadcast_in_dim3A_3 : vector<16xi32>
    %mul3A_1367 = arith.muli %div3A_1366, %broadcast_in_dim3A_3 : vector<16xi32>
    %sub3A_1368 = arith.subi %add3A_1365, %mul3A_1367 : vector<16xi32>
    %get3A_1369 = arith.constant 1360 : index
    %get3A_1370 = tpu.vector_load %arg5[%get3A_1369] {strides = array<i32>} : memref<1600xi32, #tpu.memory_space<vmem>>, vector<16xi32>,
    %get3A_1371 = vector.shape_cast %get3A_1370 : vector<16xi32> to vector<16xi32>
    %mul3A_1372 = arith.muli %sub3A_1368, %broadcast_in_dim3A_5 : vector<16xi32>
    %add3A_1373 = arith.addi %get3A_1371, %mul3A_1372 : vector<16xi32>
    %swap3A_1374 = arith.constant 1360 : index
    %swap3A_1375 = tpu.vector_load %arg6[%swap3A_1374] {strides = array<i32>} : memref<1600xi32, #tpu.memory_space<vmem>>, vector<16xi32>,
    %swap3A_1376 = vector.shape_cast %swap3A_1375 : vector<16xi32> to vector<16xi32>
    %swap3A_1377 = vector.shape_cast %add3A_1373 : vector<16xi32> to vector<16xi32>
    tpu.vector_store %arg6[%swap3A_1374], %swap3A_1377 {strides = array<i32>} : memref<1600xi32, #tpu.memory_space<vmem>>, vector<16xi32>,
    %add3A_1378 = arith.constant 1376 : i32
    %add3A_1379 = arith.addi %mul3A_2, %add3A_1378 : i32
    %broadcast_in_dim3A_1380 = vector.broadcast %add3A_1379 : i32 to vector<16xi32>
    %add3A_1381 = arith.addi %iota3A, %broadcast_in_dim3A_1380 : vector<16xi32>
    %div3A_1382 = arith.divsi %add3A_1381, %broadcast_in_dim3A_3 : vector<16xi32>
    %mul3A_1383 = arith.muli %div3A_1382, %broadcast_in_dim3A_3 : vector<16xi32>
    %sub3A_1384 = arith.subi %add3A_1381, %mul3A_1383 : vector<16xi32>
    %get3A_1385 = arith.constant 1376 : index
    %get3A_1386 = tpu.vector_load %arg5[%get3A_1385] {strides = array<i32>} : memref<1600xi32, #tpu.memory_space<vmem>>, vector<16xi32>,
    %get3A_1387 = vector.shape_cast %get3A_1386 : vector<16xi32> to vector<16xi32>
    %mul3A_1388 = arith.muli %sub3A_1384, %broadcast_in_dim3A_5 : vector<16xi32>
    %add3A_1389 = arith.addi %get3A_1387, %mul3A_1388 : vector<16xi32>
    %swap3A_1390 = arith.constant 1376 : index
    %swap3A_1391 = tpu.vector_load %arg6[%swap3A_1390] {strides = array<i32>} : memref<1600xi32, #tpu.memory_space<vmem>>, vector<16xi32>,
    %swap3A_1392 = vector.shape_cast %swap3A_1391 : vector<16xi32> to vector<16xi32>
    %swap3A_1393 = vector.shape_cast %add3A_1389 : vector<16xi32> to vector<16xi32>
    tpu.vector_store %arg6[%swap3A_1390], %swap3A_1393 {strides = array<i32>} : memref<1600xi32, #tpu.memory_space<vmem>>, vector<16xi32>,
    %add3A_1394 = arith.constant 1392 : i32
    %add3A_1395 = arith.addi %mul3A_2, %add3A_1394 : i32
    %broadcast_in_dim3A_1396 = vector.broadcast %add3A_1395 : i32 to vector<16xi32>
    %add3A_1397 = arith.addi %iota3A, %broadcast_in_dim3A_1396 : vector<16xi32>
    %div3A_1398 = arith.divsi %add3A_1397, %broadcast_in_dim3A_3 : vector<16xi32>
    %mul3A_1399 = arith.muli %div3A_1398, %broadcast_in_dim3A_3 : vector<16xi32>
    %sub3A_1400 = arith.subi %add3A_1397, %mul3A_1399 : vector<16xi32>
    %get3A_1401 = arith.constant 1392 : index
    %get3A_1402 = tpu.vector_load %arg5[%get3A_1401] {strides = array<i32>} : memref<1600xi32, #tpu.memory_space<vmem>>, vector<16xi32>,
    %get3A_1403 = vector.shape_cast %get3A_1402 : vector<16xi32> to vector<16xi32>
    %mul3A_1404 = arith.muli %sub3A_1400, %broadcast_in_dim3A_5 : vector<16xi32>
    %add3A_1405 = arith.addi %get3A_1403, %mul3A_1404 : vector<16xi32>
    %swap3A_1406 = arith.constant 1392 : index
    %swap3A_1407 = tpu.vector_load %arg6[%swap3A_1406] {strides = array<i32>} : memref<1600xi32, #tpu.memory_space<vmem>>, vector<16xi32>,
    %swap3A_1408 = vector.shape_cast %swap3A_1407 : vector<16xi32> to vector<16xi32>
    %swap3A_1409 = vector.shape_cast %add3A_1405 : vector<16xi32> to vector<16xi32>
    tpu.vector_store %arg6[%swap3A_1406], %swap3A_1409 {strides = array<i32>} : memref<1600xi32, #tpu.memory_space<vmem>>, vector<16xi32>,
    %add3A_1410 = arith.constant 1408 : i32
    %add3A_1411 = arith.addi %mul3A_2, %add3A_1410 : i32
    %broadcast_in_dim3A_1412 = vector.broadcast %add3A_1411 : i32 to vector<16xi32>
    %add3A_1413 = arith.addi %iota3A, %broadcast_in_dim3A_1412 : vector<16xi32>
    %div3A_1414 = arith.divsi %add3A_1413, %broadcast_in_dim3A_3 : vector<16xi32>
    %mul3A_1415 = arith.muli %div3A_1414, %broadcast_in_dim3A_3 : vector<16xi32>
    %sub3A_1416 = arith.subi %add3A_1413, %mul3A_1415 : vector<16xi32>
    %get3A_1417 = arith.constant 1408 : index
    %get3A_1418 = tpu.vector_load %arg5[%get3A_1417] {strides = array<i32>} : memref<1600xi32, #tpu.memory_space<vmem>>, vector<16xi32>,
    %get3A_1419 = vector.shape_cast %get3A_1418 : vector<16xi32> to vector<16xi32>
    %mul3A_1420 = arith.muli %sub3A_1416, %broadcast_in_dim3A_5 : vector<16xi32>
    %add3A_1421 = arith.addi %get3A_1419, %mul3A_1420 : vector<16xi32>
    %swap3A_1422 = arith.constant 1408 : index
    %swap3A_1423 = tpu.vector_load %arg6[%swap3A_1422] {strides = array<i32>} : memref<1600xi32, #tpu.memory_space<vmem>>, vector<16xi32>,
    %swap3A_1424 = vector.shape_cast %swap3A_1423 : vector<16xi32> to vector<16xi32>
    %swap3A_1425 = vector.shape_cast %add3A_1421 : vector<16xi32> to vector<16xi32>
    tpu.vector_store %arg6[%swap3A_1422], %swap3A_1425 {strides = array<i32>} : memref<1600xi32, #tpu.memory_space<vmem>>, vector<16xi32>,
    %add3A_1426 = arith.constant 1424 : i32
    %add3A_1427 = arith.addi %mul3A_2, %add3A_1426 : i32
    %broadcast_in_dim3A_1428 = vector.broadcast %add3A_1427 : i32 to vector<16xi32>
    %add3A_1429 = arith.addi %iota3A, %broadcast_in_dim3A_1428 : vector<16xi32>
    %div3A_1430 = arith.divsi %add3A_1429, %broadcast_in_dim3A_3 : vector<16xi32>
    %mul3A_1431 = arith.muli %div3A_1430, %broadcast_in_dim3A_3 : vector<16xi32>
    %sub3A_1432 = arith.subi %add3A_1429, %mul3A_1431 : vector<16xi32>
    %get3A_1433 = arith.constant 1424 : index
    %get3A_1434 = tpu.vector_load %arg5[%get3A_1433] {strides = array<i32>} : memref<1600xi32, #tpu.memory_space<vmem>>, vector<16xi32>,
    %get3A_1435 = vector.shape_cast %get3A_1434 : vector<16xi32> to vector<16xi32>
    %mul3A_1436 = arith.muli %sub3A_1432, %broadcast_in_dim3A_5 : vector<16xi32>
    %add3A_1437 = arith.addi %get3A_1435, %mul3A_1436 : vector<16xi32>
    %swap3A_1438 = arith.constant 1424 : index
    %swap3A_1439 = tpu.vector_load %arg6[%swap3A_1438] {strides = array<i32>} : memref<1600xi32, #tpu.memory_space<vmem>>, vector<16xi32>,
    %swap3A_1440 = vector.shape_cast %swap3A_1439 : vector<16xi32> to vector<16xi32>
    %swap3A_1441 = vector.shape_cast %add3A_1437 : vector<16xi32> to vector<16xi32>
    tpu.vector_store %arg6[%swap3A_1438], %swap3A_1441 {strides = array<i32>} : memref<1600xi32, #tpu.memory_space<vmem>>, vector<16xi32>,
    %add3A_1442 = arith.constant 1440 : i32
    %add3A_1443 = arith.addi %mul3A_2, %add3A_1442 : i32
    %broadcast_in_dim3A_1444 = vector.broadcast %add3A_1443 : i32 to vector<16xi32>
    %add3A_1445 = arith.addi %iota3A, %broadcast_in_dim3A_1444 : vector<16xi32>
    %div3A_1446 = arith.divsi %add3A_1445, %broadcast_in_dim3A_3 : vector<16xi32>
    %mul3A_1447 = arith.muli %div3A_1446, %broadcast_in_dim3A_3 : vector<16xi32>
    %sub3A_1448 = arith.subi %add3A_1445, %mul3A_1447 : vector<16xi32>
    %get3A_1449 = arith.constant 1440 : index
    %get3A_1450 = tpu.vector_load %arg5[%get3A_1449] {strides = array<i32>} : memref<1600xi32, #tpu.memory_space<vmem>>, vector<16xi32>,
    %get3A_1451 = vector.shape_cast %get3A_1450 : vector<16xi32> to vector<16xi32>
    %mul3A_1452 = arith.muli %sub3A_1448, %broadcast_in_dim3A_5 : vector<16xi32>
    %add3A_1453 = arith.addi %get3A_1451, %mul3A_1452 : vector<16xi32>
    %swap3A_1454 = arith.constant 1440 : index
    %swap3A_1455 = tpu.vector_load %arg6[%swap3A_1454] {strides = array<i32>} : memref<1600xi32, #tpu.memory_space<vmem>>, vector<16xi32>,
    %swap3A_1456 = vector.shape_cast %swap3A_1455 : vector<16xi32> to vector<16xi32>
    %swap3A_1457 = vector.shape_cast %add3A_1453 : vector<16xi32> to vector<16xi32>
    tpu.vector_store %arg6[%swap3A_1454], %swap3A_1457 {strides = array<i32>} : memref<1600xi32, #tpu.memory_space<vmem>>, vector<16xi32>,
    %add3A_1458 = arith.constant 1456 : i32
    %add3A_1459 = arith.addi %mul3A_2, %add3A_1458 : i32
    %broadcast_in_dim3A_1460 = vector.broadcast %add3A_1459 : i32 to vector<16xi32>
    %add3A_1461 = arith.addi %iota3A, %broadcast_in_dim3A_1460 : vector<16xi32>
    %div3A_1462 = arith.divsi %add3A_1461, %broadcast_in_dim3A_3 : vector<16xi32>
    %mul3A_1463 = arith.muli %div3A_1462, %broadcast_in_dim3A_3 : vector<16xi32>
    %sub3A_1464 = arith.subi %add3A_1461, %mul3A_1463 : vector<16xi32>
    %get3A_1465 = arith.constant 1456 : index
    %get3A_1466 = tpu.vector_load %arg5[%get3A_1465] {strides = array<i32>} : memref<1600xi32, #tpu.memory_space<vmem>>, vector<16xi32>,
    %get3A_1467 = vector.shape_cast %get3A_1466 : vector<16xi32> to vector<16xi32>
    %mul3A_1468 = arith.muli %sub3A_1464, %broadcast_in_dim3A_5 : vector<16xi32>
    %add3A_1469 = arith.addi %get3A_1467, %mul3A_1468 : vector<16xi32>
    %swap3A_1470 = arith.constant 1456 : index
    %swap3A_1471 = tpu.vector_load %arg6[%swap3A_1470] {strides = array<i32>} : memref<1600xi32, #tpu.memory_space<vmem>>, vector<16xi32>,
    %swap3A_1472 = vector.shape_cast %swap3A_1471 : vector<16xi32> to vector<16xi32>
    %swap3A_1473 = vector.shape_cast %add3A_1469 : vector<16xi32> to vector<16xi32>
    tpu.vector_store %arg6[%swap3A_1470], %swap3A_1473 {strides = array<i32>} : memref<1600xi32, #tpu.memory_space<vmem>>, vector<16xi32>,
    %add3A_1474 = arith.constant 1472 : i32
    %add3A_1475 = arith.addi %mul3A_2, %add3A_1474 : i32
    %broadcast_in_dim3A_1476 = vector.broadcast %add3A_1475 : i32 to vector<16xi32>
    %add3A_1477 = arith.addi %iota3A, %broadcast_in_dim3A_1476 : vector<16xi32>
    %div3A_1478 = arith.divsi %add3A_1477, %broadcast_in_dim3A_3 : vector<16xi32>
    %mul3A_1479 = arith.muli %div3A_1478, %broadcast_in_dim3A_3 : vector<16xi32>
    %sub3A_1480 = arith.subi %add3A_1477, %mul3A_1479 : vector<16xi32>
    %get3A_1481 = arith.constant 1472 : index
    %get3A_1482 = tpu.vector_load %arg5[%get3A_1481] {strides = array<i32>} : memref<1600xi32, #tpu.memory_space<vmem>>, vector<16xi32>,
    %get3A_1483 = vector.shape_cast %get3A_1482 : vector<16xi32> to vector<16xi32>
    %mul3A_1484 = arith.muli %sub3A_1480, %broadcast_in_dim3A_5 : vector<16xi32>
    %add3A_1485 = arith.addi %get3A_1483, %mul3A_1484 : vector<16xi32>
    %swap3A_1486 = arith.constant 1472 : index
    %swap3A_1487 = tpu.vector_load %arg6[%swap3A_1486] {strides = array<i32>} : memref<1600xi32, #tpu.memory_space<vmem>>, vector<16xi32>,
    %swap3A_1488 = vector.shape_cast %swap3A_1487 : vector<16xi32> to vector<16xi32>
    %swap3A_1489 = vector.shape_cast %add3A_1485 : vector<16xi32> to vector<16xi32>
    tpu.vector_store %arg6[%swap3A_1486], %swap3A_1489 {strides = array<i32>} : memref<1600xi32, #tpu.memory_space<vmem>>, vector<16xi32>,
    %add3A_1490 = arith.constant 1488 : i32
    %add3A_1491 = arith.addi %mul3A_2, %add3A_1490 : i32
    %broadcast_in_dim3A_1492 = vector.broadcast %add3A_1491 : i32 to vector<16xi32>
    %add3A_1493 = arith.addi %iota3A, %broadcast_in_dim3A_1492 : vector<16xi32>
    %div3A_1494 = arith.divsi %add3A_1493, %broadcast_in_dim3A_3 : vector<16xi32>
    %mul3A_1495 = arith.muli %div3A_1494, %broadcast_in_dim3A_3 : vector<16xi32>
    %sub3A_1496 = arith.subi %add3A_1493, %mul3A_1495 : vector<16xi32>
    %get3A_1497 = arith.constant 1488 : index
    %get3A_1498 = tpu.vector_load %arg5[%get3A_1497] {strides = array<i32>} : memref<1600xi32, #tpu.memory_space<vmem>>, vector<16xi32>,
    %get3A_1499 = vector.shape_cast %get3A_1498 : vector<16xi32> to vector<16xi32>
    %mul3A_1500 = arith.muli %sub3A_1496, %broadcast_in_dim3A_5 : vector<16xi32>
    %add3A_1501 = arith.addi %get3A_1499, %mul3A_1500 : vector<16xi32>
    %swap3A_1502 = arith.constant 1488 : index
    %swap3A_1503 = tpu.vector_load %arg6[%swap3A_1502] {strides = array<i32>} : memref<1600xi32, #tpu.memory_space<vmem>>, vector<16xi32>,
    %swap3A_1504 = vector.shape_cast %swap3A_1503 : vector<16xi32> to vector<16xi32>
    %swap3A_1505 = vector.shape_cast %add3A_1501 : vector<16xi32> to vector<16xi32>
    tpu.vector_store %arg6[%swap3A_1502], %swap3A_1505 {strides = array<i32>} : memref<1600xi32, #tpu.memory_space<vmem>>, vector<16xi32>,
    %add3A_1506 = arith.constant 1504 : i32
    %add3A_1507 = arith.addi %mul3A_2, %add3A_1506 : i32
    %broadcast_in_dim3A_1508 = vector.broadcast %add3A_1507 : i32 to vector<16xi32>
    %add3A_1509 = arith.addi %iota3A, %broadcast_in_dim3A_1508 : vector<16xi32>
    %div3A_1510 = arith.divsi %add3A_1509, %broadcast_in_dim3A_3 : vector<16xi32>
    %mul3A_1511 = arith.muli %div3A_1510, %broadcast_in_dim3A_3 : vector<16xi32>
    %sub3A_1512 = arith.subi %add3A_1509, %mul3A_1511 : vector<16xi32>
    %get3A_1513 = arith.constant 1504 : index
    %get3A_1514 = tpu.vector_load %arg5[%get3A_1513] {strides = array<i32>} : memref<1600xi32, #tpu.memory_space<vmem>>, vector<16xi32>,
    %get3A_1515 = vector.shape_cast %get3A_1514 : vector<16xi32> to vector<16xi32>
    %mul3A_1516 = arith.muli %sub3A_1512, %broadcast_in_dim3A_5 : vector<16xi32>
    %add3A_1517 = arith.addi %get3A_1515, %mul3A_1516 : vector<16xi32>
    %swap3A_1518 = arith.constant 1504 : index
    %swap3A_1519 = tpu.vector_load %arg6[%swap3A_1518] {strides = array<i32>} : memref<1600xi32, #tpu.memory_space<vmem>>, vector<16xi32>,
    %swap3A_1520 = vector.shape_cast %swap3A_1519 : vector<16xi32> to vector<16xi32>
    %swap3A_1521 = vector.shape_cast %add3A_1517 : vector<16xi32> to vector<16xi32>
    tpu.vector_store %arg6[%swap3A_1518], %swap3A_1521 {strides = array<i32>} : memref<1600xi32, #tpu.memory_space<vmem>>, vector<16xi32>,
    %add3A_1522 = arith.constant 1520 : i32
    %add3A_1523 = arith.addi %mul3A_2, %add3A_1522 : i32
    %broadcast_in_dim3A_1524 = vector.broadcast %add3A_1523 : i32 to vector<16xi32>
    %add3A_1525 = arith.addi %iota3A, %broadcast_in_dim3A_1524 : vector<16xi32>
    %div3A_1526 = arith.divsi %add3A_1525, %broadcast_in_dim3A_3 : vector<16xi32>
    %mul3A_1527 = arith.muli %div3A_1526, %broadcast_in_dim3A_3 : vector<16xi32>
    %sub3A_1528 = arith.subi %add3A_1525, %mul3A_1527 : vector<16xi32>
    %get3A_1529 = arith.constant 1520 : index
    %get3A_1530 = tpu.vector_load %arg5[%get3A_1529] {strides = array<i32>} : memref<1600xi32, #tpu.memory_space<vmem>>, vector<16xi32>,
    %get3A_1531 = vector.shape_cast %get3A_1530 : vector<16xi32> to vector<16xi32>
    %mul3A_1532 = arith.muli %sub3A_1528, %broadcast_in_dim3A_5 : vector<16xi32>
    %add3A_1533 = arith.addi %get3A_1531, %mul3A_1532 : vector<16xi32>
    %swap3A_1534 = arith.constant 1520 : index
    %swap3A_1535 = tpu.vector_load %arg6[%swap3A_1534] {strides = array<i32>} : memref<1600xi32, #tpu.memory_space<vmem>>, vector<16xi32>,
    %swap3A_1536 = vector.shape_cast %swap3A_1535 : vector<16xi32> to vector<16xi32>
    %swap3A_1537 = vector.shape_cast %add3A_1533 : vector<16xi32> to vector<16xi32>
    tpu.vector_store %arg6[%swap3A_1534], %swap3A_1537 {strides = array<i32>} : memref<1600xi32, #tpu.memory_space<vmem>>, vector<16xi32>,
    %add3A_1538 = arith.constant 1536 : i32
    %add3A_1539 = arith.addi %mul3A_2, %add3A_1538 : i32
    %broadcast_in_dim3A_1540 = vector.broadcast %add3A_1539 : i32 to vector<16xi32>
    %add3A_1541 = arith.addi %iota3A, %broadcast_in_dim3A_1540 : vector<16xi32>
    %div3A_1542 = arith.divsi %add3A_1541, %broadcast_in_dim3A_3 : vector<16xi32>
    %mul3A_1543 = arith.muli %div3A_1542, %broadcast_in_dim3A_3 : vector<16xi32>
    %sub3A_1544 = arith.subi %add3A_1541, %mul3A_1543 : vector<16xi32>
    %get3A_1545 = arith.constant 1536 : index
    %get3A_1546 = tpu.vector_load %arg5[%get3A_1545] {strides = array<i32>} : memref<1600xi32, #tpu.memory_space<vmem>>, vector<16xi32>,
    %get3A_1547 = vector.shape_cast %get3A_1546 : vector<16xi32> to vector<16xi32>
    %mul3A_1548 = arith.muli %sub3A_1544, %broadcast_in_dim3A_5 : vector<16xi32>
    %add3A_1549 = arith.addi %get3A_1547, %mul3A_1548 : vector<16xi32>
    %swap3A_1550 = arith.constant 1536 : index
    %swap3A_1551 = tpu.vector_load %arg6[%swap3A_1550] {strides = array<i32>} : memref<1600xi32, #tpu.memory_space<vmem>>, vector<16xi32>,
    %swap3A_1552 = vector.shape_cast %swap3A_1551 : vector<16xi32> to vector<16xi32>
    %swap3A_1553 = vector.shape_cast %add3A_1549 : vector<16xi32> to vector<16xi32>
    tpu.vector_store %arg6[%swap3A_1550], %swap3A_1553 {strides = array<i32>} : memref<1600xi32, #tpu.memory_space<vmem>>, vector<16xi32>,
    %add3A_1554 = arith.constant 1552 : i32
    %add3A_1555 = arith.addi %mul3A_2, %add3A_1554 : i32
    %broadcast_in_dim3A_1556 = vector.broadcast %add3A_1555 : i32 to vector<16xi32>
    %add3A_1557 = arith.addi %iota3A, %broadcast_in_dim3A_1556 : vector<16xi32>
    %div3A_1558 = arith.divsi %add3A_1557, %broadcast_in_dim3A_3 : vector<16xi32>
    %mul3A_1559 = arith.muli %div3A_1558, %broadcast_in_dim3A_3 : vector<16xi32>
    %sub3A_1560 = arith.subi %add3A_1557, %mul3A_1559 : vector<16xi32>
    %get3A_1561 = arith.constant 1552 : index
    %get3A_1562 = tpu.vector_load %arg5[%get3A_1561] {strides = array<i32>} : memref<1600xi32, #tpu.memory_space<vmem>>, vector<16xi32>,
    %get3A_1563 = vector.shape_cast %get3A_1562 : vector<16xi32> to vector<16xi32>
    %mul3A_1564 = arith.muli %sub3A_1560, %broadcast_in_dim3A_5 : vector<16xi32>
    %add3A_1565 = arith.addi %get3A_1563, %mul3A_1564 : vector<16xi32>
    %swap3A_1566 = arith.constant 1552 : index
    %swap3A_1567 = tpu.vector_load %arg6[%swap3A_1566] {strides = array<i32>} : memref<1600xi32, #tpu.memory_space<vmem>>, vector<16xi32>,
    %swap3A_1568 = vector.shape_cast %swap3A_1567 : vector<16xi32> to vector<16xi32>
    %swap3A_1569 = vector.shape_cast %add3A_1565 : vector<16xi32> to vector<16xi32>
    tpu.vector_store %arg6[%swap3A_1566], %swap3A_1569 {strides = array<i32>} : memref<1600xi32, #tpu.memory_space<vmem>>, vector<16xi32>,
    %add3A_1570 = arith.constant 1568 : i32
    %add3A_1571 = arith.addi %mul3A_2, %add3A_1570 : i32
    %broadcast_in_dim3A_1572 = vector.broadcast %add3A_1571 : i32 to vector<16xi32>
    %add3A_1573 = arith.addi %iota3A, %broadcast_in_dim3A_1572 : vector<16xi32>
    %div3A_1574 = arith.divsi %add3A_1573, %broadcast_in_dim3A_3 : vector<16xi32>
    %mul3A_1575 = arith.muli %div3A_1574, %broadcast_in_dim3A_3 : vector<16xi32>
    %sub3A_1576 = arith.subi %add3A_1573, %mul3A_1575 : vector<16xi32>
    %get3A_1577 = arith.constant 1568 : index
    %get3A_1578 = tpu.vector_load %arg5[%get3A_1577] {strides = array<i32>} : memref<1600xi32, #tpu.memory_space<vmem>>, vector<16xi32>,
    %get3A_1579 = vector.shape_cast %get3A_1578 : vector<16xi32> to vector<16xi32>
    %mul3A_1580 = arith.muli %sub3A_1576, %broadcast_in_dim3A_5 : vector<16xi32>
    %add3A_1581 = arith.addi %get3A_1579, %mul3A_1580 : vector<16xi32>
    %swap3A_1582 = arith.constant 1568 : index
    %swap3A_1583 = tpu.vector_load %arg6[%swap3A_1582] {strides = array<i32>} : memref<1600xi32, #tpu.memory_space<vmem>>, vector<16xi32>,
    %swap3A_1584 = vector.shape_cast %swap3A_1583 : vector<16xi32> to vector<16xi32>
    %swap3A_1585 = vector.shape_cast %add3A_1581 : vector<16xi32> to vector<16xi32>
    tpu.vector_store %arg6[%swap3A_1582], %swap3A_1585 {strides = array<i32>} : memref<1600xi32, #tpu.memory_space<vmem>>, vector<16xi32>,
    %add3A_1586 = arith.constant 1584 : i32
    %add3A_1587 = arith.addi %mul3A_2, %add3A_1586 : i32
    %broadcast_in_dim3A_1588 = vector.broadcast %add3A_1587 : i32 to vector<16xi32>
    %add3A_1589 = arith.addi %iota3A, %broadcast_in_dim3A_1588 : vector<16xi32>
    %div3A_1590 = arith.divsi %add3A_1589, %broadcast_in_dim3A_3 : vector<16xi32>
    %mul3A_1591 = arith.muli %div3A_1590, %broadcast_in_dim3A_3 : vector<16xi32>
    %sub3A_1592 = arith.subi %add3A_1589, %mul3A_1591 : vector<16xi32>
    %get3A_1593 = arith.constant 1584 : index
    %get3A_1594 = tpu.vector_load %arg5[%get3A_1593] {strides = array<i32>} : memref<1600xi32, #tpu.memory_space<vmem>>, vector<16xi32>,
    %get3A_1595 = vector.shape_cast %get3A_1594 : vector<16xi32> to vector<16xi32>
    %mul3A_1596 = arith.muli %sub3A_1592, %broadcast_in_dim3A_5 : vector<16xi32>
    %add3A_1597 = arith.addi %get3A_1595, %mul3A_1596 : vector<16xi32>
    %swap3A_1598 = arith.constant 1584 : index
    %swap3A_1599 = tpu.vector_load %arg6[%swap3A_1598] {strides = array<i32>} : memref<1600xi32, #tpu.memory_space<vmem>>, vector<16xi32>,
    %swap3A_1600 = vector.shape_cast %swap3A_1599 : vector<16xi32> to vector<16xi32>
    %swap3A_1601 = vector.shape_cast %add3A_1597 : vector<16xi32> to vector<16xi32>
    tpu.vector_store %arg6[%swap3A_1598], %swap3A_1601 {strides = array<i32>} : memref<1600xi32, #tpu.memory_space<vmem>>, vector<16xi32>,
    %dma_start3A = arith.constant 0 : i32
    %dma_start3A_1602 = arith.constant 0 : i32
    %dma_start3A_1603 = tpu.memref_slice %arg7[%dma_start3A, %dma_start3A_1602] : memref<128x128xf32, #tpu.memory_space<vmem>> -> memref<128x128xf32, #tpu.memory_space<vmem>>
    %dma_start3A_1604 = arith.constant 0 : i32
    %dma_start3A_1605 = tpu.memref_slice %arg6[%dma_start3A_1604] : memref<1600xi32, #tpu.memory_space<vmem>> -> memref<128xi32, #tpu.memory_space<vmem>>
    %dma_start3A_1606 = arith.constant 0 : i32
    %dma_start3A_1607 = arith.constant 0 : i32
    %dma_start3A_1608 = tpu.memref_slice %arg2[%dma_start3A_1606, %dma_start3A_1607] : memref<204800x128xf32, #tpu.memory_space<hbm>> -> memref<204800x128xf32, #tpu.memory_space<hbm>>
    tpu.enqueue_indirect_dma source(%dma_start3A_1608 : memref<204800x128xf32, #tpu.memory_space<hbm>>) target(%dma_start3A_1603 : memref<128x128xf32, #tpu.memory_space<vmem>>) offsets(%dma_start3A_1605 : memref<128xi32, #tpu.memory_space<vmem>>) semaphore(%arg14 : memref<!tpu.dma_semaphore, #tpu.memory_space<semaphore_mem>>)
    %dma_start3A_1609 = arith.constant 0 : i32
    %dma_start3A_1610 = arith.constant 0 : i32
    %dma_start3A_1611 = tpu.memref_slice %arg8[%dma_start3A_1609, %dma_start3A_1610] : memref<128x128xf32, #tpu.memory_space<vmem>> -> memref<128x128xf32, #tpu.memory_space<vmem>>
    %dma_start3A_1612 = arith.constant 128 : i32
    %dma_start3A_1613 = tpu.memref_slice %arg6[%dma_start3A_1612] : memref<1600xi32, #tpu.memory_space<vmem>> -> memref<128xi32, #tpu.memory_space<vmem>>
    %dma_start3A_1614 = arith.constant 0 : i32
    %dma_start3A_1615 = arith.constant 0 : i32
    %dma_start3A_1616 = tpu.memref_slice %arg2[%dma_start3A_1614, %dma_start3A_1615] : memref<204800x128xf32, #tpu.memory_space<hbm>> -> memref<204800x128xf32, #tpu.memory_space<hbm>>
    tpu.enqueue_indirect_dma source(%dma_start3A_1616 : memref<204800x128xf32, #tpu.memory_space<hbm>>) target(%dma_start3A_1611 : memref<128x128xf32, #tpu.memory_space<vmem>>) offsets(%dma_start3A_1613 : memref<128xi32, #tpu.memory_space<vmem>>) semaphore(%arg15 : memref<!tpu.dma_semaphore, #tpu.memory_space<semaphore_mem>>)
    %dma_start3A_1617 = arith.constant 0 : i32
    %dma_start3A_1618 = arith.constant 0 : i32
    %dma_start3A_1619 = tpu.memref_slice %arg9[%dma_start3A_1617, %dma_start3A_1618] : memref<128x128xf32, #tpu.memory_space<vmem>> -> memref<128x128xf32, #tpu.memory_space<vmem>>
    %dma_start3A_1620 = arith.constant 256 : i32
    %dma_start3A_1621 = tpu.memref_slice %arg6[%dma_start3A_1620] : memref<1600xi32, #tpu.memory_space<vmem>> -> memref<128xi32, #tpu.memory_space<vmem>>
    %dma_start3A_1622 = arith.constant 0 : i32
    %dma_start3A_1623 = arith.constant 0 : i32
    %dma_start3A_1624 = tpu.memref_slice %arg2[%dma_start3A_1622, %dma_start3A_1623] : memref<204800x128xf32, #tpu.memory_space<hbm>> -> memref<204800x128xf32, #tpu.memory_space<hbm>>
    tpu.enqueue_indirect_dma source(%dma_start3A_1624 : memref<204800x128xf32, #tpu.memory_space<hbm>>) target(%dma_start3A_1619 : memref<128x128xf32, #tpu.memory_space<vmem>>) offsets(%dma_start3A_1621 : memref<128xi32, #tpu.memory_space<vmem>>) semaphore(%arg16 : memref<!tpu.dma_semaphore, #tpu.memory_space<semaphore_mem>>)
    %dma_start3A_1625 = arith.constant 0 : i32
    %dma_start3A_1626 = arith.constant 0 : i32
    %dma_start3A_1627 = tpu.memref_slice %arg10[%dma_start3A_1625, %dma_start3A_1626] : memref<128x128xf32, #tpu.memory_space<vmem>> -> memref<128x128xf32, #tpu.memory_space<vmem>>
    %dma_start3A_1628 = arith.constant 384 : i32
    %dma_start3A_1629 = tpu.memref_slice %arg6[%dma_start3A_1628] : memref<1600xi32, #tpu.memory_space<vmem>> -> memref<128xi32, #tpu.memory_space<vmem>>
    %dma_start3A_1630 = arith.constant 0 : i32
    %dma_start3A_1631 = arith.constant 0 : i32
    %dma_start3A_1632 = tpu.memref_slice %arg2[%dma_start3A_1630, %dma_start3A_1631] : memref<204800x128xf32, #tpu.memory_space<hbm>> -> memref<204800x128xf32, #tpu.memory_space<hbm>>
    tpu.enqueue_indirect_dma source(%dma_start3A_1632 : memref<204800x128xf32, #tpu.memory_space<hbm>>) target(%dma_start3A_1627 : memref<128x128xf32, #tpu.memory_space<vmem>>) offsets(%dma_start3A_1629 : memref<128xi32, #tpu.memory_space<vmem>>) semaphore(%arg17 : memref<!tpu.dma_semaphore, #tpu.memory_space<semaphore_mem>>)
    %dma_start3A_1633 = arith.constant 0 : i32
    %dma_start3A_1634 = arith.constant 0 : i32
    %dma_start3A_1635 = tpu.memref_slice %arg11[%dma_start3A_1633, %dma_start3A_1634] : memref<128x128xf32, #tpu.memory_space<vmem>> -> memref<128x128xf32, #tpu.memory_space<vmem>>
    %dma_start3A_1636 = arith.constant 512 : i32
    %dma_start3A_1637 = tpu.memref_slice %arg6[%dma_start3A_1636] : memref<1600xi32, #tpu.memory_space<vmem>> -> memref<128xi32, #tpu.memory_space<vmem>>
    %dma_start3A_1638 = arith.constant 0 : i32
    %dma_start3A_1639 = arith.constant 0 : i32
    %dma_start3A_1640 = tpu.memref_slice %arg2[%dma_start3A_1638, %dma_start3A_1639] : memref<204800x128xf32, #tpu.memory_space<hbm>> -> memref<204800x128xf32, #tpu.memory_space<hbm>>
    tpu.enqueue_indirect_dma source(%dma_start3A_1640 : memref<204800x128xf32, #tpu.memory_space<hbm>>) target(%dma_start3A_1635 : memref<128x128xf32, #tpu.memory_space<vmem>>) offsets(%dma_start3A_1637 : memref<128xi32, #tpu.memory_space<vmem>>) semaphore(%arg18 : memref<!tpu.dma_semaphore, #tpu.memory_space<semaphore_mem>>)
    %dma_wait3A = arith.constant 0 : i32
    %dma_wait3A_1641 = arith.constant 0 : i32
    %dma_wait3A_1642 = tpu.memref_slice %arg7[%dma_wait3A, %dma_wait3A_1641] : memref<128x128xf32, #tpu.memory_space<vmem>> -> memref<128x128xf32, #tpu.memory_space<vmem>>
    %dma_wait3A_1643 = arith.constant 0 : i32
    %dma_wait3A_1644 = tpu.memref_slice %arg6[%dma_wait3A_1643] : memref<1600xi32, #tpu.memory_space<vmem>> -> memref<128xi32, #tpu.memory_space<vmem>>
    %dma_wait3A_1645 = arith.constant 0 : i32
    %dma_wait3A_1646 = arith.constant 0 : i32
    %dma_wait3A_1647 = tpu.memref_slice %arg2[%dma_wait3A_1645, %dma_wait3A_1646] : memref<204800x128xf32, #tpu.memory_space<hbm>> -> memref<204800x128xf32, #tpu.memory_space<hbm>>
    tpu.wait_indirect_dma semaphore(%arg14 : memref<!tpu.dma_semaphore, #tpu.memory_space<semaphore_mem>>) src(%dma_wait3A_1647 : memref<204800x128xf32, #tpu.memory_space<hbm>>) dst(%dma_wait3A_1642 : memref<128x128xf32, #tpu.memory_space<vmem>>)
    %add3A_1648 = arith.constant 0 : i32
    %add3A_1649 = arith.addi %mul3A_2, %add3A_1648 : i32
    %dma_start3A_1650 = arith.constant 0 : i32
    %dma_start3A_1651 = arith.constant 0 : i32
    %dma_start3A_1652 = tpu.memref_slice %arg7[%dma_start3A_1650, %dma_start3A_1651] : memref<128x128xf32, #tpu.memory_space<vmem>> -> memref<128x128xf32, #tpu.memory_space<vmem>>
    %dma_start3A_1653 = arith.constant 0 : i32
    %dma_start3A_1654 = tpu.memref_slice %arg4[%add3A_1649, %dma_start3A_1653] : memref<51200x128xf32, #tpu.memory_space<hbm>> -> memref<128x128xf32, #tpu.memory_space<hbm>>
    %dma_start3A_1655 = arith.constant 0 : i32
    %dma_start3A_1656 = tpu.memref_slice %arg4[%add3A_1649, %dma_start3A_1655] : memref<51200x128xf32, #tpu.memory_space<hbm>> -> memref<128x128xf32, #tpu.memory_space<hbm>>
    %dma_start3A_1657 = arith.constant 0 : i32
    %dma_start3A_1658 = arith.constant 0 : i32
    %dma_start3A_1659 = tpu.memref_slice %arg7[%dma_start3A_1657, %dma_start3A_1658] : memref<128x128xf32, #tpu.memory_space<vmem>> -> memref<128x128xf32, #tpu.memory_space<vmem>>
    tpu.enqueue_dma source(%dma_start3A_1659 : memref<128x128xf32, #tpu.memory_space<vmem>>) target(%dma_start3A_1656 : memref<128x128xf32, #tpu.memory_space<hbm>>) target_semaphore(%arg21 : memref<!tpu.dma_semaphore, #tpu.memory_space<semaphore_mem>>)
    %dma_start3A_1660 = arith.constant 0 : i32
    %dma_start3A_1661 = arith.constant 0 : i32
    %dma_start3A_1662 = tpu.memref_slice %arg12[%dma_start3A_1660, %dma_start3A_1661] : memref<128x128xf32, #tpu.memory_space<vmem>> -> memref<128x128xf32, #tpu.memory_space<vmem>>
    %dma_start3A_1663 = arith.constant 640 : i32
    %dma_start3A_1664 = tpu.memref_slice %arg6[%dma_start3A_1663] : memref<1600xi32, #tpu.memory_space<vmem>> -> memref<128xi32, #tpu.memory_space<vmem>>
    %dma_start3A_1665 = arith.constant 0 : i32
    %dma_start3A_1666 = arith.constant 0 : i32
    %dma_start3A_1667 = tpu.memref_slice %arg2[%dma_start3A_1665, %dma_start3A_1666] : memref<204800x128xf32, #tpu.memory_space<hbm>> -> memref<204800x128xf32, #tpu.memory_space<hbm>>
    tpu.enqueue_indirect_dma source(%dma_start3A_1667 : memref<204800x128xf32, #tpu.memory_space<hbm>>) target(%dma_start3A_1662 : memref<128x128xf32, #tpu.memory_space<vmem>>) offsets(%dma_start3A_1664 : memref<128xi32, #tpu.memory_space<vmem>>) semaphore(%arg19 : memref<!tpu.dma_semaphore, #tpu.memory_space<semaphore_mem>>)
    %dma_wait3A_1668 = arith.constant 0 : i32
    %dma_wait3A_1669 = arith.constant 0 : i32
    %dma_wait3A_1670 = tpu.memref_slice %arg8[%dma_wait3A_1668, %dma_wait3A_1669] : memref<128x128xf32, #tpu.memory_space<vmem>> -> memref<128x128xf32, #tpu.memory_space<vmem>>
    %dma_wait3A_1671 = arith.constant 128 : i32
    %dma_wait3A_1672 = tpu.memref_slice %arg6[%dma_wait3A_1671] : memref<1600xi32, #tpu.memory_space<vmem>> -> memref<128xi32, #tpu.memory_space<vmem>>
    %dma_wait3A_1673 = arith.constant 0 : i32
    %dma_wait3A_1674 = arith.constant 0 : i32
    %dma_wait3A_1675 = tpu.memref_slice %arg2[%dma_wait3A_1673, %dma_wait3A_1674] : memref<204800x128xf32, #tpu.memory_space<hbm>> -> memref<204800x128xf32, #tpu.memory_space<hbm>>
    tpu.wait_indirect_dma semaphore(%arg15 : memref<!tpu.dma_semaphore, #tpu.memory_space<semaphore_mem>>) src(%dma_wait3A_1675 : memref<204800x128xf32, #tpu.memory_space<hbm>>) dst(%dma_wait3A_1670 : memref<128x128xf32, #tpu.memory_space<vmem>>)
    %add3A_1676 = arith.constant 128 : i32
    %add3A_1677 = arith.addi %mul3A_2, %add3A_1676 : i32
    %dma_start3A_1678 = arith.constant 0 : i32
    %dma_start3A_1679 = arith.constant 0 : i32
    %dma_start3A_1680 = tpu.memref_slice %arg8[%dma_start3A_1678, %dma_start3A_1679] : memref<128x128xf32, #tpu.memory_space<vmem>> -> memref<128x128xf32, #tpu.memory_space<vmem>>
    %dma_start3A_1681 = arith.constant 0 : i32
    %dma_start3A_1682 = tpu.memref_slice %arg4[%add3A_1677, %dma_start3A_1681] : memref<51200x128xf32, #tpu.memory_space<hbm>> -> memref<128x128xf32, #tpu.memory_space<hbm>>
    %dma_start3A_1683 = arith.constant 0 : i32
    %dma_start3A_1684 = tpu.memref_slice %arg4[%add3A_1677, %dma_start3A_1683] : memref<51200x128xf32, #tpu.memory_space<hbm>> -> memref<128x128xf32, #tpu.memory_space<hbm>>
    %dma_start3A_1685 = arith.constant 0 : i32
    %dma_start3A_1686 = arith.constant 0 : i32
    %dma_start3A_1687 = tpu.memref_slice %arg8[%dma_start3A_1685, %dma_start3A_1686] : memref<128x128xf32, #tpu.memory_space<vmem>> -> memref<128x128xf32, #tpu.memory_space<vmem>>
    tpu.enqueue_dma source(%dma_start3A_1687 : memref<128x128xf32, #tpu.memory_space<vmem>>) target(%dma_start3A_1684 : memref<128x128xf32, #tpu.memory_space<hbm>>) target_semaphore(%arg22 : memref<!tpu.dma_semaphore, #tpu.memory_space<semaphore_mem>>)
    %dma_start3A_1688 = arith.constant 0 : i32
    %dma_start3A_1689 = arith.constant 0 : i32
    %dma_start3A_1690 = tpu.memref_slice %arg13[%dma_start3A_1688, %dma_start3A_1689] : memref<128x128xf32, #tpu.memory_space<vmem>> -> memref<128x128xf32, #tpu.memory_space<vmem>>
    %dma_start3A_1691 = arith.constant 768 : i32
    %dma_start3A_1692 = tpu.memref_slice %arg6[%dma_start3A_1691] : memref<1600xi32, #tpu.memory_space<vmem>> -> memref<128xi32, #tpu.memory_space<vmem>>
    %dma_start3A_1693 = arith.constant 0 : i32
    %dma_start3A_1694 = arith.constant 0 : i32
    %dma_start3A_1695 = tpu.memref_slice %arg2[%dma_start3A_1693, %dma_start3A_1694] : memref<204800x128xf32, #tpu.memory_space<hbm>> -> memref<204800x128xf32, #tpu.memory_space<hbm>>
    tpu.enqueue_indirect_dma source(%dma_start3A_1695 : memref<204800x128xf32, #tpu.memory_space<hbm>>) target(%dma_start3A_1690 : memref<128x128xf32, #tpu.memory_space<vmem>>) offsets(%dma_start3A_1692 : memref<128xi32, #tpu.memory_space<vmem>>) semaphore(%arg20 : memref<!tpu.dma_semaphore, #tpu.memory_space<semaphore_mem>>)
    %dma_wait3A_1696 = arith.constant 0 : i32
    %dma_wait3A_1697 = arith.constant 0 : i32
    %dma_wait3A_1698 = tpu.memref_slice %arg9[%dma_wait3A_1696, %dma_wait3A_1697] : memref<128x128xf32, #tpu.memory_space<vmem>> -> memref<128x128xf32, #tpu.memory_space<vmem>>
    %dma_wait3A_1699 = arith.constant 256 : i32
    %dma_wait3A_1700 = tpu.memref_slice %arg6[%dma_wait3A_1699] : memref<1600xi32, #tpu.memory_space<vmem>> -> memref<128xi32, #tpu.memory_space<vmem>>
    %dma_wait3A_1701 = arith.constant 0 : i32
    %dma_wait3A_1702 = arith.constant 0 : i32
    %dma_wait3A_1703 = tpu.memref_slice %arg2[%dma_wait3A_1701, %dma_wait3A_1702] : memref<204800x128xf32, #tpu.memory_space<hbm>> -> memref<204800x128xf32, #tpu.memory_space<hbm>>
    tpu.wait_indirect_dma semaphore(%arg16 : memref<!tpu.dma_semaphore, #tpu.memory_space<semaphore_mem>>) src(%dma_wait3A_1703 : memref<204800x128xf32, #tpu.memory_space<hbm>>) dst(%dma_wait3A_1698 : memref<128x128xf32, #tpu.memory_space<vmem>>)
    %add3A_1704 = arith.constant 256 : i32
    %add3A_1705 = arith.addi %mul3A_2, %add3A_1704 : i32
    %dma_start3A_1706 = arith.constant 0 : i32
    %dma_start3A_1707 = arith.constant 0 : i32
    %dma_start3A_1708 = tpu.memref_slice %arg9[%dma_start3A_1706, %dma_start3A_1707] : memref<128x128xf32, #tpu.memory_space<vmem>> -> memref<128x128xf32, #tpu.memory_space<vmem>>
    %dma_start3A_1709 = arith.constant 0 : i32
    %dma_start3A_1710 = tpu.memref_slice %arg4[%add3A_1705, %dma_start3A_1709] : memref<51200x128xf32, #tpu.memory_space<hbm>> -> memref<128x128xf32, #tpu.memory_space<hbm>>
    %dma_start3A_1711 = arith.constant 0 : i32
    %dma_start3A_1712 = tpu.memref_slice %arg4[%add3A_1705, %dma_start3A_1711] : memref<51200x128xf32, #tpu.memory_space<hbm>> -> memref<128x128xf32, #tpu.memory_space<hbm>>
    %dma_start3A_1713 = arith.constant 0 : i32
    %dma_start3A_1714 = arith.constant 0 : i32
    %dma_start3A_1715 = tpu.memref_slice %arg9[%dma_start3A_1713, %dma_start3A_1714] : memref<128x128xf32, #tpu.memory_space<vmem>> -> memref<128x128xf32, #tpu.memory_space<vmem>>
    tpu.enqueue_dma source(%dma_start3A_1715 : memref<128x128xf32, #tpu.memory_space<vmem>>) target(%dma_start3A_1712 : memref<128x128xf32, #tpu.memory_space<hbm>>) target_semaphore(%arg23 : memref<!tpu.dma_semaphore, #tpu.memory_space<semaphore_mem>>)
    %dma_wait3A_1716 = arith.constant 0 : i32
    %dma_wait3A_1717 = arith.constant 0 : i32
    %dma_wait3A_1718 = tpu.memref_slice %arg7[%dma_wait3A_1716, %dma_wait3A_1717] : memref<128x128xf32, #tpu.memory_space<vmem>> -> memref<128x128xf32, #tpu.memory_space<vmem>>
    %dma_wait3A_1719 = arith.constant 0 : i32
    %dma_wait3A_1720 = tpu.memref_slice %arg4[%add3A_1649, %dma_wait3A_1719] : memref<51200x128xf32, #tpu.memory_space<hbm>> -> memref<128x128xf32, #tpu.memory_space<hbm>>
    %dma_wait3A_1721 = arith.constant 0 : i32
    %dma_wait3A_1722 = tpu.memref_slice %arg4[%add3A_1649, %dma_wait3A_1721] : memref<51200x128xf32, #tpu.memory_space<hbm>> -> memref<128x128xf32, #tpu.memory_space<hbm>>
    %dma_wait3A_1723 = arith.constant 0 : i32
    %dma_wait3A_1724 = arith.constant 0 : i32
    %dma_wait3A_1725 = tpu.memref_slice %arg7[%dma_wait3A_1723, %dma_wait3A_1724] : memref<128x128xf32, #tpu.memory_space<vmem>> -> memref<128x128xf32, #tpu.memory_space<vmem>>
    tpu.wait_dma2 semaphore(%arg21 : memref<!tpu.dma_semaphore, #tpu.memory_space<semaphore_mem>>) src(%dma_wait3A_1725 : memref<128x128xf32, #tpu.memory_space<vmem>>) dst(%dma_wait3A_1722 : memref<128x128xf32, #tpu.memory_space<hbm>>)
    %dma_start3A_1726 = arith.constant 0 : i32
    %dma_start3A_1727 = arith.constant 0 : i32
    %dma_start3A_1728 = tpu.memref_slice %arg7[%dma_start3A_1726, %dma_start3A_1727] : memref<128x128xf32, #tpu.memory_space<vmem>> -> memref<128x128xf32, #tpu.memory_space<vmem>>
    %dma_start3A_1729 = arith.constant 896 : i32
    %dma_start3A_1730 = tpu.memref_slice %arg6[%dma_start3A_1729] : memref<1600xi32, #tpu.memory_space<vmem>> -> memref<128xi32, #tpu.memory_space<vmem>>
    %dma_start3A_1731 = arith.constant 0 : i32
    %dma_start3A_1732 = arith.constant 0 : i32
    %dma_start3A_1733 = tpu.memref_slice %arg2[%dma_start3A_1731, %dma_start3A_1732] : memref<204800x128xf32, #tpu.memory_space<hbm>> -> memref<204800x128xf32, #tpu.memory_space<hbm>>
    tpu.enqueue_indirect_dma source(%dma_start3A_1733 : memref<204800x128xf32, #tpu.memory_space<hbm>>) target(%dma_start3A_1728 : memref<128x128xf32, #tpu.memory_space<vmem>>) offsets(%dma_start3A_1730 : memref<128xi32, #tpu.memory_space<vmem>>) semaphore(%arg14 : memref<!tpu.dma_semaphore, #tpu.memory_space<semaphore_mem>>)
    %dma_wait3A_1734 = arith.constant 0 : i32
    %dma_wait3A_1735 = arith.constant 0 : i32
    %dma_wait3A_1736 = tpu.memref_slice %arg10[%dma_wait3A_1734, %dma_wait3A_1735] : memref<128x128xf32, #tpu.memory_space<vmem>> -> memref<128x128xf32, #tpu.memory_space<vmem>>
    %dma_wait3A_1737 = arith.constant 384 : i32
    %dma_wait3A_1738 = tpu.memref_slice %arg6[%dma_wait3A_1737] : memref<1600xi32, #tpu.memory_space<vmem>> -> memref<128xi32, #tpu.memory_space<vmem>>
    %dma_wait3A_1739 = arith.constant 0 : i32
    %dma_wait3A_1740 = arith.constant 0 : i32
    %dma_wait3A_1741 = tpu.memref_slice %arg2[%dma_wait3A_1739, %dma_wait3A_1740] : memref<204800x128xf32, #tpu.memory_space<hbm>> -> memref<204800x128xf32, #tpu.memory_space<hbm>>
    tpu.wait_indirect_dma semaphore(%arg17 : memref<!tpu.dma_semaphore, #tpu.memory_space<semaphore_mem>>) src(%dma_wait3A_1741 : memref<204800x128xf32, #tpu.memory_space<hbm>>) dst(%dma_wait3A_1736 : memref<128x128xf32, #tpu.memory_space<vmem>>)
    %add3A_1742 = arith.constant 384 : i32
    %add3A_1743 = arith.addi %mul3A_2, %add3A_1742 : i32
    %dma_start3A_1744 = arith.constant 0 : i32
    %dma_start3A_1745 = arith.constant 0 : i32
    %dma_start3A_1746 = tpu.memref_slice %arg10[%dma_start3A_1744, %dma_start3A_1745] : memref<128x128xf32, #tpu.memory_space<vmem>> -> memref<128x128xf32, #tpu.memory_space<vmem>>
    %dma_start3A_1747 = arith.constant 0 : i32
    %dma_start3A_1748 = tpu.memref_slice %arg4[%add3A_1743, %dma_start3A_1747] : memref<51200x128xf32, #tpu.memory_space<hbm>> -> memref<128x128xf32, #tpu.memory_space<hbm>>
    %dma_start3A_1749 = arith.constant 0 : i32
    %dma_start3A_1750 = tpu.memref_slice %arg4[%add3A_1743, %dma_start3A_1749] : memref<51200x128xf32, #tpu.memory_space<hbm>> -> memref<128x128xf32, #tpu.memory_space<hbm>>
    %dma_start3A_1751 = arith.constant 0 : i32
    %dma_start3A_1752 = arith.constant 0 : i32
    %dma_start3A_1753 = tpu.memref_slice %arg10[%dma_start3A_1751, %dma_start3A_1752] : memref<128x128xf32, #tpu.memory_space<vmem>> -> memref<128x128xf32, #tpu.memory_space<vmem>>
    tpu.enqueue_dma source(%dma_start3A_1753 : memref<128x128xf32, #tpu.memory_space<vmem>>) target(%dma_start3A_1750 : memref<128x128xf32, #tpu.memory_space<hbm>>) target_semaphore(%arg24 : memref<!tpu.dma_semaphore, #tpu.memory_space<semaphore_mem>>)
    %dma_wait3A_1754 = arith.constant 0 : i32
    %dma_wait3A_1755 = arith.constant 0 : i32
    %dma_wait3A_1756 = tpu.memref_slice %arg8[%dma_wait3A_1754, %dma_wait3A_1755] : memref<128x128xf32, #tpu.memory_space<vmem>> -> memref<128x128xf32, #tpu.memory_space<vmem>>
    %dma_wait3A_1757 = arith.constant 0 : i32
    %dma_wait3A_1758 = tpu.memref_slice %arg4[%add3A_1677, %dma_wait3A_1757] : memref<51200x128xf32, #tpu.memory_space<hbm>> -> memref<128x128xf32, #tpu.memory_space<hbm>>
    %dma_wait3A_1759 = arith.constant 0 : i32
    %dma_wait3A_1760 = tpu.memref_slice %arg4[%add3A_1677, %dma_wait3A_1759] : memref<51200x128xf32, #tpu.memory_space<hbm>> -> memref<128x128xf32, #tpu.memory_space<hbm>>
    %dma_wait3A_1761 = arith.constant 0 : i32
    %dma_wait3A_1762 = arith.constant 0 : i32
    %dma_wait3A_1763 = tpu.memref_slice %arg8[%dma_wait3A_1761, %dma_wait3A_1762] : memref<128x128xf32, #tpu.memory_space<vmem>> -> memref<128x128xf32, #tpu.memory_space<vmem>>
    tpu.wait_dma2 semaphore(%arg22 : memref<!tpu.dma_semaphore, #tpu.memory_space<semaphore_mem>>) src(%dma_wait3A_1763 : memref<128x128xf32, #tpu.memory_space<vmem>>) dst(%dma_wait3A_1760 : memref<128x128xf32, #tpu.memory_space<hbm>>)
    %dma_start3A_1764 = arith.constant 0 : i32
    %dma_start3A_1765 = arith.constant 0 : i32
    %dma_start3A_1766 = tpu.memref_slice %arg8[%dma_start3A_1764, %dma_start3A_1765] : memref<128x128xf32, #tpu.memory_space<vmem>> -> memref<128x128xf32, #tpu.memory_space<vmem>>
    %dma_start3A_1767 = arith.constant 1024 : i32
    %dma_start3A_1768 = tpu.memref_slice %arg6[%dma_start3A_1767] : memref<1600xi32, #tpu.memory_space<vmem>> -> memref<128xi32, #tpu.memory_space<vmem>>
    %dma_start3A_1769 = arith.constant 0 : i32
    %dma_start3A_1770 = arith.constant 0 : i32
    %dma_start3A_1771 = tpu.memref_slice %arg2[%dma_start3A_1769, %dma_start3A_1770] : memref<204800x128xf32, #tpu.memory_space<hbm>> -> memref<204800x128xf32, #tpu.memory_space<hbm>>
    tpu.enqueue_indirect_dma source(%dma_start3A_1771 : memref<204800x128xf32, #tpu.memory_space<hbm>>) target(%dma_start3A_1766 : memref<128x128xf32, #tpu.memory_space<vmem>>) offsets(%dma_start3A_1768 : memref<128xi32, #tpu.memory_space<vmem>>) semaphore(%arg15 : memref<!tpu.dma_semaphore, #tpu.memory_space<semaphore_mem>>)
    %dma_wait3A_1772 = arith.constant 0 : i32
    %dma_wait3A_1773 = arith.constant 0 : i32
    %dma_wait3A_1774 = tpu.memref_slice %arg11[%dma_wait3A_1772, %dma_wait3A_1773] : memref<128x128xf32, #tpu.memory_space<vmem>> -> memref<128x128xf32, #tpu.memory_space<vmem>>
    %dma_wait3A_1775 = arith.constant 512 : i32
    %dma_wait3A_1776 = tpu.memref_slice %arg6[%dma_wait3A_1775] : memref<1600xi32, #tpu.memory_space<vmem>> -> memref<128xi32, #tpu.memory_space<vmem>>
    %dma_wait3A_1777 = arith.constant 0 : i32
    %dma_wait3A_1778 = arith.constant 0 : i32
    %dma_wait3A_1779 = tpu.memref_slice %arg2[%dma_wait3A_1777, %dma_wait3A_1778] : memref<204800x128xf32, #tpu.memory_space<hbm>> -> memref<204800x128xf32, #tpu.memory_space<hbm>>
    tpu.wait_indirect_dma semaphore(%arg18 : memref<!tpu.dma_semaphore, #tpu.memory_space<semaphore_mem>>) src(%dma_wait3A_1779 : memref<204800x128xf32, #tpu.memory_space<hbm>>) dst(%dma_wait3A_1774 : memref<128x128xf32, #tpu.memory_space<vmem>>)
    %add3A_1780 = arith.constant 512 : i32
    %add3A_1781 = arith.addi %mul3A_2, %add3A_1780 : i32
    %dma_start3A_1782 = arith.constant 0 : i32
    %dma_start3A_1783 = arith.constant 0 : i32
    %dma_start3A_1784 = tpu.memref_slice %arg11[%dma_start3A_1782, %dma_start3A_1783] : memref<128x128xf32, #tpu.memory_space<vmem>> -> memref<128x128xf32, #tpu.memory_space<vmem>>
    %dma_start3A_1785 = arith.constant 0 : i32
    %dma_start3A_1786 = tpu.memref_slice %arg4[%add3A_1781, %dma_start3A_1785] : memref<51200x128xf32, #tpu.memory_space<hbm>> -> memref<128x128xf32, #tpu.memory_space<hbm>>
    %dma_start3A_1787 = arith.constant 0 : i32
    %dma_start3A_1788 = tpu.memref_slice %arg4[%add3A_1781, %dma_start3A_1787] : memref<51200x128xf32, #tpu.memory_space<hbm>> -> memref<128x128xf32, #tpu.memory_space<hbm>>
    %dma_start3A_1789 = arith.constant 0 : i32
    %dma_start3A_1790 = arith.constant 0 : i32
    %dma_start3A_1791 = tpu.memref_slice %arg11[%dma_start3A_1789, %dma_start3A_1790] : memref<128x128xf32, #tpu.memory_space<vmem>> -> memref<128x128xf32, #tpu.memory_space<vmem>>
    tpu.enqueue_dma source(%dma_start3A_1791 : memref<128x128xf32, #tpu.memory_space<vmem>>) target(%dma_start3A_1788 : memref<128x128xf32, #tpu.memory_space<hbm>>) target_semaphore(%arg25 : memref<!tpu.dma_semaphore, #tpu.memory_space<semaphore_mem>>)
    %dma_wait3A_1792 = arith.constant 0 : i32
    %dma_wait3A_1793 = arith.constant 0 : i32
    %dma_wait3A_1794 = tpu.memref_slice %arg9[%dma_wait3A_1792, %dma_wait3A_1793] : memref<128x128xf32, #tpu.memory_space<vmem>> -> memref<128x128xf32, #tpu.memory_space<vmem>>
    %dma_wait3A_1795 = arith.constant 0 : i32
    %dma_wait3A_1796 = tpu.memref_slice %arg4[%add3A_1705, %dma_wait3A_1795] : memref<51200x128xf32, #tpu.memory_space<hbm>> -> memref<128x128xf32, #tpu.memory_space<hbm>>
    %dma_wait3A_1797 = arith.constant 0 : i32
    %dma_wait3A_1798 = tpu.memref_slice %arg4[%add3A_1705, %dma_wait3A_1797] : memref<51200x128xf32, #tpu.memory_space<hbm>> -> memref<128x128xf32, #tpu.memory_space<hbm>>
    %dma_wait3A_1799 = arith.constant 0 : i32
    %dma_wait3A_1800 = arith.constant 0 : i32
    %dma_wait3A_1801 = tpu.memref_slice %arg9[%dma_wait3A_1799, %dma_wait3A_1800] : memref<128x128xf32, #tpu.memory_space<vmem>> -> memref<128x128xf32, #tpu.memory_space<vmem>>
    tpu.wait_dma2 semaphore(%arg23 : memref<!tpu.dma_semaphore, #tpu.memory_space<semaphore_mem>>) src(%dma_wait3A_1801 : memref<128x128xf32, #tpu.memory_space<vmem>>) dst(%dma_wait3A_1798 : memref<128x128xf32, #tpu.memory_space<hbm>>)
    %dma_start3A_1802 = arith.constant 0 : i32
    %dma_start3A_1803 = arith.constant 0 : i32
    %dma_start3A_1804 = tpu.memref_slice %arg9[%dma_start3A_1802, %dma_start3A_1803] : memref<128x128xf32, #tpu.memory_space<vmem>> -> memref<128x128xf32, #tpu.memory_space<vmem>>
    %dma_start3A_1805 = arith.constant 1152 : i32
    %dma_start3A_1806 = tpu.memref_slice %arg6[%dma_start3A_1805] : memref<1600xi32, #tpu.memory_space<vmem>> -> memref<128xi32, #tpu.memory_space<vmem>>
    %dma_start3A_1807 = arith.constant 0 : i32
    %dma_start3A_1808 = arith.constant 0 : i32
    %dma_start3A_1809 = tpu.memref_slice %arg2[%dma_start3A_1807, %dma_start3A_1808] : memref<204800x128xf32, #tpu.memory_space<hbm>> -> memref<204800x128xf32, #tpu.memory_space<hbm>>
    tpu.enqueue_indirect_dma source(%dma_start3A_1809 : memref<204800x128xf32, #tpu.memory_space<hbm>>) target(%dma_start3A_1804 : memref<128x128xf32, #tpu.memory_space<vmem>>) offsets(%dma_start3A_1806 : memref<128xi32, #tpu.memory_space<vmem>>) semaphore(%arg16 : memref<!tpu.dma_semaphore, #tpu.memory_space<semaphore_mem>>)
    %dma_wait3A_1810 = arith.constant 0 : i32
    %dma_wait3A_1811 = arith.constant 0 : i32
    %dma_wait3A_1812 = tpu.memref_slice %arg12[%dma_wait3A_1810, %dma_wait3A_1811] : memref<128x128xf32, #tpu.memory_space<vmem>> -> memref<128x128xf32, #tpu.memory_space<vmem>>
    %dma_wait3A_1813 = arith.constant 640 : i32
    %dma_wait3A_1814 = tpu.memref_slice %arg6[%dma_wait3A_1813] : memref<1600xi32, #tpu.memory_space<vmem>> -> memref<128xi32, #tpu.memory_space<vmem>>
    %dma_wait3A_1815 = arith.constant 0 : i32
    %dma_wait3A_1816 = arith.constant 0 : i32
    %dma_wait3A_1817 = tpu.memref_slice %arg2[%dma_wait3A_1815, %dma_wait3A_1816] : memref<204800x128xf32, #tpu.memory_space<hbm>> -> memref<204800x128xf32, #tpu.memory_space<hbm>>
    tpu.wait_indirect_dma semaphore(%arg19 : memref<!tpu.dma_semaphore, #tpu.memory_space<semaphore_mem>>) src(%dma_wait3A_1817 : memref<204800x128xf32, #tpu.memory_space<hbm>>) dst(%dma_wait3A_1812 : memref<128x128xf32, #tpu.memory_space<vmem>>)
    %add3A_1818 = arith.constant 640 : i32
    %add3A_1819 = arith.addi %mul3A_2, %add3A_1818 : i32
    %dma_start3A_1820 = arith.constant 0 : i32
    %dma_start3A_1821 = arith.constant 0 : i32
    %dma_start3A_1822 = tpu.memref_slice %arg12[%dma_start3A_1820, %dma_start3A_1821] : memref<128x128xf32, #tpu.memory_space<vmem>> -> memref<128x128xf32, #tpu.memory_space<vmem>>
    %dma_start3A_1823 = arith.constant 0 : i32
    %dma_start3A_1824 = tpu.memref_slice %arg4[%add3A_1819, %dma_start3A_1823] : memref<51200x128xf32, #tpu.memory_space<hbm>> -> memref<128x128xf32, #tpu.memory_space<hbm>>
    %dma_start3A_1825 = arith.constant 0 : i32
    %dma_start3A_1826 = tpu.memref_slice %arg4[%add3A_1819, %dma_start3A_1825] : memref<51200x128xf32, #tpu.memory_space<hbm>> -> memref<128x128xf32, #tpu.memory_space<hbm>>
    %dma_start3A_1827 = arith.constant 0 : i32
    %dma_start3A_1828 = arith.constant 0 : i32
    %dma_start3A_1829 = tpu.memref_slice %arg12[%dma_start3A_1827, %dma_start3A_1828] : memref<128x128xf32, #tpu.memory_space<vmem>> -> memref<128x128xf32, #tpu.memory_space<vmem>>
    tpu.enqueue_dma source(%dma_start3A_1829 : memref<128x128xf32, #tpu.memory_space<vmem>>) target(%dma_start3A_1826 : memref<128x128xf32, #tpu.memory_space<hbm>>) target_semaphore(%arg26 : memref<!tpu.dma_semaphore, #tpu.memory_space<semaphore_mem>>)
    %dma_wait3A_1830 = arith.constant 0 : i32
    %dma_wait3A_1831 = arith.constant 0 : i32
    %dma_wait3A_1832 = tpu.memref_slice %arg10[%dma_wait3A_1830, %dma_wait3A_1831] : memref<128x128xf32, #tpu.memory_space<vmem>> -> memref<128x128xf32, #tpu.memory_space<vmem>>
    %dma_wait3A_1833 = arith.constant 0 : i32
    %dma_wait3A_1834 = tpu.memref_slice %arg4[%add3A_1743, %dma_wait3A_1833] : memref<51200x128xf32, #tpu.memory_space<hbm>> -> memref<128x128xf32, #tpu.memory_space<hbm>>
    %dma_wait3A_1835 = arith.constant 0 : i32
    %dma_wait3A_1836 = tpu.memref_slice %arg4[%add3A_1743, %dma_wait3A_1835] : memref<51200x128xf32, #tpu.memory_space<hbm>> -> memref<128x128xf32, #tpu.memory_space<hbm>>
    %dma_wait3A_1837 = arith.constant 0 : i32
    %dma_wait3A_1838 = arith.constant 0 : i32
    %dma_wait3A_1839 = tpu.memref_slice %arg10[%dma_wait3A_1837, %dma_wait3A_1838] : memref<128x128xf32, #tpu.memory_space<vmem>> -> memref<128x128xf32, #tpu.memory_space<vmem>>
    tpu.wait_dma2 semaphore(%arg24 : memref<!tpu.dma_semaphore, #tpu.memory_space<semaphore_mem>>) src(%dma_wait3A_1839 : memref<128x128xf32, #tpu.memory_space<vmem>>) dst(%dma_wait3A_1836 : memref<128x128xf32, #tpu.memory_space<hbm>>)
    %dma_start3A_1840 = arith.constant 0 : i32
    %dma_start3A_1841 = arith.constant 0 : i32
    %dma_start3A_1842 = tpu.memref_slice %arg10[%dma_start3A_1840, %dma_start3A_1841] : memref<128x128xf32, #tpu.memory_space<vmem>> -> memref<128x128xf32, #tpu.memory_space<vmem>>
    %dma_start3A_1843 = arith.constant 1280 : i32
    %dma_start3A_1844 = tpu.memref_slice %arg6[%dma_start3A_1843] : memref<1600xi32, #tpu.memory_space<vmem>> -> memref<128xi32, #tpu.memory_space<vmem>>
    %dma_start3A_1845 = arith.constant 0 : i32
    %dma_start3A_1846 = arith.constant 0 : i32
    %dma_start3A_1847 = tpu.memref_slice %arg2[%dma_start3A_1845, %dma_start3A_1846] : memref<204800x128xf32, #tpu.memory_space<hbm>> -> memref<204800x128xf32, #tpu.memory_space<hbm>>
    tpu.enqueue_indirect_dma source(%dma_start3A_1847 : memref<204800x128xf32, #tpu.memory_space<hbm>>) target(%dma_start3A_1842 : memref<128x128xf32, #tpu.memory_space<vmem>>) offsets(%dma_start3A_1844 : memref<128xi32, #tpu.memory_space<vmem>>) semaphore(%arg17 : memref<!tpu.dma_semaphore, #tpu.memory_space<semaphore_mem>>)
    %dma_wait3A_1848 = arith.constant 0 : i32
    %dma_wait3A_1849 = arith.constant 0 : i32
    %dma_wait3A_1850 = tpu.memref_slice %arg13[%dma_wait3A_1848, %dma_wait3A_1849] : memref<128x128xf32, #tpu.memory_space<vmem>> -> memref<128x128xf32, #tpu.memory_space<vmem>>
    %dma_wait3A_1851 = arith.constant 768 : i32
    %dma_wait3A_1852 = tpu.memref_slice %arg6[%dma_wait3A_1851] : memref<1600xi32, #tpu.memory_space<vmem>> -> memref<128xi32, #tpu.memory_space<vmem>>
    %dma_wait3A_1853 = arith.constant 0 : i32
    %dma_wait3A_1854 = arith.constant 0 : i32
    %dma_wait3A_1855 = tpu.memref_slice %arg2[%dma_wait3A_1853, %dma_wait3A_1854] : memref<204800x128xf32, #tpu.memory_space<hbm>> -> memref<204800x128xf32, #tpu.memory_space<hbm>>
    tpu.wait_indirect_dma semaphore(%arg20 : memref<!tpu.dma_semaphore, #tpu.memory_space<semaphore_mem>>) src(%dma_wait3A_1855 : memref<204800x128xf32, #tpu.memory_space<hbm>>) dst(%dma_wait3A_1850 : memref<128x128xf32, #tpu.memory_space<vmem>>)
    %add3A_1856 = arith.constant 768 : i32
    %add3A_1857 = arith.addi %mul3A_2, %add3A_1856 : i32
    %dma_start3A_1858 = arith.constant 0 : i32
    %dma_start3A_1859 = arith.constant 0 : i32
    %dma_start3A_1860 = tpu.memref_slice %arg13[%dma_start3A_1858, %dma_start3A_1859] : memref<128x128xf32, #tpu.memory_space<vmem>> -> memref<128x128xf32, #tpu.memory_space<vmem>>
    %dma_start3A_1861 = arith.constant 0 : i32
    %dma_start3A_1862 = tpu.memref_slice %arg4[%add3A_1857, %dma_start3A_1861] : memref<51200x128xf32, #tpu.memory_space<hbm>> -> memref<128x128xf32, #tpu.memory_space<hbm>>
    %dma_start3A_1863 = arith.constant 0 : i32
    %dma_start3A_1864 = tpu.memref_slice %arg4[%add3A_1857, %dma_start3A_1863] : memref<51200x128xf32, #tpu.memory_space<hbm>> -> memref<128x128xf32, #tpu.memory_space<hbm>>
    %dma_start3A_1865 = arith.constant 0 : i32
    %dma_start3A_1866 = arith.constant 0 : i32
    %dma_start3A_1867 = tpu.memref_slice %arg13[%dma_start3A_1865, %dma_start3A_1866] : memref<128x128xf32, #tpu.memory_space<vmem>> -> memref<128x128xf32, #tpu.memory_space<vmem>>
    tpu.enqueue_dma source(%dma_start3A_1867 : memref<128x128xf32, #tpu.memory_space<vmem>>) target(%dma_start3A_1864 : memref<128x128xf32, #tpu.memory_space<hbm>>) target_semaphore(%arg27 : memref<!tpu.dma_semaphore, #tpu.memory_space<semaphore_mem>>)
    %dma_wait3A_1868 = arith.constant 0 : i32
    %dma_wait3A_1869 = arith.constant 0 : i32
    %dma_wait3A_1870 = tpu.memref_slice %arg11[%dma_wait3A_1868, %dma_wait3A_1869] : memref<128x128xf32, #tpu.memory_space<vmem>> -> memref<128x128xf32, #tpu.memory_space<vmem>>
    %dma_wait3A_1871 = arith.constant 0 : i32
    %dma_wait3A_1872 = tpu.memref_slice %arg4[%add3A_1781, %dma_wait3A_1871] : memref<51200x128xf32, #tpu.memory_space<hbm>> -> memref<128x128xf32, #tpu.memory_space<hbm>>
    %dma_wait3A_1873 = arith.constant 0 : i32
    %dma_wait3A_1874 = tpu.memref_slice %arg4[%add3A_1781, %dma_wait3A_1873] : memref<51200x128xf32, #tpu.memory_space<hbm>> -> memref<128x128xf32, #tpu.memory_space<hbm>>
    %dma_wait3A_1875 = arith.constant 0 : i32
    %dma_wait3A_1876 = arith.constant 0 : i32
    %dma_wait3A_1877 = tpu.memref_slice %arg11[%dma_wait3A_1875, %dma_wait3A_1876] : memref<128x128xf32, #tpu.memory_space<vmem>> -> memref<128x128xf32, #tpu.memory_space<vmem>>
    tpu.wait_dma2 semaphore(%arg25 : memref<!tpu.dma_semaphore, #tpu.memory_space<semaphore_mem>>) src(%dma_wait3A_1877 : memref<128x128xf32, #tpu.memory_space<vmem>>) dst(%dma_wait3A_1874 : memref<128x128xf32, #tpu.memory_space<hbm>>)
    %dma_start3A_1878 = arith.constant 0 : i32
    %dma_start3A_1879 = arith.constant 0 : i32
    %dma_start3A_1880 = tpu.memref_slice %arg11[%dma_start3A_1878, %dma_start3A_1879] : memref<128x128xf32, #tpu.memory_space<vmem>> -> memref<128x128xf32, #tpu.memory_space<vmem>>
    %dma_start3A_1881 = arith.constant 1408 : i32
    %dma_start3A_1882 = tpu.memref_slice %arg6[%dma_start3A_1881] : memref<1600xi32, #tpu.memory_space<vmem>> -> memref<128xi32, #tpu.memory_space<vmem>>
    %dma_start3A_1883 = arith.constant 0 : i32
    %dma_start3A_1884 = arith.constant 0 : i32
    %dma_start3A_1885 = tpu.memref_slice %arg2[%dma_start3A_1883, %dma_start3A_1884] : memref<204800x128xf32, #tpu.memory_space<hbm>> -> memref<204800x128xf32, #tpu.memory_space<hbm>>
    tpu.enqueue_indirect_dma source(%dma_start3A_1885 : memref<204800x128xf32, #tpu.memory_space<hbm>>) target(%dma_start3A_1880 : memref<128x128xf32, #tpu.memory_space<vmem>>) offsets(%dma_start3A_1882 : memref<128xi32, #tpu.memory_space<vmem>>) semaphore(%arg18 : memref<!tpu.dma_semaphore, #tpu.memory_space<semaphore_mem>>)
    %dma_wait3A_1886 = arith.constant 0 : i32
    %dma_wait3A_1887 = arith.constant 0 : i32
    %dma_wait3A_1888 = tpu.memref_slice %arg7[%dma_wait3A_1886, %dma_wait3A_1887] : memref<128x128xf32, #tpu.memory_space<vmem>> -> memref<128x128xf32, #tpu.memory_space<vmem>>
    %dma_wait3A_1889 = arith.constant 896 : i32
    %dma_wait3A_1890 = tpu.memref_slice %arg6[%dma_wait3A_1889] : memref<1600xi32, #tpu.memory_space<vmem>> -> memref<128xi32, #tpu.memory_space<vmem>>
    %dma_wait3A_1891 = arith.constant 0 : i32
    %dma_wait3A_1892 = arith.constant 0 : i32
    %dma_wait3A_1893 = tpu.memref_slice %arg2[%dma_wait3A_1891, %dma_wait3A_1892] : memref<204800x128xf32, #tpu.memory_space<hbm>> -> memref<204800x128xf32, #tpu.memory_space<hbm>>
    tpu.wait_indirect_dma semaphore(%arg14 : memref<!tpu.dma_semaphore, #tpu.memory_space<semaphore_mem>>) src(%dma_wait3A_1893 : memref<204800x128xf32, #tpu.memory_space<hbm>>) dst(%dma_wait3A_1888 : memref<128x128xf32, #tpu.memory_space<vmem>>)
    %add3A_1894 = arith.constant 896 : i32
    %add3A_1895 = arith.addi %mul3A_2, %add3A_1894 : i32
    %dma_start3A_1896 = arith.constant 0 : i32
    %dma_start3A_1897 = arith.constant 0 : i32
    %dma_start3A_1898 = tpu.memref_slice %arg7[%dma_start3A_1896, %dma_start3A_1897] : memref<128x128xf32, #tpu.memory_space<vmem>> -> memref<128x128xf32, #tpu.memory_space<vmem>>
    %dma_start3A_1899 = arith.constant 0 : i32
    %dma_start3A_1900 = tpu.memref_slice %arg4[%add3A_1895, %dma_start3A_1899] : memref<51200x128xf32, #tpu.memory_space<hbm>> -> memref<128x128xf32, #tpu.memory_space<hbm>>
    %dma_start3A_1901 = arith.constant 0 : i32
    %dma_start3A_1902 = tpu.memref_slice %arg4[%add3A_1895, %dma_start3A_1901] : memref<51200x128xf32, #tpu.memory_space<hbm>> -> memref<128x128xf32, #tpu.memory_space<hbm>>
    %dma_start3A_1903 = arith.constant 0 : i32
    %dma_start3A_1904 = arith.constant 0 : i32
    %dma_start3A_1905 = tpu.memref_slice %arg7[%dma_start3A_1903, %dma_start3A_1904] : memref<128x128xf32, #tpu.memory_space<vmem>> -> memref<128x128xf32, #tpu.memory_space<vmem>>
    tpu.enqueue_dma source(%dma_start3A_1905 : memref<128x128xf32, #tpu.memory_space<vmem>>) target(%dma_start3A_1902 : memref<128x128xf32, #tpu.memory_space<hbm>>) target_semaphore(%arg21 : memref<!tpu.dma_semaphore, #tpu.memory_space<semaphore_mem>>)
    %dma_wait3A_1906 = arith.constant 0 : i32
    %dma_wait3A_1907 = arith.constant 0 : i32
    %dma_wait3A_1908 = tpu.memref_slice %arg12[%dma_wait3A_1906, %dma_wait3A_1907] : memref<128x128xf32, #tpu.memory_space<vmem>> -> memref<128x128xf32, #tpu.memory_space<vmem>>
    %dma_wait3A_1909 = arith.constant 0 : i32
    %dma_wait3A_1910 = tpu.memref_slice %arg4[%add3A_1819, %dma_wait3A_1909] : memref<51200x128xf32, #tpu.memory_space<hbm>> -> memref<128x128xf32, #tpu.memory_space<hbm>>
    %dma_wait3A_1911 = arith.constant 0 : i32
    %dma_wait3A_1912 = tpu.memref_slice %arg4[%add3A_1819, %dma_wait3A_1911] : memref<51200x128xf32, #tpu.memory_space<hbm>> -> memref<128x128xf32, #tpu.memory_space<hbm>>
    %dma_wait3A_1913 = arith.constant 0 : i32
    %dma_wait3A_1914 = arith.constant 0 : i32
    %dma_wait3A_1915 = tpu.memref_slice %arg12[%dma_wait3A_1913, %dma_wait3A_1914] : memref<128x128xf32, #tpu.memory_space<vmem>> -> memref<128x128xf32, #tpu.memory_space<vmem>>
    tpu.wait_dma2 semaphore(%arg26 : memref<!tpu.dma_semaphore, #tpu.memory_space<semaphore_mem>>) src(%dma_wait3A_1915 : memref<128x128xf32, #tpu.memory_space<vmem>>) dst(%dma_wait3A_1912 : memref<128x128xf32, #tpu.memory_space<hbm>>)
    %dma_start3A_1916 = arith.constant 0 : i32
    %dma_start3A_1917 = arith.constant 0 : i32
    %dma_start3A_1918 = tpu.memref_slice %arg12[%dma_start3A_1916, %dma_start3A_1917] : memref<128x128xf32, #tpu.memory_space<vmem>> -> memref<64x128xf32, #tpu.memory_space<vmem>>
    %dma_start3A_1919 = arith.constant 1536 : i32
    %dma_start3A_1920 = tpu.memref_slice %arg6[%dma_start3A_1919] : memref<1600xi32, #tpu.memory_space<vmem>> -> memref<64xi32, #tpu.memory_space<vmem>>
    %dma_start3A_1921 = arith.constant 0 : i32
    %dma_start3A_1922 = arith.constant 0 : i32
    %dma_start3A_1923 = tpu.memref_slice %arg2[%dma_start3A_1921, %dma_start3A_1922] : memref<204800x128xf32, #tpu.memory_space<hbm>> -> memref<204800x128xf32, #tpu.memory_space<hbm>>
    tpu.enqueue_indirect_dma source(%dma_start3A_1923 : memref<204800x128xf32, #tpu.memory_space<hbm>>) target(%dma_start3A_1918 : memref<64x128xf32, #tpu.memory_space<vmem>>) offsets(%dma_start3A_1920 : memref<64xi32, #tpu.memory_space<vmem>>) semaphore(%arg19 : memref<!tpu.dma_semaphore, #tpu.memory_space<semaphore_mem>>)
    %dma_wait3A_1924 = arith.constant 0 : i32
    %dma_wait3A_1925 = arith.constant 0 : i32
    %dma_wait3A_1926 = tpu.memref_slice %arg8[%dma_wait3A_1924, %dma_wait3A_1925] : memref<128x128xf32, #tpu.memory_space<vmem>> -> memref<128x128xf32, #tpu.memory_space<vmem>>
    %dma_wait3A_1927 = arith.constant 1024 : i32
    %dma_wait3A_1928 = tpu.memref_slice %arg6[%dma_wait3A_1927] : memref<1600xi32, #tpu.memory_space<vmem>> -> memref<128xi32, #tpu.memory_space<vmem>>
    %dma_wait3A_1929 = arith.constant 0 : i32
    %dma_wait3A_1930 = arith.constant 0 : i32
    %dma_wait3A_1931 = tpu.memref_slice %arg2[%dma_wait3A_1929, %dma_wait3A_1930] : memref<204800x128xf32, #tpu.memory_space<hbm>> -> memref<204800x128xf32, #tpu.memory_space<hbm>>
    tpu.wait_indirect_dma semaphore(%arg15 : memref<!tpu.dma_semaphore, #tpu.memory_space<semaphore_mem>>) src(%dma_wait3A_1931 : memref<204800x128xf32, #tpu.memory_space<hbm>>) dst(%dma_wait3A_1926 : memref<128x128xf32, #tpu.memory_space<vmem>>)
    %add3A_1932 = arith.constant 1024 : i32
    %add3A_1933 = arith.addi %mul3A_2, %add3A_1932 : i32
    %dma_start3A_1934 = arith.constant 0 : i32
    %dma_start3A_1935 = arith.constant 0 : i32
    %dma_start3A_1936 = tpu.memref_slice %arg8[%dma_start3A_1934, %dma_start3A_1935] : memref<128x128xf32, #tpu.memory_space<vmem>> -> memref<128x128xf32, #tpu.memory_space<vmem>>
    %dma_start3A_1937 = arith.constant 0 : i32
    %dma_start3A_1938 = tpu.memref_slice %arg4[%add3A_1933, %dma_start3A_1937] : memref<51200x128xf32, #tpu.memory_space<hbm>> -> memref<128x128xf32, #tpu.memory_space<hbm>>
    %dma_start3A_1939 = arith.constant 0 : i32
    %dma_start3A_1940 = tpu.memref_slice %arg4[%add3A_1933, %dma_start3A_1939] : memref<51200x128xf32, #tpu.memory_space<hbm>> -> memref<128x128xf32, #tpu.memory_space<hbm>>
    %dma_start3A_1941 = arith.constant 0 : i32
    %dma_start3A_1942 = arith.constant 0 : i32
    %dma_start3A_1943 = tpu.memref_slice %arg8[%dma_start3A_1941, %dma_start3A_1942] : memref<128x128xf32, #tpu.memory_space<vmem>> -> memref<128x128xf32, #tpu.memory_space<vmem>>
    tpu.enqueue_dma source(%dma_start3A_1943 : memref<128x128xf32, #tpu.memory_space<vmem>>) target(%dma_start3A_1940 : memref<128x128xf32, #tpu.memory_space<hbm>>) target_semaphore(%arg22 : memref<!tpu.dma_semaphore, #tpu.memory_space<semaphore_mem>>)
    %dma_wait3A_1944 = arith.constant 0 : i32
    %dma_wait3A_1945 = arith.constant 0 : i32
    %dma_wait3A_1946 = tpu.memref_slice %arg9[%dma_wait3A_1944, %dma_wait3A_1945] : memref<128x128xf32, #tpu.memory_space<vmem>> -> memref<128x128xf32, #tpu.memory_space<vmem>>
    %dma_wait3A_1947 = arith.constant 1152 : i32
    %dma_wait3A_1948 = tpu.memref_slice %arg6[%dma_wait3A_1947] : memref<1600xi32, #tpu.memory_space<vmem>> -> memref<128xi32, #tpu.memory_space<vmem>>
    %dma_wait3A_1949 = arith.constant 0 : i32
    %dma_wait3A_1950 = arith.constant 0 : i32
    %dma_wait3A_1951 = tpu.memref_slice %arg2[%dma_wait3A_1949, %dma_wait3A_1950] : memref<204800x128xf32, #tpu.memory_space<hbm>> -> memref<204800x128xf32, #tpu.memory_space<hbm>>
    tpu.wait_indirect_dma semaphore(%arg16 : memref<!tpu.dma_semaphore, #tpu.memory_space<semaphore_mem>>) src(%dma_wait3A_1951 : memref<204800x128xf32, #tpu.memory_space<hbm>>) dst(%dma_wait3A_1946 : memref<128x128xf32, #tpu.memory_space<vmem>>)
    %add3A_1952 = arith.constant 1152 : i32
    %add3A_1953 = arith.addi %mul3A_2, %add3A_1952 : i32
    %dma_start3A_1954 = arith.constant 0 : i32
    %dma_start3A_1955 = arith.constant 0 : i32
    %dma_start3A_1956 = tpu.memref_slice %arg9[%dma_start3A_1954, %dma_start3A_1955] : memref<128x128xf32, #tpu.memory_space<vmem>> -> memref<128x128xf32, #tpu.memory_space<vmem>>
    %dma_start3A_1957 = arith.constant 0 : i32
    %dma_start3A_1958 = tpu.memref_slice %arg4[%add3A_1953, %dma_start3A_1957] : memref<51200x128xf32, #tpu.memory_space<hbm>> -> memref<128x128xf32, #tpu.memory_space<hbm>>
    %dma_start3A_1959 = arith.constant 0 : i32
    %dma_start3A_1960 = tpu.memref_slice %arg4[%add3A_1953, %dma_start3A_1959] : memref<51200x128xf32, #tpu.memory_space<hbm>> -> memref<128x128xf32, #tpu.memory_space<hbm>>
    %dma_start3A_1961 = arith.constant 0 : i32
    %dma_start3A_1962 = arith.constant 0 : i32
    %dma_start3A_1963 = tpu.memref_slice %arg9[%dma_start3A_1961, %dma_start3A_1962] : memref<128x128xf32, #tpu.memory_space<vmem>> -> memref<128x128xf32, #tpu.memory_space<vmem>>
    tpu.enqueue_dma source(%dma_start3A_1963 : memref<128x128xf32, #tpu.memory_space<vmem>>) target(%dma_start3A_1960 : memref<128x128xf32, #tpu.memory_space<hbm>>) target_semaphore(%arg23 : memref<!tpu.dma_semaphore, #tpu.memory_space<semaphore_mem>>)
    %dma_wait3A_1964 = arith.constant 0 : i32
    %dma_wait3A_1965 = arith.constant 0 : i32
    %dma_wait3A_1966 = tpu.memref_slice %arg10[%dma_wait3A_1964, %dma_wait3A_1965] : memref<128x128xf32, #tpu.memory_space<vmem>> -> memref<128x128xf32, #tpu.memory_space<vmem>>
    %dma_wait3A_1967 = arith.constant 1280 : i32
    %dma_wait3A_1968 = tpu.memref_slice %arg6[%dma_wait3A_1967] : memref<1600xi32, #tpu.memory_space<vmem>> -> memref<128xi32, #tpu.memory_space<vmem>>
    %dma_wait3A_1969 = arith.constant 0 : i32
    %dma_wait3A_1970 = arith.constant 0 : i32
    %dma_wait3A_1971 = tpu.memref_slice %arg2[%dma_wait3A_1969, %dma_wait3A_1970] : memref<204800x128xf32, #tpu.memory_space<hbm>> -> memref<204800x128xf32, #tpu.memory_space<hbm>>
    tpu.wait_indirect_dma semaphore(%arg17 : memref<!tpu.dma_semaphore, #tpu.memory_space<semaphore_mem>>) src(%dma_wait3A_1971 : memref<204800x128xf32, #tpu.memory_space<hbm>>) dst(%dma_wait3A_1966 : memref<128x128xf32, #tpu.memory_space<vmem>>)
    %add3A_1972 = arith.constant 1280 : i32
    %add3A_1973 = arith.addi %mul3A_2, %add3A_1972 : i32
    %dma_start3A_1974 = arith.constant 0 : i32
    %dma_start3A_1975 = arith.constant 0 : i32
    %dma_start3A_1976 = tpu.memref_slice %arg10[%dma_start3A_1974, %dma_start3A_1975] : memref<128x128xf32, #tpu.memory_space<vmem>> -> memref<128x128xf32, #tpu.memory_space<vmem>>
    %dma_start3A_1977 = arith.constant 0 : i32
    %dma_start3A_1978 = tpu.memref_slice %arg4[%add3A_1973, %dma_start3A_1977] : memref<51200x128xf32, #tpu.memory_space<hbm>> -> memref<128x128xf32, #tpu.memory_space<hbm>>
    %dma_start3A_1979 = arith.constant 0 : i32
    %dma_start3A_1980 = tpu.memref_slice %arg4[%add3A_1973, %dma_start3A_1979] : memref<51200x128xf32, #tpu.memory_space<hbm>> -> memref<128x128xf32, #tpu.memory_space<hbm>>
    %dma_start3A_1981 = arith.constant 0 : i32
    %dma_start3A_1982 = arith.constant 0 : i32
    %dma_start3A_1983 = tpu.memref_slice %arg10[%dma_start3A_1981, %dma_start3A_1982] : memref<128x128xf32, #tpu.memory_space<vmem>> -> memref<128x128xf32, #tpu.memory_space<vmem>>
    tpu.enqueue_dma source(%dma_start3A_1983 : memref<128x128xf32, #tpu.memory_space<vmem>>) target(%dma_start3A_1980 : memref<128x128xf32, #tpu.memory_space<hbm>>) target_semaphore(%arg24 : memref<!tpu.dma_semaphore, #tpu.memory_space<semaphore_mem>>)
    %dma_wait3A_1984 = arith.constant 0 : i32
    %dma_wait3A_1985 = arith.constant 0 : i32
    %dma_wait3A_1986 = tpu.memref_slice %arg11[%dma_wait3A_1984, %dma_wait3A_1985] : memref<128x128xf32, #tpu.memory_space<vmem>> -> memref<128x128xf32, #tpu.memory_space<vmem>>
    %dma_wait3A_1987 = arith.constant 1408 : i32
    %dma_wait3A_1988 = tpu.memref_slice %arg6[%dma_wait3A_1987] : memref<1600xi32, #tpu.memory_space<vmem>> -> memref<128xi32, #tpu.memory_space<vmem>>
    %dma_wait3A_1989 = arith.constant 0 : i32
    %dma_wait3A_1990 = arith.constant 0 : i32
    %dma_wait3A_1991 = tpu.memref_slice %arg2[%dma_wait3A_1989, %dma_wait3A_1990] : memref<204800x128xf32, #tpu.memory_space<hbm>> -> memref<204800x128xf32, #tpu.memory_space<hbm>>
    tpu.wait_indirect_dma semaphore(%arg18 : memref<!tpu.dma_semaphore, #tpu.memory_space<semaphore_mem>>) src(%dma_wait3A_1991 : memref<204800x128xf32, #tpu.memory_space<hbm>>) dst(%dma_wait3A_1986 : memref<128x128xf32, #tpu.memory_space<vmem>>)
    %add3A_1992 = arith.constant 1408 : i32
    %add3A_1993 = arith.addi %mul3A_2, %add3A_1992 : i32
    %dma_start3A_1994 = arith.constant 0 : i32
    %dma_start3A_1995 = arith.constant 0 : i32
    %dma_start3A_1996 = tpu.memref_slice %arg11[%dma_start3A_1994, %dma_start3A_1995] : memref<128x128xf32, #tpu.memory_space<vmem>> -> memref<128x128xf32, #tpu.memory_space<vmem>>
    %dma_start3A_1997 = arith.constant 0 : i32
    %dma_start3A_1998 = tpu.memref_slice %arg4[%add3A_1993, %dma_start3A_1997] : memref<51200x128xf32, #tpu.memory_space<hbm>> -> memref<128x128xf32, #tpu.memory_space<hbm>>
    %dma_start3A_1999 = arith.constant 0 : i32
    %dma_start3A_2000 = tpu.memref_slice %arg4[%add3A_1993, %dma_start3A_1999] : memref<51200x128xf32, #tpu.memory_space<hbm>> -> memref<128x128xf32, #tpu.memory_space<hbm>>
    %dma_start3A_2001 = arith.constant 0 : i32
    %dma_start3A_2002 = arith.constant 0 : i32
    %dma_start3A_2003 = tpu.memref_slice %arg11[%dma_start3A_2001, %dma_start3A_2002] : memref<128x128xf32, #tpu.memory_space<vmem>> -> memref<128x128xf32, #tpu.memory_space<vmem>>
    tpu.enqueue_dma source(%dma_start3A_2003 : memref<128x128xf32, #tpu.memory_space<vmem>>) target(%dma_start3A_2000 : memref<128x128xf32, #tpu.memory_space<hbm>>) target_semaphore(%arg25 : memref<!tpu.dma_semaphore, #tpu.memory_space<semaphore_mem>>)
    %dma_wait3A_2004 = arith.constant 0 : i32
    %dma_wait3A_2005 = arith.constant 0 : i32
    %dma_wait3A_2006 = tpu.memref_slice %arg12[%dma_wait3A_2004, %dma_wait3A_2005] : memref<128x128xf32, #tpu.memory_space<vmem>> -> memref<64x128xf32, #tpu.memory_space<vmem>>
    %dma_wait3A_2007 = arith.constant 1536 : i32
    %dma_wait3A_2008 = tpu.memref_slice %arg6[%dma_wait3A_2007] : memref<1600xi32, #tpu.memory_space<vmem>> -> memref<64xi32, #tpu.memory_space<vmem>>
    %dma_wait3A_2009 = arith.constant 0 : i32
    %dma_wait3A_2010 = arith.constant 0 : i32
    %dma_wait3A_2011 = tpu.memref_slice %arg2[%dma_wait3A_2009, %dma_wait3A_2010] : memref<204800x128xf32, #tpu.memory_space<hbm>> -> memref<204800x128xf32, #tpu.memory_space<hbm>>
    tpu.wait_indirect_dma semaphore(%arg19 : memref<!tpu.dma_semaphore, #tpu.memory_space<semaphore_mem>>) src(%dma_wait3A_2011 : memref<204800x128xf32, #tpu.memory_space<hbm>>) dst(%dma_wait3A_2006 : memref<64x128xf32, #tpu.memory_space<vmem>>)
    %add3A_2012 = arith.constant 1536 : i32
    %add3A_2013 = arith.addi %mul3A_2, %add3A_2012 : i32
    %dma_start3A_2014 = arith.constant 0 : i32
    %dma_start3A_2015 = arith.constant 0 : i32
    %dma_start3A_2016 = tpu.memref_slice %arg12[%dma_start3A_2014, %dma_start3A_2015] : memref<128x128xf32, #tpu.memory_space<vmem>> -> memref<64x128xf32, #tpu.memory_space<vmem>>
    %dma_start3A_2017 = arith.constant 0 : i32
    %dma_start3A_2018 = tpu.memref_slice %arg4[%add3A_2013, %dma_start3A_2017] : memref<51200x128xf32, #tpu.memory_space<hbm>> -> memref<64x128xf32, #tpu.memory_space<hbm>>
    %dma_start3A_2019 = arith.constant 0 : i32
    %dma_start3A_2020 = tpu.memref_slice %arg4[%add3A_2013, %dma_start3A_2019] : memref<51200x128xf32, #tpu.memory_space<hbm>> -> memref<64x128xf32, #tpu.memory_space<hbm>>
    %dma_start3A_2021 = arith.constant 0 : i32
    %dma_start3A_2022 = arith.constant 0 : i32
    %dma_start3A_2023 = tpu.memref_slice %arg12[%dma_start3A_2021, %dma_start3A_2022] : memref<128x128xf32, #tpu.memory_space<vmem>> -> memref<64x128xf32, #tpu.memory_space<vmem>>
    tpu.enqueue_dma source(%dma_start3A_2023 : memref<64x128xf32, #tpu.memory_space<vmem>>) target(%dma_start3A_2020 : memref<64x128xf32, #tpu.memory_space<hbm>>) target_semaphore(%arg26 : memref<!tpu.dma_semaphore, #tpu.memory_space<semaphore_mem>>)
    %dma_wait3A_2024 = arith.constant 0 : i32
    %dma_wait3A_2025 = arith.constant 0 : i32
    %dma_wait3A_2026 = tpu.memref_slice %arg13[%dma_wait3A_2024, %dma_wait3A_2025] : memref<128x128xf32, #tpu.memory_space<vmem>> -> memref<128x128xf32, #tpu.memory_space<vmem>>
    %dma_wait3A_2027 = arith.constant 0 : i32
    %dma_wait3A_2028 = tpu.memref_slice %arg4[%add3A_1857, %dma_wait3A_2027] : memref<51200x128xf32, #tpu.memory_space<hbm>> -> memref<128x128xf32, #tpu.memory_space<hbm>>
    %dma_wait3A_2029 = arith.constant 0 : i32
    %dma_wait3A_2030 = tpu.memref_slice %arg4[%add3A_1857, %dma_wait3A_2029] : memref<51200x128xf32, #tpu.memory_space<hbm>> -> memref<128x128xf32, #tpu.memory_space<hbm>>
    %dma_wait3A_2031 = arith.constant 0 : i32
    %dma_wait3A_2032 = arith.constant 0 : i32
    %dma_wait3A_2033 = tpu.memref_slice %arg13[%dma_wait3A_2031, %dma_wait3A_2032] : memref<128x128xf32, #tpu.memory_space<vmem>> -> memref<128x128xf32, #tpu.memory_space<vmem>>
    tpu.wait_dma2 semaphore(%arg27 : memref<!tpu.dma_semaphore, #tpu.memory_space<semaphore_mem>>) src(%dma_wait3A_2033 : memref<128x128xf32, #tpu.memory_space<vmem>>) dst(%dma_wait3A_2030 : memref<128x128xf32, #tpu.memory_space<hbm>>)
    %dma_wait3A_2034 = arith.constant 0 : i32
    %dma_wait3A_2035 = arith.constant 0 : i32
    %dma_wait3A_2036 = tpu.memref_slice %arg7[%dma_wait3A_2034, %dma_wait3A_2035] : memref<128x128xf32, #tpu.memory_space<vmem>> -> memref<128x128xf32, #tpu.memory_space<vmem>>
    %dma_wait3A_2037 = arith.constant 0 : i32
    %dma_wait3A_2038 = tpu.memref_slice %arg4[%add3A_1895, %dma_wait3A_2037] : memref<51200x128xf32, #tpu.memory_space<hbm>> -> memref<128x128xf32, #tpu.memory_space<hbm>>
    %dma_wait3A_2039 = arith.constant 0 : i32
    %dma_wait3A_2040 = tpu.memref_slice %arg4[%add3A_1895, %dma_wait3A_2039] : memref<51200x128xf32, #tpu.memory_space<hbm>> -> memref<128x128xf32, #tpu.memory_space<hbm>>
    %dma_wait3A_2041 = arith.constant 0 : i32
    %dma_wait3A_2042 = arith.constant 0 : i32
    %dma_wait3A_2043 = tpu.memref_slice %arg7[%dma_wait3A_2041, %dma_wait3A_2042] : memref<128x128xf32, #tpu.memory_space<vmem>> -> memref<128x128xf32, #tpu.memory_space<vmem>>
    tpu.wait_dma2 semaphore(%arg21 : memref<!tpu.dma_semaphore, #tpu.memory_space<semaphore_mem>>) src(%dma_wait3A_2043 : memref<128x128xf32, #tpu.memory_space<vmem>>) dst(%dma_wait3A_2040 : memref<128x128xf32, #tpu.memory_space<hbm>>)
    %dma_wait3A_2044 = arith.constant 0 : i32
    %dma_wait3A_2045 = arith.constant 0 : i32
    %dma_wait3A_2046 = tpu.memref_slice %arg8[%dma_wait3A_2044, %dma_wait3A_2045] : memref<128x128xf32, #tpu.memory_space<vmem>> -> memref<128x128xf32, #tpu.memory_space<vmem>>
    %dma_wait3A_2047 = arith.constant 0 : i32
    %dma_wait3A_2048 = tpu.memref_slice %arg4[%add3A_1933, %dma_wait3A_2047] : memref<51200x128xf32, #tpu.memory_space<hbm>> -> memref<128x128xf32, #tpu.memory_space<hbm>>
    %dma_wait3A_2049 = arith.constant 0 : i32
    %dma_wait3A_2050 = tpu.memref_slice %arg4[%add3A_1933, %dma_wait3A_2049] : memref<51200x128xf32, #tpu.memory_space<hbm>> -> memref<128x128xf32, #tpu.memory_space<hbm>>
    %dma_wait3A_2051 = arith.constant 0 : i32
    %dma_wait3A_2052 = arith.constant 0 : i32
    %dma_wait3A_2053 = tpu.memref_slice %arg8[%dma_wait3A_2051, %dma_wait3A_2052] : memref<128x128xf32, #tpu.memory_space<vmem>> -> memref<128x128xf32, #tpu.memory_space<vmem>>
    tpu.wait_dma2 semaphore(%arg22 : memref<!tpu.dma_semaphore, #tpu.memory_space<semaphore_mem>>) src(%dma_wait3A_2053 : memref<128x128xf32, #tpu.memory_space<vmem>>) dst(%dma_wait3A_2050 : memref<128x128xf32, #tpu.memory_space<hbm>>)
    %dma_wait3A_2054 = arith.constant 0 : i32
    %dma_wait3A_2055 = arith.constant 0 : i32
    %dma_wait3A_2056 = tpu.memref_slice %arg9[%dma_wait3A_2054, %dma_wait3A_2055] : memref<128x128xf32, #tpu.memory_space<vmem>> -> memref<128x128xf32, #tpu.memory_space<vmem>>
    %dma_wait3A_2057 = arith.constant 0 : i32
    %dma_wait3A_2058 = tpu.memref_slice %arg4[%add3A_1953, %dma_wait3A_2057] : memref<51200x128xf32, #tpu.memory_space<hbm>> -> memref<128x128xf32, #tpu.memory_space<hbm>>
    %dma_wait3A_2059 = arith.constant 0 : i32
    %dma_wait3A_2060 = tpu.memref_slice %arg4[%add3A_1953, %dma_wait3A_2059] : memref<51200x128xf32, #tpu.memory_space<hbm>> -> memref<128x128xf32, #tpu.memory_space<hbm>>
    %dma_wait3A_2061 = arith.constant 0 : i32
    %dma_wait3A_2062 = arith.constant 0 : i32
    %dma_wait3A_2063 = tpu.memref_slice %arg9[%dma_wait3A_2061, %dma_wait3A_2062] : memref<128x128xf32, #tpu.memory_space<vmem>> -> memref<128x128xf32, #tpu.memory_space<vmem>>
    tpu.wait_dma2 semaphore(%arg23 : memref<!tpu.dma_semaphore, #tpu.memory_space<semaphore_mem>>) src(%dma_wait3A_2063 : memref<128x128xf32, #tpu.memory_space<vmem>>) dst(%dma_wait3A_2060 : memref<128x128xf32, #tpu.memory_space<hbm>>)
    %dma_wait3A_2064 = arith.constant 0 : i32
    %dma_wait3A_2065 = arith.constant 0 : i32
    %dma_wait3A_2066 = tpu.memref_slice %arg10[%dma_wait3A_2064, %dma_wait3A_2065] : memref<128x128xf32, #tpu.memory_space<vmem>> -> memref<128x128xf32, #tpu.memory_space<vmem>>
    %dma_wait3A_2067 = arith.constant 0 : i32
    %dma_wait3A_2068 = tpu.memref_slice %arg4[%add3A_1973, %dma_wait3A_2067] : memref<51200x128xf32, #tpu.memory_space<hbm>> -> memref<128x128xf32, #tpu.memory_space<hbm>>
    %dma_wait3A_2069 = arith.constant 0 : i32
    %dma_wait3A_2070 = tpu.memref_slice %arg4[%add3A_1973, %dma_wait3A_2069] : memref<51200x128xf32, #tpu.memory_space<hbm>> -> memref<128x128xf32, #tpu.memory_space<hbm>>
    %dma_wait3A_2071 = arith.constant 0 : i32
    %dma_wait3A_2072 = arith.constant 0 : i32
    %dma_wait3A_2073 = tpu.memref_slice %arg10[%dma_wait3A_2071, %dma_wait3A_2072] : memref<128x128xf32, #tpu.memory_space<vmem>> -> memref<128x128xf32, #tpu.memory_space<vmem>>
    tpu.wait_dma2 semaphore(%arg24 : memref<!tpu.dma_semaphore, #tpu.memory_space<semaphore_mem>>) src(%dma_wait3A_2073 : memref<128x128xf32, #tpu.memory_space<vmem>>) dst(%dma_wait3A_2070 : memref<128x128xf32, #tpu.memory_space<hbm>>)
    %dma_wait3A_2074 = arith.constant 0 : i32
    %dma_wait3A_2075 = arith.constant 0 : i32
    %dma_wait3A_2076 = tpu.memref_slice %arg11[%dma_wait3A_2074, %dma_wait3A_2075] : memref<128x128xf32, #tpu.memory_space<vmem>> -> memref<128x128xf32, #tpu.memory_space<vmem>>
    %dma_wait3A_2077 = arith.constant 0 : i32
    %dma_wait3A_2078 = tpu.memref_slice %arg4[%add3A_1993, %dma_wait3A_2077] : memref<51200x128xf32, #tpu.memory_space<hbm>> -> memref<128x128xf32, #tpu.memory_space<hbm>>
    %dma_wait3A_2079 = arith.constant 0 : i32
    %dma_wait3A_2080 = tpu.memref_slice %arg4[%add3A_1993, %dma_wait3A_2079] : memref<51200x128xf32, #tpu.memory_space<hbm>> -> memref<128x128xf32, #tpu.memory_space<hbm>>
    %dma_wait3A_2081 = arith.constant 0 : i32
    %dma_wait3A_2082 = arith.constant 0 : i32
    %dma_wait3A_2083 = tpu.memref_slice %arg11[%dma_wait3A_2081, %dma_wait3A_2082] : memref<128x128xf32, #tpu.memory_space<vmem>> -> memref<128x128xf32, #tpu.memory_space<vmem>>
    tpu.wait_dma2 semaphore(%arg25 : memref<!tpu.dma_semaphore, #tpu.memory_space<semaphore_mem>>) src(%dma_wait3A_2083 : memref<128x128xf32, #tpu.memory_space<vmem>>) dst(%dma_wait3A_2080 : memref<128x128xf32, #tpu.memory_space<hbm>>)
    %dma_wait3A_2084 = arith.constant 0 : i32
    %dma_wait3A_2085 = arith.constant 0 : i32
    %dma_wait3A_2086 = tpu.memref_slice %arg12[%dma_wait3A_2084, %dma_wait3A_2085] : memref<128x128xf32, #tpu.memory_space<vmem>> -> memref<64x128xf32, #tpu.memory_space<vmem>>
    %dma_wait3A_2087 = arith.constant 0 : i32
    %dma_wait3A_2088 = tpu.memref_slice %arg4[%add3A_2013, %dma_wait3A_2087] : memref<51200x128xf32, #tpu.memory_space<hbm>> -> memref<64x128xf32, #tpu.memory_space<hbm>>
    %dma_wait3A_2089 = arith.constant 0 : i32
    %dma_wait3A_2090 = tpu.memref_slice %arg4[%add3A_2013, %dma_wait3A_2089] : memref<51200x128xf32, #tpu.memory_space<hbm>> -> memref<64x128xf32, #tpu.memory_space<hbm>>
    %dma_wait3A_2091 = arith.constant 0 : i32
    %dma_wait3A_2092 = arith.constant 0 : i32
    %dma_wait3A_2093 = tpu.memref_slice %arg12[%dma_wait3A_2091, %dma_wait3A_2092] : memref<128x128xf32, #tpu.memory_space<vmem>> -> memref<64x128xf32, #tpu.memory_space<vmem>>
    tpu.wait_dma2 semaphore(%arg26 : memref<!tpu.dma_semaphore, #tpu.memory_space<semaphore_mem>>) src(%dma_wait3A_2093 : memref<64x128xf32, #tpu.memory_space<vmem>>) dst(%dma_wait3A_2090 : memref<64x128xf32, #tpu.memory_space<hbm>>)
    return
  }
}

</mosaic_0001>

<sc_bundles>
// kernel: kernel.3.cloned.1.call-start
scs
__scs_entry_jumppad:
0x0: {  	(pc) =	sbr.rel $0x88, $3  }
0x1: {  	(tag) =	ssettag $0x0;
	lr =	simm.s32 $0x1  }
0x2: {  	[smem:$0x3F9F] =	sst lr;
	_ =	strace $0xD0000000  }
0x3: {  	_ = 	snop  }
0x4: {  	_ = 	snop  }
0x5: {  	_ = 	snop  }
0x6: {  	_ = 	snop  }
0x7: {  	_ = 	snop  }
__scs_overlays_trampoline_lowered:
0x8: {  	[smem:$0x3FAE] =	sst s0  }
0x9: {  	[smem:$0x3FAF] =	sst s1  }
0xa: {  	[smem:$0x3FB0] =	sst s2  }
0xb: {  	[smem:$0x3FB1] =	sst s3  }
0xc: {  	[smem:$0x3FB2] =	sst s4  }
0xd: {  	[smem:$0x3FB3] =	sst s5  }
0xe: {  	[smem:$0x3FB4] =	sst s6  }
0xf: {  	[smem:$0x3FB5] =	sst s7  }
0x10: {  	[smem:$0x3FB6] =	sst s8  }
0x11: {  	[smem:$0x3FB7] =	sst s9;
	s0 =	simm.s32 @!p0 $0x0  }
0x12: {  	s1 =	sld [smem:$0x3F9D];
	s0 =	simm.s32 @p0 $0x1  }
0x13: {  	[smem:$0x3FB8] =	sst s0;
	s0 =	simm.s32 @!p1 $0x0  }
0x14: {  	s2 =	sld [smem:$0x3F9C];
	s0 =	simm.s32 @p1 $0x1  }
0x15: {  	[smem:$0x3FB9] =	sst s0;
	s0 =	simm.s32 @!p2 $0x0  }
0x16: {  	s3 =	sld [smem:$0x3FDB];
	s0 =	simm.s32 @p2 $0x1  }
0x17: {  	s4 =	simm.s32 $0x1BF5;
	[smem:$0x3FBB] =	sst s0  }
0x18: {  	s0 =	sld [smem:$0x3F9E];
	_ =	swait.ge [sflag:s4], $0x0  }
0x19: {  	s7 =	sld [smem:$0x3F9F]  }
0x1a: {  	s8 =	sadd.s32 $0xFFFFE003, lr  }
0x1b: {  	s9 =	sadd.s32 $0xFFFFFEF7, lr;
	s5 =	simm.s32 $0xFFFFFFFF;
	p2 =	slt.u32 s8, $0xFFFFF086  }
0x1c: {  	p1 =	slt.u32 s9, $0xF7A;
	s5 =	simm.s32 @!p2 $0x0  }
0x1d: {  	s5 =	simm.s32 @p1 $0x1;
	p0 =	seq.s32 s7, s2  }
0x1e: {  	s7 =	smul.u32 @!p0 $0xF7A, s2;
	p2 =	seq.s32 @!p0 s5, $0x0  }
0x1f: {  	s9 =	smul.u32 $0xF7A, s1;
	s8 =	simm.s32 @!p0 $0x1BF5;
	p2 =	por !p2, p0  }
0x20: {  	[sflag:s8] =	ssyncset.s32 @!p0 $0xFFFFF086;
	s6 =	sadd.s32 @!p0 s3, s7;
	s7 =	simm.s32 @!p0 $0x108  }
0x21: {  	s3 =	sadd.s32 s3, s9;
	s6 =	sadd.s32 @!p0 $0x88, s6;
	s7 =	simm.s32 @p2 $0x1082  }
0x22: {  	[simem:s7], [sflag:s8] =	dma.local @!p0 [hbm:s6], $0xF7A  }
0x23: {  	s9 =	sor.u32 $0xD0000000, s2;
	s6 =	simm.s32 $0x108;
	_ =	swait.ge @!p0 [sflag:s8], $0x0  }
0x24: {  	s3 =	sadd.s32 $0x88, s3;
	s6 =	simm.s32 @!p1 $0x1082;
	[sflag:s4] =	ssyncset.s32 $0xFFFFF086  }
0x25: {  	[simem:s6], [sflag:s4] =	dma.local [hbm:s3], $0xF7A  }
0x26: {  	[smem:$0x3F9F] =	sst s1;
	(tag) =	ssettag s2;
	_ =	strace s9  }
0x27: {  	s1 =	sld [smem:$0x3FAF]  }
0x28: {  	s2 =	sld [smem:$0x3FB0]  }
0x29: {  	s4 =	sld [smem:$0x3FB2]  }
0x2a: {  	p0 =	seq.s32 s5, $0x0;
	s5 =	sld [smem:$0x3FB3]  }
0x2b: {  	s6 =	sld [smem:$0x3FB4]  }
0x2c: {  	s7 =	sld [smem:$0x3FB5]  }
0x2d: {  	s3 =	simm.s32 $0x108;
	s8 =	sld [smem:$0x3FB6]  }
0x2e: {  	s3 =	simm.s32 @!p0 $0x1082;
	s9 =	sld [smem:$0x3FB7]  }
0x2f: {  	lr =	sadd.s32 s0, s3;
	s0 =	sld [smem:$0x3FAE]  }
0x30: {  	s3 =	sld [smem:$0x3FB1]  }
0x31: {  	[smem:$0x3FBA] =	sst s10  }
0x32: {  	s10 =	sld [smem:$0x3FB8];
	_ =	sdelay $0x3  }
0x33: {  	p0 =	seq.s32 s10, $0x1;
	s10 =	sld [smem:$0x3FBA];
	_ =	sdelay $0x3  }
0x34: {  	[smem:$0x3FBA] =	sst s10  }
0x35: {  	s10 =	sld [smem:$0x3FB9];
	_ =	sdelay $0x3  }
0x36: {  	p1 =	seq.s32 s10, $0x1;
	s10 =	sld [smem:$0x3FBA];
	_ =	sdelay $0x3  }
0x37: {  	[smem:$0x3FBA] =	sst s10  }
0x38: {  	s10 =	sld [smem:$0x3FBB]  }
0x39: {  	_ = 	snop;
	(pc) =	sbr.ind lr, $3  }
0x3a: {  	_ = 	snop  }
0x3b: {  	_ = 	snop  }
0x3c: {  	p2 =	seq.s32 s10, $0x1;
	s10 =	sld [smem:$0x3FBA]  }
0x3d: {  	_ =	shalt  }
0x3e: {  	_ =	shalt  }
0x3f: {  	_ =	shalt  }
0x40: {  	_ =	shalt  }
0x41: {  	_ =	shalt  }
0x42: {  	_ =	shalt  }
0x43: {  	_ =	shalt  }
0x44: {  	_ =	shalt  }
0x45: {  	_ =	shalt  }
0x46: {  	_ =	shalt  }
0x47: {  	_ =	shalt  }
0x48: {  	_ =	shalt  }
0x49: {  	_ =	shalt  }
0x4a: {  	_ =	shalt  }
0x4b: {  	_ =	shalt  }
0x4c: {  	_ =	shalt  }
0x4d: {  	_ =	shalt  }
0x4e: {  	_ =	shalt  }
0x4f: {  	_ =	shalt  }
0x50: {  	_ =	shalt  }
0x51: {  	_ =	shalt  }
0x52: {  	_ =	shalt  }
0x53: {  	_ =	shalt  }
0x54: {  	_ =	shalt  }
0x55: {  	_ =	shalt  }
0x56: {  	_ =	shalt  }
0x57: {  	_ =	shalt  }
0x58: {  	_ =	shalt  }
0x59: {  	_ =	shalt  }
0x5a: {  	_ =	shalt  }
0x5b: {  	_ =	shalt  }
0x5c: {  	_ =	shalt  }
0x5d: {  	_ =	shalt  }
0x5e: {  	_ =	shalt  }
0x5f: {  	_ =	shalt  }
0x60: {  	_ =	shalt  }
0x61: {  	_ =	shalt  }
0x62: {  	_ =	shalt  }
0x63: {  	_ =	shalt  }
0x64: {  	_ =	shalt  }
0x65: {  	_ =	shalt  }
0x66: {  	_ =	shalt  }
0x67: {  	_ =	shalt  }
0x68: {  	_ =	shalt  }
0x69: {  	_ =	shalt  }
0x6a: {  	_ =	shalt  }
0x6b: {  	_ =	shalt  }
0x6c: {  	_ =	shalt  }
0x6d: {  	_ =	shalt  }
0x6e: {  	_ =	shalt  }
0x6f: {  	_ =	shalt  }
0x70: {  	_ =	shalt  }
0x71: {  	_ =	shalt  }
0x72: {  	_ =	shalt  }
0x73: {  	_ =	shalt  }
0x74: {  	_ =	shalt  }
0x75: {  	_ =	shalt  }
0x76: {  	_ =	shalt  }
0x77: {  	_ =	shalt  }
0x78: {  	_ =	shalt  }
0x79: {  	_ =	shalt  }
0x7a: {  	_ =	shalt  }
0x7b: {  	_ =	shalt  }
0x7c: {  	_ =	shalt  }
0x7d: {  	_ =	shalt  }
0x7e: {  	_ =	shalt  }
0x7f: {  	_ =	shalt  }
0x80: {  	_ =	shalt  }
0x81: {  	_ =	shalt  }
0x82: {  	_ =	shalt  }
0x83: {  	_ =	shalt  }
0x84: {  	_ =	shalt  }
0x85: {  	_ =	shalt  }
0x86: {  	_ =	shalt  }
0x87: {  	_ =	shalt  }
.Lfunc_end0:
.L_simem_size_0:
called_computation_lowered:
.L_overlay_start_0:
0x88: {  	s2 =	sld [smem:$0x3FD9]  }
0x89: {  	s3 =	sld [smem:$0x3FFE];
	_ =	sdelay $0x1  }
0x8a: {  	s1 =	srdreg.scid  }
0x8b: {  	s0 =	sand.u32 $0x1, s1  }
0x8c: {  	s17 =	sshll.u32 s0, $0xA;
	s2 =	sadd.s32 s3, s2  }
0x8d: {  	s2 =	sadd.s32 s2, s17  }
0x8e: {  	[smem:$0x3FC6] =	sst s2  }
0x8f: {  	_ = 	snop  }
0x90: {  	s2 =	sld [smem:$0x3FC9]  }
0x91: {  	s18 =	sld [smem:$0x3FD0];
	(tm) =	ssettm $0x1  }
0x92: {  	s4 =	sld [smem:$0x3FFB];
	_ =	sdelay $0x3  }
0x93: {  	_ =	strace s4  }
0x94: {  	s4 =	sld [smem:$0x3FFC];
	_ =	sdelay $0x3  }
0x95: {  	_ =	strace s4  }
0x96: {  	s4 =	sld [smem:$0x3FFD];
	_ =	sdelay $0x3  }
0x97: {  	_ =	strace s4  }
0x98: {  	_ =	strace $0x8FFFFFFF  }
0x99: {  	s19 =	sld [smem:$0x3FDB];
	_ =	sdelay $0x1  }
0x9a: {  	s5 =	simm.s32 $_scs_section_size  }
0x9b: {  	s6 =	simm.s32 $_size__tile_overlayer_lowered;
	s7 =	simm.s32 $_tile_overlayer_lowered  }
0x9c: {  	s22 =	simm.s32 $0x1BFF;
	s21 =	sshll.u32 s7, $0x1;
	s4 =	sadd.s32 s5, s19  }
0x9d: {  	s8 =	simm.s32 $0x0;
	s20 =	sshll.u32 s6, $0x1;
	s6 =	sadd.s32 s21, s4  }
0x9e: {  	[timem:s8], [sflag:s22] =	dma.local [hbm:s6], s20  }
0x9f: {  	_ =	swait.ge [sflag:s22], s20  }
0xa0: {  	s5 =	ssub.s32 $0x0, s20;
	[sflag:s22] =	ssyncset.done $0x0  }
0xa1: {  	[sflag:s22] =	ssyncadd.s32 s5;
	_ =	sdelay $0x1  }
0xa2: {  	s23 =	simm.s32 $0x1B8B  }
0xa3: {  	_ =	swait.ge [sflag:s23], $0x1  }
0xa4: {  	[sflag:s23] =	ssyncset.done $0x0  }
0xa5: {  	s25 =	simm.s32 $0x1B8E;
	s24 =	sld [smem:$0x3FFE];
	[sflag:s23] =	ssyncadd.s32 $0xFFFFFFFF  }
0xa6: {  	s26 =	simm.s32 $execute0_lowered;
	[smem:$0x3FD2] =	sst s25  }
0xa7: {  	s6 =	sshll.u32 s26, $0x1;
	_ =	strace $0x80000046;
	[dreg:$0x1] =	wrdreg $0xFFFFFFFF  }
0xa8: {  	s28 =	simm.s32 $_size_execute0_lowered;
	s4 =	sadd.s32 s4, s6;
	[dreg:$0x0] =	wrdreg $0x0  }
0xa9: {  	s6 =	sshll.u32 s28, $0x1;
	[dreg:$0x2] =	wrdreg s4  }
0xaa: {  	[dreg:$0x3] =	wrdreg s6  }
0xab: {  	[dreg:$0x4] =	wrdreg $0xC0  }
0xac: {  	_ =	task [dreg:s8], $0x5FFFF  }
0xad: {  	[dreg:$0x1] =	wrdreg $0xFFFFFFFF  }
0xae: {  	[dreg:$0x0] =	wrdreg $0x60  }
0xaf: {  	[dreg:$0x2] =	wrdreg s2  }
0xb0: {  	[dreg:$0x3] =	wrdreg s24  }
0xb1: {  	[dreg:$0x4] =	wrdreg s18  }
0xb2: {  	[dreg:$0x5] =	wrdreg $0x9  }
0xb3: {  	_ =	task.clear_ibuf [dreg:s8], $0x6FFFF;
	_ =	strace $0x90000046  }
0xb4: {  	s29 =	simm.s32 $0x9;
	_ =	strace $0x80000048  }
0xb5: {  	_ =	swait.ge [sflag:s29], $0x1  }
0xb6: {  	[sflag:s29] =	ssyncadd.s32 $0xFFFFFFFF  }
0xb7: {  	_ =	strace $0x90000048  }
0xb8: {  	_ =	sfence  }
0xb9: {  	s30 =	sld [smem:$0x0];
	_ =	sdelay $0x2  }
0xba: {  	s31 =	sshll.u32 s1, $0xD;
	s1 =	sshrl.u32 s1, $0x2  }
0xbb: {  	s3 =	sand.u32 $0x4000, s31;
	s1 =	sadd.s32 s1, s30  }
0xbc: {  	s0 =	sor.u32 s3, s0;
	s1 =	sshll.u32 s1, $0x11  }
0xbd: {  	s0 =	sor.u32 s1, s0  }
0xbe: {  	s0 =	sadd.s32 $0x8F2B, s0  }
0xbf: {  	[sflag:s0] =	ssyncadd.remote.s32 $0x1  }
0xc0: {  	_ =	sfence.sel $0xFFFF  }
0xc1: {  	[dreg:$0x0] =	wrdreg $0xFFFFFFFF;
	(pc) =	sbr.abs _section_cstart, $3  }
0xc2: {  	[dreg:$0x1] =	wrdreg $0xFFFFFFFF  }
0xc3: {  	_ =	task.clear_ibuf [dreg:s8], $0x2FFFF;
	_ =	strace $0x9FFFFFFF  }
0xc4: {  	(tm) =	ssettm $0x7FFFFFFF  }
0xc5: {  	_ =	shalt  }
tec
execute0_lowered:
.L_overlay_start_1:
0x0: {  	(tag) =	ssettag $0x1  }
0x1: {  	s1 =	srdreg.scid;
	s0 =	stileid.u32  }
0x2: {  	s7 =	sand.u32 $0x1, s1;
	s15 =	sshll.u32 s0, $0x1  }
0x3: {  	s4 =	sor.u32 s7, s15  }
0x4: {  	s2 =	smul.u32 $0x640, s4  }
0x5: {  	v27 =	vlaneseq.u32  }
0x6: {  	v0 =	vor.u32 s2, v27  }
0x7: {  	v0 =	vand.u32 $0x3CF, v0  }
0x8: {  	s16 =	sor.u32 $0x10, s2;
	v0 =	vmul.u32 $0xC8, v0  }
0x9: {  	v1 =	vor.u32 s16, v27  }
0xa: {  	[tilespmem:$0x1FD60] =	vst v0;
	v0 =	vand.u32 $0x3DF, v1  }
0xb: {  	s17 =	sor.u32 $0x20, s2;
	v0 =	vmul.u32 $0xC8, v0  }
0xc: {  	v1 =	vor.u32 s17, v27  }
0xd: {  	[tilespmem:$0x1FD70] =	vst v0;
	v0 =	vand.u32 $0x3EF, v1  }
0xe: {  	s18 =	sor.u32 $0x30, s2;
	v0 =	vmul.u32 $0xC8, v0  }
0xf: {  	v1 =	vor.u32 s18, v27  }
0x10: {  	[tilespmem:$0x1FD80] =	vst v0;
	v0 =	vand.u32 $0x3FF, v1  }
0x11: {  	s19 =	sadd.s32 $0x40, s2;
	v0 =	vmul.u32 $0xC8, v0  }
0x12: {  	v1 =	vor.u32 s19, v27  }
0x13: {  	[tilespmem:$0x1FD90] =	vst v0;
	v0 =	vand.u32 $0x3CF, v1  }
0x14: {  	s20 =	sadd.s32 $0x50, s2;
	v0 =	vmul.u32 $0xC8, v0  }
0x15: {  	v1 =	vor.u32 s20, v27  }
0x16: {  	[tilespmem:$0x1FDA0] =	vst v0;
	v0 =	vand.u32 $0x3DF, v1  }
0x17: {  	s21 =	sadd.s32 $0x60, s2;
	v0 =	vmul.u32 $0xC8, v0  }
0x18: {  	v1 =	vor.u32 s21, v27  }
0x19: {  	[tilespmem:$0x1FDB0] =	vst v0;
	v0 =	vand.u32 $0x3EF, v1  }
0x1a: {  	s22 =	sadd.s32 $0x70, s2;
	v0 =	vmul.u32 $0xC8, v0  }
0x1b: {  	v1 =	vor.u32 s22, v27  }
0x1c: {  	[tilespmem:$0x1FDC0] =	vst v0;
	v0 =	vand.u32 $0x3FF, v1  }
0x1d: {  	s5 =	sadd.s32 $0x80, s2;
	v0 =	vmul.u32 $0xC8, v0  }
0x1e: {  	v1 =	vor.u32 s5, v27  }
0x1f: {  	[tilespmem:$0x1FDD0] =	vst v0;
	v0 =	vand.u32 $0x3CF, v1  }
0x20: {  	s23 =	sadd.s32 $0x90, s2;
	v0 =	vmul.u32 $0xC8, v0  }
0x21: {  	v1 =	vor.u32 s23, v27  }
0x22: {  	[tilespmem:$0x1FDE0] =	vst v0;
	v0 =	vand.u32 $0x3DF, v1  }
0x23: {  	s24 =	sadd.s32 $0xA0, s2;
	v0 =	vmul.u32 $0xC8, v0  }
0x24: {  	v1 =	vor.u32 s24, v27  }
0x25: {  	[tilespmem:$0x1FDF0] =	vst v0;
	v0 =	vand.u32 $0x3EF, v1  }
0x26: {  	s25 =	sadd.s32 $0xB0, s2;
	v0 =	vmul.u32 $0xC8, v0  }
0x27: {  	v1 =	vor.u32 s25, v27  }
0x28: {  	[tilespmem:$0x1FE00] =	vst v0;
	v0 =	vand.u32 $0x3FF, v1  }
0x29: {  	s26 =	sadd.s32 $0xC0, s2;
	v0 =	vmul.u32 $0xC8, v0  }
0x2a: {  	v1 =	vor.u32 s26, v27  }
0x2b: {  	[tilespmem:$0x1FE10] =	vst v0;
	v0 =	vand.u32 $0x3CF, v1  }
0x2c: {  	s0 =	sadd.s32 $0xD0, s2;
	v0 =	vmul.u32 $0xC8, v0  }
0x2d: {  	v1 =	vor.u32 s0, v27  }
0x2e: {  	[tilespmem:$0x1FE20] =	vst v0;
	v0 =	vand.u32 $0x3DF, v1  }
0x2f: {  	s3 =	sadd.s32 $0xE0, s2;
	v0 =	vmul.u32 $0xC8, v0  }
0x30: {  	v1 =	vor.u32 s3, v27  }
0x31: {  	[tilespmem:$0x1FE30] =	vst v0;
	v0 =	vand.u32 $0x3EF, v1  }
0x32: {  	s6 =	sadd.s32 $0xF0, s2;
	v0 =	vmul.u32 $0xC8, v0  }
0x33: {  	v1 =	vor.u32 s6, v27  }
0x34: {  	[tilespmem:$0x1FE40] =	vst v0;
	v0 =	vand.u32 $0x3FF, v1  }
0x35: {  	s6 =	sadd.s32 $0x100, s2;
	v0 =	vmul.u32 $0xC8, v0  }
0x36: {  	v1 =	vor.u32 s6, v27  }
0x37: {  	[tilespmem:$0x1FE50] =	vst v0;
	v0 =	vand.u32 $0x3CF, v1  }
0x38: {  	s8 =	sadd.s32 $0x110, s2;
	v0 =	vmul.u32 $0xC8, v0  }
0x39: {  	v1 =	vor.u32 s8, v27  }
0x3a: {  	[tilespmem:$0x1FE60] =	vst v0;
	v0 =	vand.u32 $0x3DF, v1  }
0x3b: {  	s9 =	sadd.s32 $0x120, s2;
	v0 =	vmul.u32 $0xC8, v0  }
0x3c: {  	v1 =	vor.u32 s9, v27  }
0x3d: {  	[tilespmem:$0x1FE70] =	vst v0;
	v0 =	vand.u32 $0x3EF, v1  }
0x3e: {  	s10 =	sadd.s32 $0x130, s2;
	v0 =	vmul.u32 $0xC8, v0  }
0x3f: {  	v1 =	vor.u32 s10, v27  }
0x40: {  	[tilespmem:$0x1FE80] =	vst v0;
	v0 =	vand.u32 $0x3FF, v1  }
0x41: {  	s11 =	sadd.s32 $0x140, s2;
	v0 =	vmul.u32 $0xC8, v0  }
0x42: {  	v1 =	vor.u32 s11, v27  }
0x43: {  	[tilespmem:$0x1FE90] =	vst v0;
	v0 =	vand.u32 $0x3CF, v1  }
0x44: {  	s12 =	sadd.s32 $0x150, s2;
	v0 =	vmul.u32 $0xC8, v0  }
0x45: {  	v1 =	vor.u32 s12, v27  }
0x46: {  	[tilespmem:$0x1FEA0] =	vst v0;
	v0 =	vand.u32 $0x3DF, v1  }
0x47: {  	s13 =	sadd.s32 $0x160, s2;
	v0 =	vmul.u32 $0xC8, v0  }
0x48: {  	v1 =	vor.u32 s13, v27  }
0x49: {  	[tilespmem:$0x1FEB0] =	vst v0;
	v0 =	vand.u32 $0x3EF, v1  }
0x4a: {  	s14 =	sadd.s32 $0x170, s2;
	v0 =	vmul.u32 $0xC8, v0  }
0x4b: {  	v1 =	vor.u32 s14, v27  }
0x4c: {  	[tilespmem:$0x1FEC0] =	vst v0;
	v0 =	vand.u32 $0x3FF, v1  }
0x4d: {  	s8 =	sadd.s32 $0x180, s2;
	v0 =	vmul.u32 $0xC8, v0  }
0x4e: {  	v1 =	vor.u32 s8, v27  }
0x4f: {  	[tilespmem:$0x1FED0] =	vst v0;
	v0 =	vand.u32 $0x3CF, v1  }
0x50: {  	s15 =	sadd.s32 $0x190, s2;
	v0 =	vmul.u32 $0xC8, v0  }
0x51: {  	v1 =	vor.u32 s15, v27  }
0x52: {  	[tilespmem:$0x1FEE0] =	vst v0;
	v0 =	vand.u32 $0x3DF, v1  }
0x53: {  	s16 =	sadd.s32 $0x1A0, s2;
	v0 =	vmul.u32 $0xC8, v0  }
0x54: {  	v1 =	vor.u32 s16, v27  }
0x55: {  	[tilespmem:$0x1FEF0] =	vst v0;
	v0 =	vand.u32 $0x3EF, v1  }
0x56: {  	s17 =	sadd.s32 $0x1B0, s2;
	v0 =	vmul.u32 $0xC8, v0  }
0x57: {  	v1 =	vor.u32 s17, v27  }
0x58: {  	[tilespmem:$0x1FF00] =	vst v0;
	v0 =	vand.u32 $0x3FF, v1  }
0x59: {  	s18 =	sadd.s32 $0x1C0, s2;
	v0 =	vmul.u32 $0xC8, v0  }
0x5a: {  	v1 =	vor.u32 s18, v27  }
0x5b: {  	[tilespmem:$0x1FF10] =	vst v0;
	v0 =	vand.u32 $0x3CF, v1  }
0x5c: {  	s19 =	sadd.s32 $0x1D0, s2;
	v0 =	vmul.u32 $0xC8, v0  }
0x5d: {  	v1 =	vor.u32 s19, v27  }
0x5e: {  	[tilespmem:$0x1FF20] =	vst v0;
	v0 =	vand.u32 $0x3DF, v1  }
0x5f: {  	s20 =	sadd.s32 $0x1E0, s2;
	v0 =	vmul.u32 $0xC8, v0  }
0x60: {  	v1 =	vor.u32 s20, v27  }
0x61: {  	[tilespmem:$0x1FF30] =	vst v0;
	v0 =	vand.u32 $0x3EF, v1  }
0x62: {  	s21 =	sadd.s32 $0x1F0, s2;
	v0 =	vmul.u32 $0xC8, v0  }
0x63: {  	v1 =	vor.u32 s21, v27  }
0x64: {  	[tilespmem:$0x1FF40] =	vst v0;
	v0 =	vand.u32 $0x3FF, v1  }
0x65: {  	s9 =	sadd.s32 $0x200, s2;
	v0 =	vmul.u32 $0xC8, v0  }
0x66: {  	v1 =	vor.u32 s9, v27  }
0x67: {  	[tilespmem:$0x1FF50] =	vst v0;
	v0 =	vand.u32 $0x3CF, v1  }
0x68: {  	s22 =	sadd.s32 $0x210, s2;
	v0 =	vmul.u32 $0xC8, v0  }
0x69: {  	v1 =	vor.u32 s22, v27  }
0x6a: {  	[tilespmem:$0x1FF60] =	vst v0;
	v0 =	vand.u32 $0x3DF, v1  }
0x6b: {  	s23 =	sadd.s32 $0x220, s2;
	v0 =	vmul.u32 $0xC8, v0  }
0x6c: {  	v1 =	vor.u32 s23, v27  }
0x6d: {  	[tilespmem:$0x1FF70] =	vst v0;
	v0 =	vand.u32 $0x3EF, v1  }
0x6e: {  	s24 =	sadd.s32 $0x230, s2;
	v0 =	vmul.u32 $0xC8, v0  }
0x6f: {  	v1 =	vor.u32 s24, v27  }
0x70: {  	[tilespmem:$0x1FF80] =	vst v0;
	v0 =	vand.u32 $0x3FF, v1  }
0x71: {  	s25 =	sadd.s32 $0x240, s2;
	v0 =	vmul.u32 $0xC8, v0  }
0x72: {  	v1 =	vor.u32 s25, v27  }
0x73: {  	[tilespmem:$0x1FF90] =	vst v0;
	v0 =	vand.u32 $0x3CF, v1  }
0x74: {  	s26 =	sadd.s32 $0x250, s2;
	v0 =	vmul.u32 $0xC8, v0  }
0x75: {  	v1 =	vor.u32 s26, v27  }
0x76: {  	[tilespmem:$0x1FFA0] =	vst v0;
	v0 =	vand.u32 $0x3DF, v1  }
0x77: {  	s0 =	sadd.s32 $0x260, s2;
	v0 =	vmul.u32 $0xC8, v0  }
0x78: {  	v1 =	vor.u32 s0, v27  }
0x79: {  	[tilespmem:$0x1FFB0] =	vst v0;
	v0 =	vand.u32 $0x3EF, v1  }
0x7a: {  	s3 =	sadd.s32 $0x270, s2;
	v0 =	vmul.u32 $0xC8, v0  }
0x7b: {  	v1 =	vor.u32 s3, v27  }
0x7c: {  	[tilespmem:$0x1FFC0] =	vst v0;
	v0 =	vand.u32 $0x3FF, v1  }
0x7d: {  	s28 =	sadd.s32 $0x450, s2;
	s29 =	sadd.s32 $0x460, s2;
	s11 =	sadd.s32 $0x280, s2;
	v0 =	vmul.u32 $0xC8, v0  }
0x7e: {  	s30 =	sadd.s32 $0x470, s2;
	s31 =	sadd.s32 $0x490, s2;
	v5 =	vor.u32 s28, v27;
	v6 =	vor.u32 s29, v27;
	v1 =	vor.u32 s11, v27  }
0x7f: {  	v7 =	vor.u32 s30, v27;
	v9 =	vor.u32 s31, v27;
	[tilespmem:$0x1FFD0] =	vst v0;
	v0 =	vand.u32 $0x3CF, v1  }
0x80: {  	s7 =	ssub.s32 $0x2, s7;
	v5 =	vand.u32 $0x3DF, v5;
	v6 =	vand.u32 $0x3EF, v6;
	s10 =	sadd.s32 $0x290, s2;
	v0 =	vmul.u32 $0xC8, v0  }
0x81: {  	v7 =	vand.u32 $0x3FF, v7;
	v9 =	vand.u32 $0x3DF, v9;
	s23 =	sshrl.u32 s7, $0x1;
	v1 =	vor.u32 s10, v27  }
0x82: {  	v5 =	vmul.u32 $0xC8, v5;
	v6 =	vmul.u32 $0xC8, v6;
	s7 =	ssub.s32 s7, s23;
	s23 =	sadd.s32 $0x4F0, s2;
	[tilespmem:$0x1FFE0] =	vst v0;
	v0 =	vand.u32 $0x3DF, v1  }
0x83: {  	v7 =	vmul.u32 $0xC8, v7;
	s12 =	sadd.s32 $0x2A0, s2;
	v15 =	vor.u32 s23, v27;
	v0 =	vmul.u32 $0xC8, v0  }
0x84: {  	v9 =	vmul.u32 $0xC8, v9;
	s13 =	sadd.s32 $0x2B0, s2;
	v15 =	vand.u32 $0x3FF, v15;
	v1 =	vor.u32 s12, v27  }
0x85: {  	s14 =	sadd.s32 $0x2C0, s2;
	v15 =	vmul.u32 $0xC8, v15;
	[tilespmem:$0x1FFF0] =	vst v0;
	v0 =	vand.u32 $0x3EF, v1;
	v1 =	vor.u32 s13, v27  }
0x86: {  	s15 =	sadd.s32 $0x2D0, s2;
	v42 =	vmul.u32 $0xC8, v0;
	v0 =	vand.u32 $0x3FF, v1;
	v1 =	vor.u32 s14, v27  }
0x87: {  	s16 =	sadd.s32 $0x2E0, s2;
	v43 =	vmul.u32 $0xC8, v0;
	v0 =	vand.u32 $0x3CF, v1;
	v1 =	vor.u32 s15, v27  }
0x88: {  	s17 =	sadd.s32 $0x2F0, s2;
	s14 =	rddreg [dreg:$0x1];
	s15 =	sshrl.u32 s2, $0x3;
	v44 =	vmul.u32 $0xC8, v0;
	v0 =	vand.u32 $0x3DF, v1;
	v1 =	vor.u32 s16, v27  }
0x89: {  	s14 =	sadd.s32 s15, s14;
	s15 =	sadd.s32 $0x5B0, s2;
	v45 =	vmul.u32 $0xC8, v0;
	v0 =	vand.u32 $0x3EF, v1;
	v1 =	vor.u32 s17, v27  }
0x8a: {  	s1 =	rddreg [dreg:$0x0];
	s18 =	sadd.s32 $0x320, s2;
	s12 =	sadd.s32 $0x300, s2;
	v28 =	vor.u32 s15, v27;
	v46 =	vmul.u32 $0xC8, v0;
	v0 =	vand.u32 $0x3FF, v1  }
0x8b: {  	s19 =	sadd.s32 $0x330, s2;
	s9 =	sshll.u32 s9, $0x4;
	s3 =	sadd.s32 $0x310, s2;
	v1 =	vor.u32 s12, v27;
	v28 =	vand.u32 $0x3FF, v28;
	v47 =	vmul.u32 $0xC8, v0  }
0x8c: {  	s11 =	sshll.u32 s11, $0x4;
	s10 =	rddreg [dreg:$0x2];
	v0 =	vand.u32 $0x3CF, v1;
	v1 =	vor.u32 s3, v27;
	s3 =	simm.s32 $0x0;
	v28 =	vmul.u32 $0xC8, v28  }
0x8d: {  	s9 =	sadd.s32 s10, s9;
	s11 =	sadd.s32 s10, s11;
	v48 =	vmul.u32 $0xC8, v0;
	v0 =	vand.u32 $0x3DF, v1;
	v1 =	vor.u32 s18, v27;
	[smem:$0x7FF] =	sst s3  }
0x8e: {  	s13 =	sadd.s32 $0x340, s2;
	v49 =	vmul.u32 $0xC8, v0;
	v0 =	vand.u32 $0x3EF, v1;
	v1 =	vor.u32 s19, v27;
	_ =	strace $0x80000047;
	[dreg:$0x9] =	wrdreg s9  }
0x8f: {  	s9 =	sadd.s32 $0x560, s2;
	[dreg:$0xa] =	wrdreg s11;
	s11 =	sadd.s32 $0x580, s2;
	v50 =	vmul.u32 $0xC8, v0;
	v0 =	vand.u32 $0x3FF, v1;
	v1 =	vor.u32 s13, v27  }
0x90: {  	s20 =	sadd.s32 $0x350, s2;
	v22 =	vor.u32 s9, v27;
	v24 =	vor.u32 s11, v27;
	v51 =	vmul.u32 $0xC8, v0  }
0x91: {  	v0 =	vand.u32 $0x3CF, v1;
	v1 =	vor.u32 s20, v27;
	v22 =	vand.u32 $0x3EF, v22  }
0x92: {  	s28 =	simm.s32 $0xC00;
	s21 =	sadd.s32 $0x360, s2;
	s20 =	sadd.s32 $0x4B0, s2;
	v24 =	vand.u32 $0x3CF, v24;
	v52 =	vmul.u32 $0xC8, v0;
	v0 =	vand.u32 $0x3DF, v1  }
0x93: {  	s29 =	simm.s32 $0xD;
	s30 =	simm.s32 $0x40;
	s31 =	simm.s32 $0xC80;
	v1 =	vor.u32 s21, v27;
	v11 =	vor.u32 s20, v27;
	v22 =	vmul.u32 $0xC8, v22  }
0x94: {  	s5 =	sshll.u32 s5, $0x4;
	s22 =	sadd.s32 $0x370, s2;
	s21 =	sadd.s32 $0x420, s2;
	v24 =	vmul.u32 $0xC8, v24;
	v53 =	vmul.u32 $0xC8, v0;
	v0 =	vand.u32 $0x3EF, v1  }
0x95: {  	s24 =	sadd.s32 $0x3A0, s2;
	s25 =	sadd.s32 $0x3B0, s2;
	s20 =	sadd.s32 $0x5E0, s2;
	v1 =	vor.u32 s22, v27;
	v2 =	vor.u32 s21, v27;
	v11 =	vand.u32 $0x3FF, v11  }
0x96: {  	s26 =	sadd.s32 $0x3C0, s2;
	s13 =	sadd.s32 $0x380, s2;
	s22 =	sadd.s32 $0x430, s2;
	v31 =	vor.u32 s20, v27;
	v54 =	vmul.u32 $0xC8, v0;
	v0 =	vand.u32 $0x3FF, v1  }
0x97: {  	s0 =	sadd.s32 $0x3D0, s2;
	s5 =	sadd.s32 s10, s5;
	s21 =	sadd.s32 $0x4E0, s2;
	v1 =	vor.u32 s13, v27;
	v2 =	vand.u32 $0x3EF, v2;
	v3 =	vor.u32 s22, v27  }
0x98: {  	s16 =	sadd.s32 $0x390, s2;
	s14 =	sadd.s32 $0x400, s14;
	s17 =	sadd.s32 $0x3E0, s2;
	v11 =	vmul.u32 $0xC8, v11;
	v14 =	vor.u32 s21, v27;
	v31 =	vand.u32 $0x3EF, v31  }
0x99: {  	s15 =	simm.s32 $0x18D00;
	s12 =	sshll.u32 s12, $0x4;
	s18 =	sadd.s32 $0x3F0, s2;
	v55 =	vmul.u32 $0xC8, v0;
	v0 =	vand.u32 $0x3CF, v1;
	v1 =	vor.u32 s16, v27  }
0x9a: {  	s22 =	sshll.u32 s8, $0x4;
	s8 =	sadd.s32 $0x550, s2;
	s21 =	sadd.s32 $0x5F0, s2;
	v2 =	vmul.u32 $0xC8, v2;
	v3 =	vand.u32 $0x3FF, v3;
	v14 =	vand.u32 $0x3EF, v14  }
0x9b: {  	[dreg:$0x4] =	wrdreg s14;
	s14 =	sadd.s32 $0x400, s2;
	s19 =	sadd.s32 $0x410, s2;
	v21 =	vor.u32 s8, v27;
	v32 =	vor.u32 s21, v27;
	v31 =	vmul.u32 $0xC8, v31  }
0x9c: {  	[dreg:$0x6] =	wrdreg s5;
	s16 =	smul.u32 $0x6400, s4;
	s4 =	sadd.s32 $0x480, s2;
	v56 =	vmul.u32 $0xC8, v0;
	v0 =	vand.u32 $0x3DF, v1;
	v1 =	vor.u32 s24, v27  }
0x9d: {  	s23 =	sshll.u32 s11, $0x4;
	s9 =	simm.s32 $0x8D00;
	s11 =	simm.s32 $0x10D00;
	v3 =	vmul.u32 $0xC8, v3;
	v8 =	vor.u32 s4, v27;
	v14 =	vmul.u32 $0xC8, v14  }
0x9e: {  	s20 =	simm.s32 $0x5;
	s13 =	sshll.u32 s13, $0x4;
	s24 =	sadd.s32 $0x440, s2;
	v21 =	vand.u32 $0x3DF, v21;
	v32 =	vand.u32 $0x3FF, v32;
	v57 =	vmul.u32 $0xC8, v0  }
0x9f: {  	s13 =	sadd.s32 s10, s13;
	s8 =	simm.s32 $0x4D00;
	s21 =	simm.s32 $0xA;
	v0 =	vand.u32 $0x3EF, v1;
	v1 =	vor.u32 s25, v27;
	v4 =	vor.u32 s24, v27  }
0xa0: {  	[dreg:$0xc] =	wrdreg s13;
	s4 =	sshll.u32 s4, $0x4;
	s13 =	simm.s32 $0x700;
	v8 =	vand.u32 $0x3CF, v8;
	v21 =	vmul.u32 $0xC8, v21;
	v32 =	vmul.u32 $0xC8, v32  }
0xa1: {  	s25 =	sadd.s32 $0x500, s2;
	s24 =	sadd.s32 $0x540, s2;
	s4 =	sadd.s32 s10, s4;
	v58 =	vmul.u32 $0xC8, v0;
	v0 =	vand.u32 $0x3FF, v1;
	v1 =	vor.u32 s26, v27  }
0xa2: {  	[dreg:$0x13] =	wrdreg s13;
	s13 =	simm.s32 $0x14D00;
	v4 =	vand.u32 $0x3CF, v4;
	s26 =	sadd.s32 $0x510, s2;
	v8 =	vmul.u32 $0xC8, v8;
	v16 =	vor.u32 s25, v27  }
0xa3: {  	[dreg:$0xe] =	wrdreg s4;
	v20 =	vor.u32 s24, v27;
	s24 =	sadd.s32 $0x620, s2;
	s4 =	smax.u32 s7, $0x1;
	v59 =	vmul.u32 $0xC8, v0;
	v0 =	vand.u32 $0x3CF, v1  }
0xa4: {  	s7 =	simm.s32 $0xD00;
	v1 =	vor.u32 s0, v27;
	v4 =	vmul.u32 $0xC8, v4;
	s0 =	sadd.s32 s10, s12;
	s12 =	sadd.s32 $0x590, s2;
	v17 =	vor.u32 s26, v27  }
0xa5: {  	v60 =	vmul.u32 $0xC8, v0;
	v0 =	vand.u32 $0x3DF, v1;
	v1 =	vor.u32 s17, v27;
	s17 =	sadd.s32 s10, s16;
	s16 =	sadd.s32 $0x4C0, s2;
	[dreg:$0xb] =	wrdreg s0  }
0xa6: {  	v16 =	vand.u32 $0x3CF, v16;
	v20 =	vand.u32 $0x3CF, v20;
	s0 =	sshll.u32 s25, $0x4;
	s25 =	sadd.s32 s10, s23;
	s23 =	sadd.s32 $0x610, s2;
	v25 =	vor.u32 s12, v27  }
0xa7: {  	s12 =	simm.s32 $0x1;
	v61 =	vmul.u32 $0xC8, v0;
	v0 =	vand.u32 $0x3EF, v1;
	v1 =	vor.u32 s18, v27;
	s18 =	sadd.s32 $0x4A0, s2;
	[dreg:$0x5] =	wrdreg s17  }
0xa8: {  	v35 =	vor.u32 s24, v27;
	s17 =	sadd.s32 $0x4D0, s2;
	v12 =	vor.u32 s16, v27;
	s16 =	sadd.s32 $0x5C0, s2;
	[dreg:$0x10] =	wrdreg s25;
	v34 =	vor.u32 s23, v27  }
0xa9: {  	s25 =	simm.s32 $0x880;
	s23 =	simm.s32 $0xB;
	v62 =	vmul.u32 $0xC8, v0;
	v0 =	vand.u32 $0x3FF, v1;
	v10 =	vor.u32 s18, v27;
	s18 =	sadd.s32 $0x5A0, s2  }
0xaa: {  	v1 =	vor.u32 s14, v27;
	v13 =	vor.u32 s17, v27;
	s17 =	sadd.s32 $0x5D0, s2;
	s14 =	sshll.u32 s14, $0x4;
	[dreg:$0x16] =	wrdreg s25;
	v29 =	vor.u32 s16, v27  }
0xab: {  	s16 =	simm.s32 $0x3;
	s25 =	simm.s32 $0xA80;
	v63 =	vmul.u32 $0xC8, v0;
	v0 =	vand.u32 $0x3CF, v1;
	v1 =	vor.u32 s19, v27;
	s19 =	sshll.u32 s6, $0x4  }
0xac: {  	v17 =	vand.u32 $0x3DF, v17;
	v16 =	vmul.u32 $0xC8, v16;
	v20 =	vmul.u32 $0xC8, v20;
	s6 =	sadd.s32 s10, s22;
	s22 =	sadd.s32 s10, s14;
	s14 =	sadd.s32 s10, s0  }
0xad: {  	v35 =	vand.u32 $0x3EF, v35;
	v26 =	vor.u32 s18, v27;
	v30 =	vor.u32 s17, v27;
	s17 =	simm.s32 $0x8;
	s18 =	simm.s32 $0x4;
	[dreg:$0x1a] =	wrdreg s25  }
0xae: {  	v17 =	vmul.u32 $0xC8, v17;
	v25 =	vand.u32 $0x3DF, v25;
	v12 =	vand.u32 $0x3CF, v12;
	s25 =	simm.s32 $0x7;
	s5 =	sadd.s32 s10, s19;
	[dreg:$0x8] =	wrdreg s6  }
0xaf: {  	v25 =	vmul.u32 $0xC8, v25;
	v34 =	vand.u32 $0x3DF, v34;
	v10 =	vand.u32 $0x3EF, v10;
	s6 =	sadd.s32 $0x530, s2;
	s19 =	sadd.s32 $0x570, s2;
	[dreg:$0xd] =	wrdreg s22  }
0xb0: {  	v13 =	vand.u32 $0x3DF, v13;
	v12 =	vmul.u32 $0xC8, v12;
	v29 =	vand.u32 $0x3CF, v29;
	s22 =	sadd.s32 $0x600, s2;
	[dreg:$0xf] =	wrdreg s14;
	s14 =	simm.s32 $0x780  }
0xb1: {  	v0 =	vmul.u32 $0xC8, v0;
	v1 =	vand.u32 $0x3DF, v1;
	v10 =	vmul.u32 $0xC8, v10;
	[dreg:$0x7] =	wrdreg s5;
	s5 =	sadd.s32 $0x520, s2;
	s26 =	sshll.u32 s22, $0x4  }
0xb2: {  	v13 =	vmul.u32 $0xC8, v13;
	v26 =	vand.u32 $0x3EF, v26;
	s2 =	sadd.s32 $0x630, s2;
	v23 =	vor.u32 s19, v27;
	[dreg:$0x14] =	wrdreg s14;
	s19 =	simm.s32 $0x800  }
0xb3: {  	v30 =	vand.u32 $0x3DF, v30;
	v29 =	vmul.u32 $0xC8, v29;
	v19 =	vor.u32 s6, v27;
	s6 =	simm.s32 $0x80;
	s0 =	sadd.s32 s10, s26;
	[dreg:$0x15] =	wrdreg s19  }
0xb4: {  	v1 =	vmul.u32 $0xC8, v1;
	v26 =	vmul.u32 $0xC8, v26;
	s14 =	simm.s32 $0x2;
	v30 =	vmul.u32 $0xC8, v30;
	s10 =	simm.s32 $0x680;
	[dreg:$0x11] =	wrdreg s0  }
0xb5: {  	v33 =	vor.u32 s22, v27;
	s22 =	simm.s32 $0x6;
	v18 =	vor.u32 s5, v27;
	v19 =	vand.u32 $0x3FF, v19;
	s26 =	simm.s32 $0x900;
	[dreg:$0x12] =	wrdreg s10  }
0xb6: {  	s5 =	simm.s32 $0xF;
	v23 =	vand.u32 $0x3FF, v23;
	s19 =	simm.s32 $0xA00;
	v33 =	vand.u32 $0x3CF, v33;
	v27 =	vor.u32 s2, v27;
	[dreg:$0x17] =	wrdreg s26  }
0xb7: {  	s2 =	simm.s32 $0xE;
	v18 =	vand.u32 $0x3EF, v18;
	v19 =	vmul.u32 $0xC8, v19;
	v23 =	vmul.u32 $0xC8, v23;
	s0 =	simm.s32 $0x980;
	[dreg:$0x19] =	wrdreg s19  }
0xb8: {  	s10 =	simm.s32 $0xCD00;
	s26 =	simm.s32 $0xB00;
	v33 =	vmul.u32 $0xC8, v33;
	v36 =	vand.u32 $0x3FF, v27;
	v27 =	vmul.u32 $0xC8, v34;
	[dreg:$0x18] =	wrdreg s0  }
0xb9: {  	s19 =	simm.s32 $0x9;
	v34 =	vmul.u32 $0xC8, v35;
	v18 =	vmul.u32 $0xC8, v18;
	[dreg:$0x1b] =	wrdreg s26;
	s26 =	simm.s32 $0xC;
	v35 =	vmul.u32 $0xC8, v36  }
.LBB2_1:
0xba: {  	s0 =	rddreg [dreg:$0x4]  }
0xbb: {  	[tilespmem:s3], [sflag:$0xF] =	stream.linear.gather [hbm4b:s0+s3], $0x640, $0x38;
	[tilespmem:$0x1CD00] =	vst v63  }
0xbc: {  	_ =	swait.ge [sflag:s5], $0x640  }
0xbd: {  	[sflag:s5] =	ssyncset.done $0x0  }
0xbe: {  	v41 =	vld [tilespmem:$0x1FD60];
	[sflag:s5] =	ssyncadd.s32 $0xFFFFF9C0  }
0xbf: {  	v36 =	vld [tilespmem:$0x0];
	_ =	sdelay $0x4  }
0xc0: {  	v37 =	vld [tilespmem:$0x10];
	v36 =	vadd.s32 v41, v36  }
0xc1: {  	[tilespmem:$0x680] =	vst v36;
	v36 =	vld [tilespmem:$0x1FD70];
	_ =	sdelay $0x4  }
0xc2: {  	v38 =	vld [tilespmem:$0x20];
	v36 =	vadd.s32 v36, v37  }
0xc3: {  	[tilespmem:$0x690] =	vst v36;
	v36 =	vld [tilespmem:$0x1FD80];
	_ =	sdelay $0x4  }
0xc4: {  	v39 =	vld [tilespmem:$0x30];
	v36 =	vadd.s32 v36, v38  }
0xc5: {  	[tilespmem:$0x6A0] =	vst v36;
	v36 =	vld [tilespmem:$0x1FD90];
	_ =	sdelay $0x4  }
0xc6: {  	v40 =	vld [tilespmem:$0x40];
	v36 =	vadd.s32 v36, v39  }
0xc7: {  	[tilespmem:$0x6B0] =	vst v36;
	v36 =	vld [tilespmem:$0x1FDA0];
	_ =	sdelay $0x4  }
0xc8: {  	v41 =	vld [tilespmem:$0x50];
	v36 =	vadd.s32 v36, v40  }
0xc9: {  	[tilespmem:$0x6C0] =	vst v36;
	v36 =	vld [tilespmem:$0x1FDB0];
	_ =	sdelay $0x4  }
0xca: {  	v37 =	vld [tilespmem:$0x60];
	v36 =	vadd.s32 v36, v41  }
0xcb: {  	[tilespmem:$0x6D0] =	vst v36;
	v36 =	vld [tilespmem:$0x1FDC0];
	_ =	sdelay $0x4  }
0xcc: {  	v38 =	vld [tilespmem:$0x70];
	v36 =	vadd.s32 v36, v37  }
0xcd: {  	[tilespmem:$0x6E0] =	vst v36;
	v36 =	vld [tilespmem:$0x1FDD0];
	_ =	sdelay $0x4  }
0xce: {  	v39 =	vld [tilespmem:$0x80];
	v36 =	vadd.s32 v36, v38  }
0xcf: {  	[tilespmem:$0x6F0] =	vst v36;
	v36 =	vld [tilespmem:$0x1FDE0];
	_ =	sdelay $0x4  }
0xd0: {  	v40 =	vld [tilespmem:$0x90];
	v36 =	vadd.s32 v36, v39  }
0xd1: {  	[tilespmem:$0x700] =	vst v36;
	v36 =	vld [tilespmem:$0x1FDF0];
	_ =	sdelay $0x4  }
0xd2: {  	v41 =	vld [tilespmem:$0xA0];
	v36 =	vadd.s32 v36, v40  }
0xd3: {  	[tilespmem:$0x710] =	vst v36;
	v36 =	vld [tilespmem:$0x1FE00];
	_ =	sdelay $0x4  }
0xd4: {  	v37 =	vld [tilespmem:$0xB0];
	v36 =	vadd.s32 v36, v41  }
0xd5: {  	[tilespmem:$0x720] =	vst v36;
	v36 =	vld [tilespmem:$0x1FE10];
	_ =	sdelay $0x4  }
0xd6: {  	v38 =	vld [tilespmem:$0xC0];
	v36 =	vadd.s32 v36, v37  }
0xd7: {  	[tilespmem:$0x730] =	vst v36;
	v36 =	vld [tilespmem:$0x1FE20];
	_ =	sdelay $0x4  }
0xd8: {  	v39 =	vld [tilespmem:$0xD0];
	v36 =	vadd.s32 v36, v38  }
0xd9: {  	[tilespmem:$0x740] =	vst v36;
	v36 =	vld [tilespmem:$0x1FE30];
	_ =	sdelay $0x4  }
0xda: {  	v40 =	vld [tilespmem:$0xE0];
	v36 =	vadd.s32 v36, v39  }
0xdb: {  	[tilespmem:$0x750] =	vst v36;
	v36 =	vld [tilespmem:$0x1FE40];
	_ =	sdelay $0x4  }
0xdc: {  	v41 =	vld [tilespmem:$0xF0];
	v36 =	vadd.s32 v36, v40  }
0xdd: {  	[tilespmem:$0x760] =	vst v36;
	v36 =	vld [tilespmem:$0x1FE50];
	_ =	sdelay $0x4  }
0xde: {  	v37 =	vld [tilespmem:$0x100];
	v36 =	vadd.s32 v36, v41  }
0xdf: {  	[tilespmem:$0x770] =	vst v36;
	v36 =	vld [tilespmem:$0x1FE60];
	_ =	sdelay $0x4  }
0xe0: {  	v38 =	vld [tilespmem:$0x110];
	v36 =	vadd.s32 v36, v37  }
0xe1: {  	[tilespmem:$0x780] =	vst v36;
	v36 =	vld [tilespmem:$0x1FE70];
	_ =	sdelay $0x4  }
0xe2: {  	v39 =	vld [tilespmem:$0x120];
	v36 =	vadd.s32 v36, v38  }
0xe3: {  	[tilespmem:$0x790] =	vst v36;
	v36 =	vld [tilespmem:$0x1FE80];
	_ =	sdelay $0x4  }
0xe4: {  	v40 =	vld [tilespmem:$0x130];
	v36 =	vadd.s32 v36, v39  }
0xe5: {  	[tilespmem:$0x7A0] =	vst v36;
	v36 =	vld [tilespmem:$0x1FE90];
	_ =	sdelay $0x4  }
0xe6: {  	v41 =	vld [tilespmem:$0x140];
	v36 =	vadd.s32 v36, v40  }
0xe7: {  	[tilespmem:$0x7B0] =	vst v36;
	v36 =	vld [tilespmem:$0x1FEA0];
	_ =	sdelay $0x4  }
0xe8: {  	v37 =	vld [tilespmem:$0x150];
	v36 =	vadd.s32 v36, v41  }
0xe9: {  	[tilespmem:$0x7C0] =	vst v36;
	v36 =	vld [tilespmem:$0x1FEB0];
	_ =	sdelay $0x4  }
0xea: {  	v38 =	vld [tilespmem:$0x160];
	v36 =	vadd.s32 v36, v37  }
0xeb: {  	[tilespmem:$0x7D0] =	vst v36;
	v36 =	vld [tilespmem:$0x1FEC0];
	_ =	sdelay $0x4  }
0xec: {  	v39 =	vld [tilespmem:$0x170];
	v36 =	vadd.s32 v36, v38  }
0xed: {  	[tilespmem:$0x7E0] =	vst v36;
	v36 =	vld [tilespmem:$0x1FED0];
	_ =	sdelay $0x4  }
0xee: {  	v40 =	vld [tilespmem:$0x180];
	v36 =	vadd.s32 v36, v39  }
0xef: {  	[tilespmem:$0x7F0] =	vst v36;
	v36 =	vld [tilespmem:$0x1FEE0];
	_ =	sdelay $0x4  }
0xf0: {  	v41 =	vld [tilespmem:$0x190];
	v36 =	vadd.s32 v36, v40  }
0xf1: {  	[tilespmem:$0x800] =	vst v36;
	v36 =	vld [tilespmem:$0x1FEF0];
	_ =	sdelay $0x4  }
0xf2: {  	v37 =	vld [tilespmem:$0x1A0];
	v36 =	vadd.s32 v36, v41  }
0xf3: {  	[tilespmem:$0x810] =	vst v36;
	v36 =	vld [tilespmem:$0x1FF00];
	_ =	sdelay $0x4  }
0xf4: {  	v38 =	vld [tilespmem:$0x1B0];
	v36 =	vadd.s32 v36, v37  }
0xf5: {  	[tilespmem:$0x820] =	vst v36;
	v36 =	vld [tilespmem:$0x1FF10];
	_ =	sdelay $0x4  }
0xf6: {  	v39 =	vld [tilespmem:$0x1C0];
	v36 =	vadd.s32 v36, v38  }
0xf7: {  	[tilespmem:$0x830] =	vst v36;
	v36 =	vld [tilespmem:$0x1FF20];
	_ =	sdelay $0x4  }
0xf8: {  	v40 =	vld [tilespmem:$0x1D0];
	v36 =	vadd.s32 v36, v39  }
0xf9: {  	[tilespmem:$0x840] =	vst v36;
	v36 =	vld [tilespmem:$0x1FF30];
	_ =	sdelay $0x4  }
0xfa: {  	v41 =	vld [tilespmem:$0x1E0];
	v36 =	vadd.s32 v36, v40  }
0xfb: {  	[tilespmem:$0x850] =	vst v36;
	v36 =	vld [tilespmem:$0x1FF40];
	_ =	sdelay $0x4  }
0xfc: {  	v37 =	vld [tilespmem:$0x1F0];
	v36 =	vadd.s32 v36, v41  }
0xfd: {  	[tilespmem:$0x860] =	vst v36;
	v36 =	vld [tilespmem:$0x1FF50];
	_ =	sdelay $0x4  }
0xfe: {  	v38 =	vld [tilespmem:$0x200];
	v36 =	vadd.s32 v36, v37  }
0xff: {  	[tilespmem:$0x870] =	vst v36;
	v36 =	vld [tilespmem:$0x1FF60];
	_ =	sdelay $0x4  }
0x100: {  	v39 =	vld [tilespmem:$0x210];
	v36 =	vadd.s32 v36, v38  }
0x101: {  	[tilespmem:$0x880] =	vst v36;
	v36 =	vld [tilespmem:$0x1FF70];
	_ =	sdelay $0x4  }
0x102: {  	v40 =	vld [tilespmem:$0x220];
	v36 =	vadd.s32 v36, v39  }
0x103: {  	[tilespmem:$0x890] =	vst v36;
	v36 =	vld [tilespmem:$0x1FF80];
	_ =	sdelay $0x4  }
0x104: {  	v41 =	vld [tilespmem:$0x230];
	v36 =	vadd.s32 v36, v40  }
0x105: {  	[tilespmem:$0x8A0] =	vst v36;
	v36 =	vld [tilespmem:$0x1FF90];
	_ =	sdelay $0x4  }
0x106: {  	v37 =	vld [tilespmem:$0x240];
	v36 =	vadd.s32 v36, v41  }
0x107: {  	[tilespmem:$0x8B0] =	vst v36;
	v36 =	vld [tilespmem:$0x1FFA0];
	_ =	sdelay $0x4  }
0x108: {  	v38 =	vld [tilespmem:$0x250];
	v36 =	vadd.s32 v36, v37  }
0x109: {  	[tilespmem:$0x8C0] =	vst v36;
	v36 =	vld [tilespmem:$0x1FFB0];
	_ =	sdelay $0x4  }
0x10a: {  	v39 =	vld [tilespmem:$0x260];
	v36 =	vadd.s32 v36, v38  }
0x10b: {  	[tilespmem:$0x8D0] =	vst v36;
	v36 =	vld [tilespmem:$0x1FFC0];
	_ =	sdelay $0x4  }
0x10c: {  	v40 =	vld [tilespmem:$0x270];
	v36 =	vadd.s32 v36, v39  }
0x10d: {  	[tilespmem:$0x8E0] =	vst v36;
	v36 =	vld [tilespmem:$0x1FFD0];
	_ =	sdelay $0x4  }
0x10e: {  	v41 =	vld [tilespmem:$0x280];
	v36 =	vadd.s32 v36, v40  }
0x10f: {  	[tilespmem:$0x8F0] =	vst v36;
	v36 =	vld [tilespmem:$0x1FFE0];
	_ =	sdelay $0x4  }
0x110: {  	v37 =	vld [tilespmem:$0x290];
	v36 =	vadd.s32 v36, v41  }
0x111: {  	[tilespmem:$0x900] =	vst v36;
	v36 =	vld [tilespmem:$0x1FFF0]  }
0x112: {  	v38 =	vld [tilespmem:$0x2A0]  }
0x113: {  	v39 =	vld [tilespmem:$0x2B0]  }
0x114: {  	v40 =	vld [tilespmem:$0x2C0]  }
0x115: {  	v41 =	vld [tilespmem:$0x2D0]  }
0x116: {  	v36 =	vadd.s32 v36, v37;
	v37 =	vld [tilespmem:$0x2E0]  }
0x117: {  	[tilespmem:$0x910] =	vst v36;
	v36 =	vadd.s32 v42, v38;
	v38 =	vld [tilespmem:$0x2F0]  }
0x118: {  	[tilespmem:$0x920] =	vst v36;
	v36 =	vadd.s32 v43, v39;
	v39 =	vld [tilespmem:$0x300]  }
0x119: {  	[tilespmem:$0x930] =	vst v36;
	v36 =	vadd.s32 v44, v40;
	v40 =	vld [tilespmem:$0x310]  }
0x11a: {  	[tilespmem:$0x940] =	vst v36;
	v36 =	vadd.s32 v45, v41;
	v41 =	vld [tilespmem:$0x320]  }
0x11b: {  	[tilespmem:$0x950] =	vst v36;
	v36 =	vadd.s32 v46, v37;
	v37 =	vld [tilespmem:$0x330]  }
0x11c: {  	[tilespmem:$0x960] =	vst v36;
	v36 =	vadd.s32 v47, v38;
	v38 =	vld [tilespmem:$0x340]  }
0x11d: {  	[tilespmem:$0x970] =	vst v36;
	v36 =	vadd.s32 v48, v39;
	v39 =	vld [tilespmem:$0x350]  }
0x11e: {  	[tilespmem:$0x980] =	vst v36;
	v36 =	vadd.s32 v49, v40;
	v40 =	vld [tilespmem:$0x360]  }
0x11f: {  	[tilespmem:$0x990] =	vst v36;
	v36 =	vadd.s32 v50, v41;
	v41 =	vld [tilespmem:$0x370]  }
0x120: {  	[tilespmem:$0x9A0] =	vst v36;
	v36 =	vadd.s32 v51, v37;
	v37 =	vld [tilespmem:$0x380]  }
0x121: {  	[tilespmem:$0x9B0] =	vst v36;
	v36 =	vadd.s32 v52, v38;
	v38 =	vld [tilespmem:$0x390]  }
0x122: {  	[tilespmem:$0x9C0] =	vst v36;
	v36 =	vadd.s32 v53, v39;
	v39 =	vld [tilespmem:$0x3A0]  }
0x123: {  	[tilespmem:$0x9D0] =	vst v36;
	v36 =	vadd.s32 v54, v40;
	v40 =	vld [tilespmem:$0x3B0]  }
0x124: {  	[tilespmem:$0x9E0] =	vst v36;
	v36 =	vadd.s32 v55, v41;
	v41 =	vld [tilespmem:$0x3C0]  }
0x125: {  	[tilespmem:$0x9F0] =	vst v36;
	v36 =	vadd.s32 v56, v37;
	v37 =	vld [tilespmem:$0x3D0]  }
0x126: {  	[tilespmem:$0xA00] =	vst v36;
	v36 =	vadd.s32 v57, v38;
	v38 =	vld [tilespmem:$0x3E0]  }
0x127: {  	[tilespmem:$0xA10] =	vst v36;
	v36 =	vadd.s32 v58, v39;
	v39 =	vld [tilespmem:$0x3F0]  }
0x128: {  	[tilespmem:$0xA20] =	vst v36;
	v36 =	vadd.s32 v59, v40;
	v40 =	vld [tilespmem:$0x400]  }
0x129: {  	[tilespmem:$0xA30] =	vst v36;
	v36 =	vadd.s32 v60, v41;
	v41 =	vld [tilespmem:$0x410]  }
0x12a: {  	[tilespmem:$0xA40] =	vst v36;
	v36 =	vadd.s32 v61, v37;
	v37 =	vld [tilespmem:$0x420]  }
0x12b: {  	[tilespmem:$0xA50] =	vst v36;
	v36 =	vadd.s32 v62, v38;
	v38 =	vld [tilespmem:$0x430]  }
0x12c: {  	[tilespmem:$0xA60] =	vst v36;
	v36 =	vadd.s32 v63, v39;
	v39 =	vld [tilespmem:$0x440]  }
0x12d: {  	[tilespmem:$0xA70] =	vst v36;
	v36 =	vadd.s32 v0, v40;
	v40 =	vld [tilespmem:$0x450]  }
0x12e: {  	[tilespmem:$0xA80] =	vst v36;
	v36 =	vadd.s32 v1, v41;
	v41 =	vld [tilespmem:$0x460]  }
0x12f: {  	[tilespmem:$0xA90] =	vst v36;
	v36 =	vadd.s32 v2, v37;
	v37 =	vld [tilespmem:$0x470]  }
0x130: {  	[tilespmem:$0xAA0] =	vst v36;
	v36 =	vadd.s32 v3, v38;
	v38 =	vld [tilespmem:$0x480]  }
0x131: {  	[tilespmem:$0xAB0] =	vst v36;
	v36 =	vadd.s32 v4, v39;
	v39 =	vld [tilespmem:$0x490]  }
0x132: {  	[tilespmem:$0xAC0] =	vst v36;
	v36 =	vadd.s32 v5, v40;
	v40 =	vld [tilespmem:$0x4A0]  }
0x133: {  	[tilespmem:$0xAD0] =	vst v36;
	v36 =	vadd.s32 v6, v41;
	v41 =	vld [tilespmem:$0x4B0]  }
0x134: {  	[tilespmem:$0xAE0] =	vst v36;
	v36 =	vadd.s32 v7, v37;
	v37 =	vld [tilespmem:$0x4C0]  }
0x135: {  	[tilespmem:$0xAF0] =	vst v36;
	v36 =	vadd.s32 v8, v38;
	v38 =	vld [tilespmem:$0x4D0]  }
0x136: {  	[tilespmem:$0xB00] =	vst v36;
	v36 =	vadd.s32 v9, v39;
	v39 =	vld [tilespmem:$0x4E0]  }
0x137: {  	[tilespmem:$0xB10] =	vst v36;
	v36 =	vadd.s32 v10, v40;
	v40 =	vld [tilespmem:$0x4F0]  }
0x138: {  	[tilespmem:$0xB20] =	vst v36;
	v36 =	vadd.s32 v11, v41;
	v41 =	vld [tilespmem:$0x500]  }
0x139: {  	[tilespmem:$0xB30] =	vst v36;
	v36 =	vadd.s32 v12, v37;
	v37 =	vld [tilespmem:$0x510]  }
0x13a: {  	[tilespmem:$0xB40] =	vst v36;
	v36 =	vadd.s32 v13, v38;
	v38 =	vld [tilespmem:$0x520]  }
0x13b: {  	[tilespmem:$0xB50] =	vst v36;
	v36 =	vadd.s32 v14, v39;
	v39 =	vld [tilespmem:$0x530]  }
0x13c: {  	[tilespmem:$0xB60] =	vst v36;
	v36 =	vadd.s32 v15, v40;
	v40 =	vld [tilespmem:$0x540]  }
0x13d: {  	[tilespmem:$0xB70] =	vst v36;
	v36 =	vadd.s32 v16, v41;
	v41 =	vld [tilespmem:$0x550]  }
0x13e: {  	[tilespmem:$0xB80] =	vst v36;
	v36 =	vadd.s32 v17, v37;
	v37 =	vld [tilespmem:$0x560]  }
0x13f: {  	[tilespmem:$0xB90] =	vst v36;
	v36 =	vadd.s32 v18, v38;
	v38 =	vld [tilespmem:$0x570]  }
0x140: {  	[tilespmem:$0xBA0] =	vst v36;
	v36 =	vadd.s32 v19, v39;
	v39 =	vld [tilespmem:$0x580]  }
0x141: {  	[tilespmem:$0xBB0] =	vst v36;
	v36 =	vadd.s32 v20, v40;
	v40 =	vld [tilespmem:$0x590]  }
0x142: {  	[tilespmem:$0xBC0] =	vst v36;
	v36 =	vadd.s32 v21, v41;
	v41 =	vld [tilespmem:$0x5A0]  }
0x143: {  	[tilespmem:$0xBD0] =	vst v36;
	v36 =	vadd.s32 v22, v37;
	v37 =	vld [tilespmem:$0x5B0]  }
0x144: {  	[tilespmem:$0xBE0] =	vst v36;
	v36 =	vadd.s32 v23, v38;
	v38 =	vld [tilespmem:$0x5C0]  }
0x145: {  	[tilespmem:$0xBF0] =	vst v36;
	v36 =	vadd.s32 v24, v39;
	v39 =	vld [tilespmem:$0x5D0]  }
0x146: {  	[tilespmem:$0xC00] =	vst v36;
	v36 =	vadd.s32 v25, v40;
	v40 =	vld [tilespmem:$0x5E0]  }
0x147: {  	[tilespmem:$0xC10] =	vst v36;
	v36 =	vadd.s32 v26, v41;
	v41 =	vld [tilespmem:$0x5F0]  }
0x148: {  	[tilespmem:$0xC20] =	vst v36;
	v36 =	vadd.s32 v28, v37;
	v37 =	vld [tilespmem:$0x600]  }
0x149: {  	[tilespmem:$0xC30] =	vst v36;
	v36 =	vadd.s32 v29, v38;
	v38 =	vld [tilespmem:$0x610]  }
0x14a: {  	[tilespmem:$0xC40] =	vst v36;
	v36 =	vadd.s32 v30, v39;
	v39 =	vld [tilespmem:$0x620]  }
0x14b: {  	[tilespmem:$0xC50] =	vst v36;
	v36 =	vadd.s32 v31, v40;
	v40 =	vld [tilespmem:$0x630]  }
0x14c: {  	[tilespmem:$0xC60] =	vst v36;
	v41 =	vadd.s32 v32, v41  }
0x14d: {  	[tilespmem:$0xC70] =	vst v41;
	v41 =	vadd.s32 v33, v37  }
0x14e: {  	[tilespmem:$0xC80] =	vst v41;
	v41 =	vadd.s32 v27, v38  }
0x14f: {  	[tilespmem:$0xC90] =	vst v41;
	v41 =	vadd.s32 v34, v39  }
0x150: {  	[tilespmem:$0xCA0] =	vst v41;
	v41 =	vadd.s32 v35, v40  }
0x151: {  	s0 =	rddreg [dreg:$0x12];
	[tilespmem:$0xCB0] =	vst v41  }
0x152: {  	[tilespmem:s7], [sflag:$0x1] =	stream.indirect.gather [hbm4b:s1+s6], $0x80, s0, s6, $0xb8;
	[tilespmem:$0x1CD00] =	vst v63  }
0x153: {  	s24 =	rddreg [dreg:$0x13]  }
0x154: {  	[tilespmem:s8], [sflag:$0x2] =	stream.indirect.gather [hbm4b:s1+s6], $0x80, s24, s6, $0xb8;
	[tilespmem:$0x1CD00] =	vst v63  }
0x155: {  	s0 =	rddreg [dreg:$0x14]  }
0x156: {  	[tilespmem:s9], [sflag:$0x3] =	stream.indirect.gather [hbm4b:s1+s6], $0x80, s0, s6, $0xb8;
	[tilespmem:$0x1CD00] =	vst v63  }
0x157: {  	s24 =	rddreg [dreg:$0x15]  }
0x158: {  	[tilespmem:s10], [sflag:$0x4] =	stream.indirect.gather [hbm4b:s1+s6], $0x80, s24, s6, $0xb8;
	[tilespmem:$0x1CD00] =	vst v63  }
0x159: {  	s0 =	rddreg [dreg:$0x16]  }
0x15a: {  	[tilespmem:s11], [sflag:$0x5] =	stream.indirect.gather [hbm4b:s1+s6], $0x80, s0, s6, $0xb8;
	[tilespmem:$0x1CD00] =	vst v63  }
0x15b: {  	_ =	swait.ge [sflag:s12], $0x4000  }
0x15c: {  	[sflag:s12] =	ssyncset.done $0x0  }
0x15d: {  	s0 =	rddreg [dreg:$0x5];
	[sflag:s12] =	ssyncadd.s32 $0xFFFFC000  }
0x15e: {  	[hbm4b:s0+s3] =	stream.linear.scatter [tilespmem:s7], [sflag:$0x8], $0x4000, $0x38;
	[tilespmem:$0x1CD00] =	vst v63  }
0x15f: {  	s24 =	rddreg [dreg:$0x17]  }
0x160: {  	[tilespmem:s13], [sflag:$0x6] =	stream.indirect.gather [hbm4b:s1+s6], $0x80, s24, s6, $0xb8;
	[tilespmem:$0x1CD00] =	vst v63  }
0x161: {  	_ =	swait.ge [sflag:s14], $0x4000  }
0x162: {  	[sflag:s14] =	ssyncset.done $0x0  }
0x163: {  	s0 =	rddreg [dreg:$0x6];
	[sflag:s14] =	ssyncadd.s32 $0xFFFFC000  }
0x164: {  	[hbm4b:s0+s3] =	stream.linear.scatter [tilespmem:s8], [sflag:$0x9], $0x4000, $0x38;
	[tilespmem:$0x1CD00] =	vst v63  }
0x165: {  	s24 =	rddreg [dreg:$0x18]  }
0x166: {  	[tilespmem:s15], [sflag:$0x7] =	stream.indirect.gather [hbm4b:s1+s6], $0x80, s24, s6, $0xb8;
	[tilespmem:$0x1CD00] =	vst v63  }
0x167: {  	_ =	swait.ge [sflag:s16], $0x4000  }
0x168: {  	[sflag:s16] =	ssyncset.done $0x0  }
0x169: {  	s24 =	rddreg [dreg:$0x7];
	[sflag:s16] =	ssyncadd.s32 $0xFFFFC000  }
0x16a: {  	[hbm4b:s24+s3] =	stream.linear.scatter [tilespmem:s9], [sflag:$0xA], $0x4000, $0x38;
	[tilespmem:$0x1CD00] =	vst v63  }
0x16b: {  	_ =	swait.ge [sflag:s17], $0x4000  }
0x16c: {  	[sflag:s17] =	ssyncset.done $0x0  }
0x16d: {  	s24 =	rddreg [dreg:$0x19];
	[sflag:s17] =	ssyncadd.s32 $0xFFFFC000  }
0x16e: {  	[tilespmem:s7], [sflag:$0x1] =	stream.indirect.gather [hbm4b:s1+s6], $0x80, s24, s6, $0xb8;
	[tilespmem:$0x1CD00] =	vst v63  }
0x16f: {  	_ =	swait.ge [sflag:s18], $0x4000  }
0x170: {  	[sflag:s18] =	ssyncset.done $0x0  }
0x171: {  	s24 =	rddreg [dreg:$0x8];
	[sflag:s18] =	ssyncadd.s32 $0xFFFFC000  }
0x172: {  	[hbm4b:s24+s3] =	stream.linear.scatter [tilespmem:s10], [sflag:$0xB], $0x4000, $0x38;
	[tilespmem:$0x1CD00] =	vst v63  }
0x173: {  	_ =	swait.ge [sflag:s19], $0x4000  }
0x174: {  	[sflag:s19] =	ssyncset.done $0x0  }
0x175: {  	s24 =	rddreg [dreg:$0x1a];
	[sflag:s19] =	ssyncadd.s32 $0xFFFFC000  }
0x176: {  	[tilespmem:s8], [sflag:$0x2] =	stream.indirect.gather [hbm4b:s1+s6], $0x80, s24, s6, $0xb8;
	[tilespmem:$0x1CD00] =	vst v63  }
0x177: {  	_ =	swait.ge [sflag:s20], $0x4000  }
0x178: {  	[sflag:s20] =	ssyncset.done $0x0  }
0x179: {  	s24 =	rddreg [dreg:$0x9];
	[sflag:s20] =	ssyncadd.s32 $0xFFFFC000  }
0x17a: {  	[hbm4b:s24+s3] =	stream.linear.scatter [tilespmem:s11], [sflag:$0xC], $0x4000, $0x38;
	[tilespmem:$0x1CD00] =	vst v63  }
0x17b: {  	_ =	swait.ge [sflag:s21], $0x4000  }
0x17c: {  	[sflag:s21] =	ssyncset.done $0x0  }
0x17d: {  	s24 =	rddreg [dreg:$0x1b];
	[sflag:s21] =	ssyncadd.s32 $0xFFFFC000  }
0x17e: {  	[tilespmem:s9], [sflag:$0x3] =	stream.indirect.gather [hbm4b:s1+s6], $0x80, s24, s6, $0xb8;
	[tilespmem:$0x1CD00] =	vst v63  }
0x17f: {  	_ =	swait.ge [sflag:s22], $0x4000  }
0x180: {  	[sflag:s22] =	ssyncset.done $0x0  }
0x181: {  	s24 =	rddreg [dreg:$0xa];
	[sflag:s22] =	ssyncadd.s32 $0xFFFFC000  }
0x182: {  	[hbm4b:s24+s3] =	stream.linear.scatter [tilespmem:s13], [sflag:$0xD], $0x4000, $0x38;
	[tilespmem:$0x1CD00] =	vst v63  }
0x183: {  	_ =	swait.ge [sflag:s23], $0x4000  }
0x184: {  	[sflag:s23] =	ssyncset.done $0x0  }
0x185: {  	s24 =	simm.s32 $0xB80;
	[sflag:s23] =	ssyncadd.s32 $0xFFFFC000  }
0x186: {  	[tilespmem:s10], [sflag:$0x4] =	stream.indirect.gather [hbm4b:s1+s6], $0x80, s24, s6, $0xb8;
	[tilespmem:$0x1CD00] =	vst v63  }
0x187: {  	_ =	swait.ge [sflag:s25], $0x4000  }
0x188: {  	[sflag:s25] =	ssyncset.done $0x0  }
0x189: {  	s24 =	rddreg [dreg:$0xb];
	[sflag:s25] =	ssyncadd.s32 $0xFFFFC000  }
0x18a: {  	[hbm4b:s24+s3] =	stream.linear.scatter [tilespmem:s15], [sflag:$0xE], $0x4000, $0x38;
	[tilespmem:$0x1CD00] =	vst v63  }
0x18b: {  	_ =	swait.ge [sflag:s26], $0x4000  }
0x18c: {  	[sflag:s26] =	ssyncset.done $0x0  }
0x18d: {  	[sflag:s26] =	ssyncadd.s32 $0xFFFFC000  }
0x18e: {  	[tilespmem:s11], [sflag:$0x5] =	stream.indirect.gather [hbm4b:s1+s6], $0x80, s28, s6, $0xb8;
	[tilespmem:$0x1CD00] =	vst v63  }
0x18f: {  	_ =	swait.ge [sflag:s12], $0x4000  }
0x190: {  	[sflag:s12] =	ssyncset.done $0x0  }
0x191: {  	s24 =	rddreg [dreg:$0xc];
	[sflag:s12] =	ssyncadd.s32 $0xFFFFC000  }
0x192: {  	[hbm4b:s24+s3] =	stream.linear.scatter [tilespmem:s7], [sflag:$0x8], $0x4000, $0x38;
	[tilespmem:$0x1CD00] =	vst v63  }
0x193: {  	_ =	swait.ge [sflag:s29], $0x4000  }
0x194: {  	[sflag:s29] =	ssyncset.done $0x0  }
0x195: {  	[sflag:s29] =	ssyncadd.s32 $0xFFFFC000  }
0x196: {  	[tilespmem:s13], [sflag:$0x6] =	stream.indirect.gather [hbm4b:s1+s30], $0x80, s31, s30, $0xb8;
	[tilespmem:$0x1CD00] =	vst v63  }
0x197: {  	_ =	swait.ge [sflag:s14], $0x4000  }
0x198: {  	[sflag:s14] =	ssyncset.done $0x0  }
0x199: {  	s24 =	rddreg [dreg:$0xd];
	[sflag:s14] =	ssyncadd.s32 $0xFFFFC000  }
0x19a: {  	[hbm4b:s24+s3] =	stream.linear.scatter [tilespmem:s8], [sflag:$0x9], $0x4000, $0x38;
	[tilespmem:$0x1CD00] =	vst v63  }
0x19b: {  	_ =	swait.ge [sflag:s16], $0x4000  }
0x19c: {  	[sflag:s16] =	ssyncset.done $0x0  }
0x19d: {  	s24 =	rddreg [dreg:$0xe];
	[sflag:s16] =	ssyncadd.s32 $0xFFFFC000  }
0x19e: {  	[hbm4b:s24+s3] =	stream.linear.scatter [tilespmem:s9], [sflag:$0xA], $0x4000, $0x38;
	[tilespmem:$0x1CD00] =	vst v63  }
0x19f: {  	_ =	swait.ge [sflag:s18], $0x4000  }
0x1a0: {  	[sflag:s18] =	ssyncset.done $0x0  }
0x1a1: {  	s24 =	rddreg [dreg:$0xf];
	[sflag:s18] =	ssyncadd.s32 $0xFFFFC000  }
0x1a2: {  	[hbm4b:s24+s3] =	stream.linear.scatter [tilespmem:s10], [sflag:$0xB], $0x4000, $0x38;
	[tilespmem:$0x1CD00] =	vst v63  }
0x1a3: {  	_ =	swait.ge [sflag:s20], $0x4000  }
0x1a4: {  	[sflag:s20] =	ssyncset.done $0x0  }
0x1a5: {  	s24 =	rddreg [dreg:$0x10];
	[sflag:s20] =	ssyncadd.s32 $0xFFFFC000  }
0x1a6: {  	[hbm4b:s24+s3] =	stream.linear.scatter [tilespmem:s11], [sflag:$0xC], $0x4000, $0x38;
	[tilespmem:$0x1CD00] =	vst v63  }
0x1a7: {  	_ =	swait.ge [sflag:s22], $0x2000  }
0x1a8: {  	[sflag:s22] =	ssyncset.done $0x0  }
0x1a9: {  	s24 =	rddreg [dreg:$0x11];
	[sflag:s22] =	ssyncadd.s32 $0xFFFFE000  }
0x1aa: {  	[hbm4b:s24+s3] =	stream.linear.scatter [tilespmem:s13], [sflag:$0xD], $0x2000, $0x38;
	[tilespmem:$0x1CD00] =	vst v63  }
0x1ab: {  	_ =	swait.ge [sflag:s2], $0x4000  }
0x1ac: {  	[sflag:s2] =	ssyncset.done $0x0  }
0x1ad: {  	[sflag:s2] =	ssyncadd.s32 $0xFFFFC000  }
0x1ae: {  	_ =	swait.ge [sflag:s17], $0x4000  }
0x1af: {  	[sflag:s17] =	ssyncset.done $0x0  }
0x1b0: {  	[sflag:s17] =	ssyncadd.s32 $0xFFFFC000  }
0x1b1: {  	_ =	swait.ge [sflag:s19], $0x4000  }
0x1b2: {  	[sflag:s19] =	ssyncset.done $0x0  }
0x1b3: {  	[sflag:s19] =	ssyncadd.s32 $0xFFFFC000  }
0x1b4: {  	_ =	swait.ge [sflag:s21], $0x4000  }
0x1b5: {  	[sflag:s21] =	ssyncset.done $0x0  }
0x1b6: {  	[sflag:s21] =	ssyncadd.s32 $0xFFFFC000  }
0x1b7: {  	_ =	swait.ge [sflag:s23], $0x4000  }
0x1b8: {  	[sflag:s23] =	ssyncset.done $0x0  }
0x1b9: {  	[sflag:s23] =	ssyncadd.s32 $0xFFFFC000  }
0x1ba: {  	p0 =	sne.s32 s4, $0x1;
	_ =	swait.ge [sflag:s26], $0x4000  }
.Ltmp0:
0x1bb: {  	[sflag:s26] =	ssyncset.done $0x0;
	(pc) =	sbr.rel @p0 .LBB2_1-.Ltmp0, $4  }
0x1bc: {  	[sflag:s26] =	ssyncadd.s32 $0xFFFFC000  }
0x1bd: {  	_ =	swait.ge [sflag:s29], $0x2000  }
0x1be: {  	[sflag:s29] =	ssyncset.done $0x0  }
0x1bf: {  	s4 =	sadd.s32 $0xFFFFFFFF, s4;
	[sflag:s29] =	ssyncadd.s32 $0xFFFFE000  }
0x1c0: {  	_ =	sfence.sel $0x180000  }
0x1c1: {  	[bflag:$0x0] =	sbarrier.arrive $0xFFFF  }
0x1c2: {  	_ =	strace $0x90000047  }
0x1c3: {  	s0 =	stileid.u32;
	[bflag:$0x2] =	sbarrier.arrive $0xFFFF  }
0x1c4: {  	p0 =	sne.s32 s0, $0x0;
	s0 =	rddreg [dreg:$0x3]  }
0x1c5: {  	s0 =	sadd.s32 @!p0 $0x100000, s0  }
0x1c6: {  	[sflag:s0] =	ssyncadd.tile.s32 @!p0 $0x1;
	_ =	shalt  }
.Lfunc_end2:
_tile_overlayer_lowered:
.L_overlay_start_2:
0x1c7: {  	(tag) =	ssettag $0x2  }
0x1c8: {  	s0 =	rddreg [dreg:$0x0];
	s2 =	stileid.u32  }
0x1c9: {  	s1 =	rddreg [dreg:$0x1];
	p0 =	sne.s32 s2, $0x0  }
0x1ca: {  	s3 =	rddreg [dreg:$0x2];
	[bflag:$0x3] =	sbarrier.arrive $0xFFFF;
	s2 =	simm.s32 @!p0 $0x1C0F  }
0x1cb: {  	[timem:s3], [sflag:s2] =	dma.local @!p0 [hbm:s0], s1  }
0x1cc: {  	s0 =	simm.s32 @!p0 $0xF  }
0x1cd: {  	_ =	swait.ge @!p0 [sflag:s0], s1  }
0x1ce: {  	s1 =	ssub.s32 @!p0 $0x0, s1;
	[sflag:s0] =	ssyncset.done @!p0 $0x0  }
0x1cf: {  	[sflag:s0] =	ssyncadd.s32 @!p0 s1  }
0x1d0: {  	[bflag:$0x3] =	sbarrier.arrive $0xFFFF  }
0x1d1: {  	_ =	shalt  }

</sc_bundles>
